<compile_context>
chip_gen: v7x
topology: tpu7x:2x2x1
jax: 0.10.2.dev20260603
libtpu: 0.0.44.dev20260713+nightly
codegen_flags: <defaults>
</compile_context>

<pallas_src>
import functools

import jax
import jax.numpy as jnp
from jax import lax
from jax.experimental import pallas as pl
from jax.experimental.pallas import tpu as pltpu
from jax.experimental.pallas import tpu_sc as plsc

N_USERS = 5000
N_ITEMS = 5000
N = N_USERS + N_ITEMS
NPAD = 10240
E = 320000
BLK = 80
EROWS = E // BLK
NC = 2
NS = 16
NW = NC * NS
NBLK = EROWS // NW
RPT = NPAD // NS
NB = 2
NT = (NBLK - 1) // (2 * NB)


def _sc_mesh():
  return plsc.VectorSubcoreMesh(core_axis_name="c", subcore_axis_name="s")


_SC_PARAMS = pltpu.CompilerParams(use_tc_tiling_on_sc=False)


DEGW = 8


@functools.partial(
    pl.kernel,
    out_type=jax.ShapeDtypeStruct((NC, NPAD, DEGW), jnp.float32),
    mesh=_sc_mesh(),
    scratch_types=[
        pltpu.VMEM((NBLK, BLK), jnp.int32),
        pltpu.VMEM((BLK, DEGW), jnp.float32),
        pltpu.SemaphoreType.DMA,
        pltpu.VMEM_SHARED((NPAD, DEGW), jnp.float32),
    ],
    compiler_params=pltpu.CompilerParams(use_tc_tiling_on_sc=False),
)
def _sc_deg(dst_hbm, ones_hbm, zero_hbm, out_hbm, didx, ones_v, sem, acc):
  c = lax.axis_index("c")
  s = lax.axis_index("s")
  w = c * NS + s
  pltpu.sync_copy(dst_hbm.at[w], didx)
  pltpu.sync_copy(ones_hbm, ones_v)
  pltpu.sync_copy(zero_hbm.at[pl.ds(s * RPT, RPT)], acc.at[pl.ds(s * RPT, RPT)])
  plsc.subcore_barrier()

  K = 5

  def body(t, carry):
    for b in range(K):
      pltpu.async_copy(ones_v, acc.at[didx.at[t * K + b]], sem, add=True)
    for b in range(K):
      pltpu.make_async_copy(ones_v, acc.at[didx.at[0]], sem).wait()
    return carry

  lax.fori_loop(0, NBLK // K, body, 0)
  plsc.subcore_barrier()
  pltpu.sync_copy(acc.at[pl.ds(s * RPT, RPT)],
                  out_hbm.at[c, pl.ds(s * RPT, RPT)])


def _make_prop(D):
  @functools.partial(
      pl.kernel,
      out_type=jax.ShapeDtypeStruct((NC, NPAD, D), jnp.float32),
      mesh=_sc_mesh(),
      scratch_types=[
          pltpu.VMEM((NBLK, BLK), jnp.int32),
          pltpu.VMEM((NBLK, BLK), jnp.int32),
          pltpu.VMEM((2, NB, BLK, D), jnp.float32),
          pltpu.SemaphoreType.DMA,
          pltpu.SemaphoreType.DMA,
          pltpu.SemaphoreType.DMA,
          pltpu.SemaphoreType.DMA,
          pltpu.VMEM_SHARED((NPAD, D), jnp.float32),
      ],
      compiler_params=_SC_PARAMS,
  )
  def prop(y_hbm, src_hbm, dst_hbm, zero_hbm, out_hbm, sidx, didx, rows,
           gsem0, gsem1, ssem0, ssem1, acc):
    c = lax.axis_index("c")
    s = lax.axis_index("s")
    w = c * NS + s
    pltpu.sync_copy(src_hbm.at[w], sidx)
    pltpu.sync_copy(dst_hbm.at[w], didx)
    pltpu.sync_copy(zero_hbm.at[pl.ds(s * RPT, RPT)],
                    acc.at[pl.ds(s * RPT, RPT)])
    plsc.subcore_barrier()

    gsem = (gsem0, gsem1)
    ssem = (ssem0, ssem1)

    def issue_g(g, p):
      for b in range(NB):
        pltpu.async_copy(y_hbm.at[sidx.at[g * NB + b]], rows.at[p, b],
                         gsem[p])

    def wait_g(p):
      for b in range(NB):
        pltpu.make_async_copy(y_hbm.at[sidx.at[0]], rows.at[p, b],
                              gsem[p]).wait()

    def issue_s(g, p):
      for b in range(NB):
        pltpu.async_copy(rows.at[p, b], acc.at[didx.at[g * NB + b]], ssem[p],
                         add=True)

    def wait_s(p):
      for b in range(NB):
        pltpu.make_async_copy(rows.at[p, b], acc.at[didx.at[0]],
                              ssem[p]).wait()

    issue_g(0, 0)

    def body(t, carry):
      issue_g(2 * t + 1, 1)
      wait_g(0)
      issue_s(2 * t, 0)
      wait_g(1)
      issue_s(2 * t + 1, 1)
      wait_s(0)

      @pl.when(t + 1 < NT)
      def _():
        issue_g(2 * t + 2, 0)

      wait_s(1)
      return carry

    lax.fori_loop(0, NT, body, 0)
    pltpu.async_copy(y_hbm.at[sidx.at[NBLK - 1]], rows.at[0, 0], gsem0)
    pltpu.make_async_copy(y_hbm.at[sidx.at[0]], rows.at[0, 0], gsem0).wait()
    pltpu.async_copy(rows.at[0, 0], acc.at[didx.at[NBLK - 1]], ssem0,
                     add=True)
    pltpu.make_async_copy(rows.at[0, 0], acc.at[didx.at[0]], ssem0).wait()
    plsc.subcore_barrier()
    pltpu.sync_copy(acc.at[pl.ds(s * RPT, RPT)],
                    out_hbm.at[c, pl.ds(s * RPT, RPT)])

  return prop


_prop64 = _make_prop(64)
_prop32 = _make_prop(32)


R = 1000
GRID = N // R


def _tc1_body(user_ref, item_ref, wu_ref, bu_ref, wi_ref, bi_ref, w1_ref,
              degp_ref, y1_ref, dis_ref):
  i = pl.program_id(0)
  is_user = i < (N_USERS // R)
  x = jnp.where(is_user, user_ref[...], item_ref[...])
  w = jnp.where(is_user, wu_ref[...], wi_ref[...])
  b = jnp.where(is_user, bu_ref[...], bi_ref[...])
  emb = jnp.dot(x, w, preferred_element_type=jnp.float32) + b
  deg = degp_ref[0][:, 0:1] + degp_ref[1][:, 0:1] + 1.0
  dis = lax.rsqrt(deg)
  y1 = jnp.dot(emb, w1_ref[...], preferred_element_type=jnp.float32) * dis
  y1_ref[...] = y1
  dis_ref[...] = dis


def _tc1(user, item, wu, bu, wi, bi, w1, degp):
  full = lambda shape: pl.BlockSpec(shape, lambda i: (0,) * len(shape))
  return pl.pallas_call(
      _tc1_body,
      grid=(GRID,),
      in_specs=[
          pl.BlockSpec((R, 128), lambda i: (i % (N_USERS // R), 0)),
          pl.BlockSpec((R, 128), lambda i: (i % (N_ITEMS // R), 0)),
          full((128, 64)),
          full((1, 64)),
          full((128, 64)),
          full((1, 64)),
          full((64, 64)),
          pl.BlockSpec((NC, R, DEGW), lambda i: (0, i, 0)),
      ],
      out_specs=[
          pl.BlockSpec((R, 64), lambda i: (i, 0)),
          pl.BlockSpec((R, 1), lambda i: (i, 0)),
      ],
      out_shape=[
          jax.ShapeDtypeStruct((NPAD, 64), jnp.float32),
          jax.ShapeDtypeStruct((N, 1), jnp.float32),
      ],
  )(user, item, wu, bu, wi, bi, w1, degp)


def _tc2_body(y1_ref, p_ref, dis_ref, b1_ref, w2_ref, y2_ref):
  dis = dis_ref[...]
  h = dis * (p_ref[0] + p_ref[1] + y1_ref[...]) + b1_ref[...]
  h = jnp.maximum(h, 0.0)
  y2_ref[...] = jnp.dot(h, w2_ref[...], preferred_element_type=jnp.float32) * dis


def _tc2(y1, p1, dis, b1, w2):
  full = lambda shape: pl.BlockSpec(shape, lambda i: (0,) * len(shape))
  return pl.pallas_call(
      _tc2_body,
      grid=(GRID,),
      in_specs=[
          pl.BlockSpec((R, 64), lambda i: (i, 0)),
          pl.BlockSpec((NC, R, 64), lambda i: (0, i, 0)),
          pl.BlockSpec((R, 1), lambda i: (i, 0)),
          full((1, 64)),
          full((64, 32)),
      ],
      out_specs=pl.BlockSpec((R, 32), lambda i: (i, 0)),
      out_shape=jax.ShapeDtypeStruct((NPAD, 32), jnp.float32),
  )(y1, p1, dis, b1, w2)


def _tc3_body(y2_ref, p_ref, dis_ref, b2_ref, out_ref):
  out_ref[...] = (dis_ref[...] * (p_ref[0] + p_ref[1] + y2_ref[...])
                  + b2_ref[...])


def _tc3(y2, p2, dis, b2):
  full = lambda shape: pl.BlockSpec(shape, lambda i: (0,) * len(shape))
  return pl.pallas_call(
      _tc3_body,
      grid=(GRID,),
      in_specs=[
          pl.BlockSpec((R, 32), lambda i: (i, 0)),
          pl.BlockSpec((NC, R, 32), lambda i: (0, i, 0)),
          pl.BlockSpec((R, 1), lambda i: (i, 0)),
          full((1, 32)),
      ],
      out_specs=pl.BlockSpec((R, 32), lambda i: (i, 0)),
      out_shape=jax.ShapeDtypeStruct((N, 32), jnp.float32),
  )(y2, p2, dis, b2)


def kernel(user_tensor, item_tensor, edge_index, Wu, bu, Wi, bi, W1, b1, W2,
           b2):
  src = edge_index[0].reshape(NW, NBLK, BLK)
  dst = edge_index[1].reshape(NW, NBLK, BLK)
  ones_col = jnp.ones((BLK, DEGW), jnp.float32)
  z1 = jnp.zeros((NPAD, DEGW), jnp.float32)
  z64 = jnp.zeros((NPAD, 64), jnp.float32)
  z32 = jnp.zeros((NPAD, 32), jnp.float32)

  degp = _sc_deg(dst, ones_col, z1)
  y1, dis = _tc1(user_tensor, item_tensor, Wu, bu.reshape(1, -1), Wi,
                 bi.reshape(1, -1), W1, degp)
  p1 = _prop64(y1, src, dst, z64)
  y2 = _tc2(y1, p1, dis, b1.reshape(1, -1), W2)
  p2 = _prop32(y2, src, dst, z32)
  return _tc3(y2, p2, dis, b2.reshape(1, -1))

# --- scband reference (transcript-rebuilt; emitter-appended) ---
"""Pipeline reference for scband-revenue-gcn-40690520163147 (READ-ONLY COPY).

The authoritative reference and input builder live on the scoring server;
editing this copy changes nothing except your own understanding.
"""

import jax, jax.numpy as jnp
import numpy as np

N_USERS = 5000
N_ITEMS = 5000
USER_DIM = 128
ITEM_DIM = 128
COMMON_DIM = 64
HIDDEN_DIM = 64
OUTPUT_DIM = 32
N_EDGES = 320000


def _gcn_conv(x, edge_index, W, b):
    # Faithful re-implementation of torch_geometric.nn.GCNConv with default
    # settings: add self-loops, symmetric normalization D^-1/2 (A+I) D^-1/2, bias.
    n = x.shape[0]
    src = edge_index[0]
    dst = edge_index[1]
    loop = jnp.arange(n, dtype=src.dtype)
    src = jnp.concatenate([src, loop])
    dst = jnp.concatenate([dst, loop])
    ew = jnp.ones((src.shape[0],), dtype=x.dtype)
    deg = jnp.zeros((n,), dtype=x.dtype).at[dst].add(ew)
    deg_inv_sqrt = jnp.where(deg > 0, deg ** -0.5, 0.0)
    norm = deg_inv_sqrt[src] * deg_inv_sqrt[dst]
    xw = x @ W  # linear transform first (in -> out)
    msg = jnp.take(xw, src, axis=0) * norm[:, None]  # gather
    out = jnp.zeros((n, W.shape[1]), dtype=x.dtype).at[dst].add(msg)  # scatter-add
    return out + b


def setup_inputs(seed: int = 0) -> dict:
    key = jax.random.key(seed)
    ks = jax.random.split(key, 11)
    user_tensor = jax.random.normal(ks[0], (N_USERS, USER_DIM), dtype=jnp.float32)
    item_tensor = jax.random.normal(ks[1], (N_ITEMS, ITEM_DIM), dtype=jnp.float32)
    edge_index = jax.random.randint(ks[2], (2, N_EDGES), 0, N_USERS + N_ITEMS, dtype=jnp.int32)
    # learned parameters
    Wu = jax.random.normal(ks[3], (USER_DIM, COMMON_DIM), dtype=jnp.float32) * (1.0 / np.sqrt(USER_DIM))
    bu = jnp.zeros((COMMON_DIM,), dtype=jnp.float32)
    Wi = jax.random.normal(ks[4], (ITEM_DIM, COMMON_DIM), dtype=jnp.float32) * (1.0 / np.sqrt(ITEM_DIM))
    bi = jnp.zeros((COMMON_DIM,), dtype=jnp.float32)
    W1 = jax.random.normal(ks[5], (COMMON_DIM, HIDDEN_DIM), dtype=jnp.float32) * (1.0 / np.sqrt(COMMON_DIM))
    b1 = jnp.zeros((HIDDEN_DIM,), dtype=jnp.float32)
    W2 = jax.random.normal(ks[6], (HIDDEN_DIM, OUTPUT_DIM), dtype=jnp.float32) * (1.0 / np.sqrt(HIDDEN_DIM))
    b2 = jnp.zeros((OUTPUT_DIM,), dtype=jnp.float32)
    return {
        "user_tensor": user_tensor,
        "item_tensor": item_tensor,
        "edge_index": edge_index,
        "Wu": Wu, "bu": bu,
        "Wi": Wi, "bi": bi,
        "W1": W1, "b1": b1,
        "W2": W2, "b2": b2,
    }


def reference(user_tensor, item_tensor, edge_index, Wu, bu, Wi, bi, W1, b1, W2, b2):
    user_embedding = user_tensor @ Wu + bu
    item_embedding = item_tensor @ Wi + bi
    x = jnp.concatenate([user_embedding, item_embedding], axis=0)
    x = _gcn_conv(x, edge_index, W1, b1)
    x = jax.nn.relu(x)
    x = _gcn_conv(x, edge_index, W2, b2)
    return x

if __name__ == "__main__":
    import jax
    _d = setup_inputs()
    print(jax.jit(kernel)(*tuple(_d.values())))

</pallas_src>

<mosaic_0001>
#map = affine_map<(d0, d1) -> (0, 0, 0)>
#map1 = affine_map<(d0, d1) -> (0, 0)>
module attributes {stable_mosaic.version = 14 : i64} {
  func.func @_sc_deg(%arg0: i32, %arg1: i32, %arg2: memref<32x125x80xi32, #tpu.memory_space<hbm>>, %arg3: memref<80x8xf32, #tpu.memory_space<hbm>>, %arg4: memref<10240x8xf32, #tpu.memory_space<hbm>>, %arg5: memref<2x10240x8xf32, #tpu.memory_space<hbm>>, %arg6: memref<125x80xi32, #tpu.memory_space<vmem>>, %arg7: memref<80x8xf32, #tpu.memory_space<vmem>>, %arg8: memref<!tpu.dma_semaphore, #tpu.memory_space<semaphore_mem>>, %arg9: memref<10240x8xf32, #tpu.memory_space<vmem_shared>>) attributes {dimension_semantics = [#tpu.dimension_semantics<core_parallel>, #tpu.dimension_semantics<subcore_parallel>], iteration_bounds = array<i64: 2, 16>, scalar_prefetch = 0 : i64, scratch_operands = 4 : i64, tpu.core_type = #tpu.core_type<sc_vector_subcore>, window_params = [{transform_indices = #map}, {transform_indices = #map1}, {transform_indices = #map1}, {transform_indices = #map}]} {
    %mul3A = arith.constant 16 : i32
    %mul3A_0 = arith.muli %arg0, %mul3A : i32
    %add3A = arith.addi %mul3A_0, %arg1 : i32
    "tpu.region"() ({
      %run_scoped3A = tpu.sem_alloc : memref<!tpu.dma_semaphore, #tpu.memory_space<semaphore_mem>>
      %dma_start3A = arith.constant 0 : i32
      %dma_start3A_15 = arith.constant 0 : i32
      %dma_start3A_16 = tpu.memref_slice %arg2[%add3A, %dma_start3A, %dma_start3A_15] : memref<32x125x80xi32, #tpu.memory_space<hbm>> -> memref<1x125x80xi32, #tpu.memory_space<hbm>>
      %dma_start3A_17 = tpu.memref_squeeze %dma_start3A_16 : memref<1x125x80xi32, #tpu.memory_space<hbm>> -> memref<125x80xi32, #tpu.memory_space<hbm>>
      %dma_start3A_18 = arith.constant 0 : i32
      %dma_start3A_19 = arith.constant 0 : i32
      %dma_start3A_20 = tpu.memref_slice %arg2[%add3A, %dma_start3A_18, %dma_start3A_19] : memref<32x125x80xi32, #tpu.memory_space<hbm>> -> memref<1x125x80xi32, #tpu.memory_space<hbm>>
      %dma_start3A_21 = tpu.memref_squeeze %dma_start3A_20 : memref<1x125x80xi32, #tpu.memory_space<hbm>> -> memref<125x80xi32, #tpu.memory_space<hbm>>
      tpu.enqueue_dma source(%dma_start3A_21 : memref<125x80xi32, #tpu.memory_space<hbm>>) target(%arg6 : memref<125x80xi32, #tpu.memory_space<vmem>>) target_semaphore(%run_scoped3A : memref<!tpu.dma_semaphore, #tpu.memory_space<semaphore_mem>>)
      %dma_wait3A = arith.constant 0 : i32
      %dma_wait3A_22 = arith.constant 0 : i32
      %dma_wait3A_23 = tpu.memref_slice %arg2[%add3A, %dma_wait3A, %dma_wait3A_22] : memref<32x125x80xi32, #tpu.memory_space<hbm>> -> memref<1x125x80xi32, #tpu.memory_space<hbm>>
      %dma_wait3A_24 = tpu.memref_squeeze %dma_wait3A_23 : memref<1x125x80xi32, #tpu.memory_space<hbm>> -> memref<125x80xi32, #tpu.memory_space<hbm>>
      %dma_wait3A_25 = arith.constant 0 : i32
      %dma_wait3A_26 = arith.constant 0 : i32
      %dma_wait3A_27 = tpu.memref_slice %arg2[%add3A, %dma_wait3A_25, %dma_wait3A_26] : memref<32x125x80xi32, #tpu.memory_space<hbm>> -> memref<1x125x80xi32, #tpu.memory_space<hbm>>
      %dma_wait3A_28 = tpu.memref_squeeze %dma_wait3A_27 : memref<1x125x80xi32, #tpu.memory_space<hbm>> -> memref<125x80xi32, #tpu.memory_space<hbm>>
      tpu.wait_dma2 semaphore(%run_scoped3A : memref<!tpu.dma_semaphore, #tpu.memory_space<semaphore_mem>>) src(%dma_wait3A_28 : memref<125x80xi32, #tpu.memory_space<hbm>>) dst(%arg6 : memref<125x80xi32, #tpu.memory_space<vmem>>)
      tpu.yield
    }) : () -> ()
    "tpu.region"() ({
      %run_scoped3A = tpu.sem_alloc : memref<!tpu.dma_semaphore, #tpu.memory_space<semaphore_mem>>
      tpu.enqueue_dma source(%arg3 : memref<80x8xf32, #tpu.memory_space<hbm>>) target(%arg7 : memref<80x8xf32, #tpu.memory_space<vmem>>) target_semaphore(%run_scoped3A : memref<!tpu.dma_semaphore, #tpu.memory_space<semaphore_mem>>)
      tpu.wait_dma2 semaphore(%run_scoped3A : memref<!tpu.dma_semaphore, #tpu.memory_space<semaphore_mem>>) src(%arg3 : memref<80x8xf32, #tpu.memory_space<hbm>>) dst(%arg7 : memref<80x8xf32, #tpu.memory_space<vmem>>)
      tpu.yield
    }) : () -> ()
    %mul3A_1 = arith.constant 640 : i32
    %mul3A_2 = arith.muli %arg1, %mul3A_1 : i32
    %mul3A_3 = arith.constant 640 : i32
    %mul3A_4 = arith.muli %arg1, %mul3A_3 : i32
    "tpu.region"() ({
      %run_scoped3A = tpu.sem_alloc : memref<!tpu.dma_semaphore, #tpu.memory_space<semaphore_mem>>
      %dma_start3A = arith.constant 0 : i32
      %dma_start3A_15 = tpu.memref_slice %arg9[%mul3A_4, %dma_start3A] : memref<10240x8xf32, #tpu.memory_space<vmem_shared>> -> memref<640x8xf32, #tpu.memory_space<vmem_shared>>
      %dma_start3A_16 = arith.constant 0 : i32
      %dma_start3A_17 = tpu.memref_slice %arg4[%mul3A_2, %dma_start3A_16] : memref<10240x8xf32, #tpu.memory_space<hbm>> -> memref<640x8xf32, #tpu.memory_space<hbm>>
      tpu.enqueue_dma source(%dma_start3A_17 : memref<640x8xf32, #tpu.memory_space<hbm>>) target(%dma_start3A_15 : memref<640x8xf32, #tpu.memory_space<vmem_shared>>) target_semaphore(%run_scoped3A : memref<!tpu.dma_semaphore, #tpu.memory_space<semaphore_mem>>)
      %dma_wait3A = arith.constant 0 : i32
      %dma_wait3A_18 = tpu.memref_slice %arg9[%mul3A_4, %dma_wait3A] : memref<10240x8xf32, #tpu.memory_space<vmem_shared>> -> memref<640x8xf32, #tpu.memory_space<vmem_shared>>
      %dma_wait3A_19 = arith.constant 0 : i32
      %dma_wait3A_20 = tpu.memref_slice %arg4[%mul3A_2, %dma_wait3A_19] : memref<10240x8xf32, #tpu.memory_space<hbm>> -> memref<640x8xf32, #tpu.memory_space<hbm>>
      tpu.wait_dma2 semaphore(%run_scoped3A : memref<!tpu.dma_semaphore, #tpu.memory_space<semaphore_mem>>) src(%dma_wait3A_20 : memref<640x8xf32, #tpu.memory_space<hbm>>) dst(%dma_wait3A_18 : memref<640x8xf32, #tpu.memory_space<vmem_shared>>)
      tpu.yield
    }) : () -> ()
    %barrier3A = arith.constant 0 : index
    tpu.barrier barrier_id(%barrier3A)
    %scan3A = arith.constant 0 : i32
    %scan3A_5 = arith.constant 0 : i32
    %scan3A_6 = arith.constant 25 : i32
    %scan3A_7 = arith.addi %scan3A_5, %scan3A_6 : i32
    %scan3A_8 = arith.constant 1 : i32
    scf.for %scan3A_15 = %scan3A_5 to %scan3A_7 step %scan3A_8  : i32 {
      %mul3A_16 = arith.constant 5 : i32
      %mul3A_17 = arith.muli %scan3A_15, %mul3A_16 : i32
      %add3A_18 = arith.constant 0 : i32
      %add3A_19 = arith.addi %mul3A_17, %add3A_18 : i32
      %dma_start3A = arith.constant 0 : i32
      %dma_start3A_20 = tpu.memref_slice %arg6[%add3A_19, %dma_start3A] : memref<125x80xi32, #tpu.memory_space<vmem>> -> memref<1x80xi32, #tpu.memory_space<vmem>>
      %dma_start3A_21 = tpu.memref_squeeze %dma_start3A_20 : memref<1x80xi32, #tpu.memory_space<vmem>> -> memref<80xi32, #tpu.memory_space<vmem>>
      %dma_start3A_22 = arith.constant 0 : i32
      %dma_start3A_23 = arith.constant 0 : i32
      %dma_start3A_24 = tpu.memref_slice %arg9[%dma_start3A_22, %dma_start3A_23] : memref<10240x8xf32, #tpu.memory_space<vmem_shared>> -> memref<10240x8xf32, #tpu.memory_space<vmem_shared>>
      tpu.enqueue_indirect_dma source(%arg7 : memref<80x8xf32, #tpu.memory_space<vmem>>) target(%dma_start3A_24 : memref<10240x8xf32, #tpu.memory_space<vmem_shared>>) offsets(%dma_start3A_21 : memref<80xi32, #tpu.memory_space<vmem>>) semaphore(%arg8 : memref<!tpu.dma_semaphore, #tpu.memory_space<semaphore_mem>>) {add = true}
      %mul3A_25 = arith.constant 5 : i32
      %mul3A_26 = arith.muli %scan3A_15, %mul3A_25 : i32
      %add3A_27 = arith.constant 1 : i32
      %add3A_28 = arith.addi %mul3A_26, %add3A_27 : i32
      %dma_start3A_29 = arith.constant 0 : i32
      %dma_start3A_30 = tpu.memref_slice %arg6[%add3A_28, %dma_start3A_29] : memref<125x80xi32, #tpu.memory_space<vmem>> -> memref<1x80xi32, #tpu.memory_space<vmem>>
      %dma_start3A_31 = tpu.memref_squeeze %dma_start3A_30 : memref<1x80xi32, #tpu.memory_space<vmem>> -> memref<80xi32, #tpu.memory_space<vmem>>
      %dma_start3A_32 = arith.constant 0 : i32
      %dma_start3A_33 = arith.constant 0 : i32
      %dma_start3A_34 = tpu.memref_slice %arg9[%dma_start3A_32, %dma_start3A_33] : memref<10240x8xf32, #tpu.memory_space<vmem_shared>> -> memref<10240x8xf32, #tpu.memory_space<vmem_shared>>
      tpu.enqueue_indirect_dma source(%arg7 : memref<80x8xf32, #tpu.memory_space<vmem>>) target(%dma_start3A_34 : memref<10240x8xf32, #tpu.memory_space<vmem_shared>>) offsets(%dma_start3A_31 : memref<80xi32, #tpu.memory_space<vmem>>) semaphore(%arg8 : memref<!tpu.dma_semaphore, #tpu.memory_space<semaphore_mem>>) {add = true}
      %mul3A_35 = arith.constant 5 : i32
      %mul3A_36 = arith.muli %scan3A_15, %mul3A_35 : i32
      %add3A_37 = arith.constant 2 : i32
      %add3A_38 = arith.addi %mul3A_36, %add3A_37 : i32
      %dma_start3A_39 = arith.constant 0 : i32
      %dma_start3A_40 = tpu.memref_slice %arg6[%add3A_38, %dma_start3A_39] : memref<125x80xi32, #tpu.memory_space<vmem>> -> memref<1x80xi32, #tpu.memory_space<vmem>>
      %dma_start3A_41 = tpu.memref_squeeze %dma_start3A_40 : memref<1x80xi32, #tpu.memory_space<vmem>> -> memref<80xi32, #tpu.memory_space<vmem>>
      %dma_start3A_42 = arith.constant 0 : i32
      %dma_start3A_43 = arith.constant 0 : i32
      %dma_start3A_44 = tpu.memref_slice %arg9[%dma_start3A_42, %dma_start3A_43] : memref<10240x8xf32, #tpu.memory_space<vmem_shared>> -> memref<10240x8xf32, #tpu.memory_space<vmem_shared>>
      tpu.enqueue_indirect_dma source(%arg7 : memref<80x8xf32, #tpu.memory_space<vmem>>) target(%dma_start3A_44 : memref<10240x8xf32, #tpu.memory_space<vmem_shared>>) offsets(%dma_start3A_41 : memref<80xi32, #tpu.memory_space<vmem>>) semaphore(%arg8 : memref<!tpu.dma_semaphore, #tpu.memory_space<semaphore_mem>>) {add = true}
      %mul3A_45 = arith.constant 5 : i32
      %mul3A_46 = arith.muli %scan3A_15, %mul3A_45 : i32
      %add3A_47 = arith.constant 3 : i32
      %add3A_48 = arith.addi %mul3A_46, %add3A_47 : i32
      %dma_start3A_49 = arith.constant 0 : i32
      %dma_start3A_50 = tpu.memref_slice %arg6[%add3A_48, %dma_start3A_49] : memref<125x80xi32, #tpu.memory_space<vmem>> -> memref<1x80xi32, #tpu.memory_space<vmem>>
      %dma_start3A_51 = tpu.memref_squeeze %dma_start3A_50 : memref<1x80xi32, #tpu.memory_space<vmem>> -> memref<80xi32, #tpu.memory_space<vmem>>
      %dma_start3A_52 = arith.constant 0 : i32
      %dma_start3A_53 = arith.constant 0 : i32
      %dma_start3A_54 = tpu.memref_slice %arg9[%dma_start3A_52, %dma_start3A_53] : memref<10240x8xf32, #tpu.memory_space<vmem_shared>> -> memref<10240x8xf32, #tpu.memory_space<vmem_shared>>
      tpu.enqueue_indirect_dma source(%arg7 : memref<80x8xf32, #tpu.memory_space<vmem>>) target(%dma_start3A_54 : memref<10240x8xf32, #tpu.memory_space<vmem_shared>>) offsets(%dma_start3A_51 : memref<80xi32, #tpu.memory_space<vmem>>) semaphore(%arg8 : memref<!tpu.dma_semaphore, #tpu.memory_space<semaphore_mem>>) {add = true}
      %mul3A_55 = arith.constant 5 : i32
      %mul3A_56 = arith.muli %scan3A_15, %mul3A_55 : i32
      %add3A_57 = arith.constant 4 : i32
      %add3A_58 = arith.addi %mul3A_56, %add3A_57 : i32
      %dma_start3A_59 = arith.constant 0 : i32
      %dma_start3A_60 = tpu.memref_slice %arg6[%add3A_58, %dma_start3A_59] : memref<125x80xi32, #tpu.memory_space<vmem>> -> memref<1x80xi32, #tpu.memory_space<vmem>>
      %dma_start3A_61 = tpu.memref_squeeze %dma_start3A_60 : memref<1x80xi32, #tpu.memory_space<vmem>> -> memref<80xi32, #tpu.memory_space<vmem>>
      %dma_start3A_62 = arith.constant 0 : i32
      %dma_start3A_63 = arith.constant 0 : i32
      %dma_start3A_64 = tpu.memref_slice %arg9[%dma_start3A_62, %dma_start3A_63] : memref<10240x8xf32, #tpu.memory_space<vmem_shared>> -> memref<10240x8xf32, #tpu.memory_space<vmem_shared>>
      tpu.enqueue_indirect_dma source(%arg7 : memref<80x8xf32, #tpu.memory_space<vmem>>) target(%dma_start3A_64 : memref<10240x8xf32, #tpu.memory_space<vmem_shared>>) offsets(%dma_start3A_61 : memref<80xi32, #tpu.memory_space<vmem>>) semaphore(%arg8 : memref<!tpu.dma_semaphore, #tpu.memory_space<semaphore_mem>>) {add = true}
      %dma_wait3A = arith.constant 0 : i32
      %dma_wait3A_65 = arith.constant 0 : i32
      %dma_wait3A_66 = tpu.memref_slice %arg6[%dma_wait3A, %dma_wait3A_65] : memref<125x80xi32, #tpu.memory_space<vmem>> -> memref<1x80xi32, #tpu.memory_space<vmem>>
      %dma_wait3A_67 = tpu.memref_squeeze %dma_wait3A_66 : memref<1x80xi32, #tpu.memory_space<vmem>> -> memref<80xi32, #tpu.memory_space<vmem>>
      %dma_wait3A_68 = arith.constant 0 : i32
      %dma_wait3A_69 = arith.constant 0 : i32
      %dma_wait3A_70 = tpu.memref_slice %arg9[%dma_wait3A_68, %dma_wait3A_69] : memref<10240x8xf32, #tpu.memory_space<vmem_shared>> -> memref<10240x8xf32, #tpu.memory_space<vmem_shared>>
      tpu.wait_indirect_dma semaphore(%arg8 : memref<!tpu.dma_semaphore, #tpu.memory_space<semaphore_mem>>) src(%arg7 : memref<80x8xf32, #tpu.memory_space<vmem>>) dst(%dma_wait3A_70 : memref<10240x8xf32, #tpu.memory_space<vmem_shared>>)
      %dma_wait3A_71 = arith.constant 0 : i32
      %dma_wait3A_72 = arith.constant 0 : i32
      %dma_wait3A_73 = tpu.memref_slice %arg6[%dma_wait3A_71, %dma_wait3A_72] : memref<125x80xi32, #tpu.memory_space<vmem>> -> memref<1x80xi32, #tpu.memory_space<vmem>>
      %dma_wait3A_74 = tpu.memref_squeeze %dma_wait3A_73 : memref<1x80xi32, #tpu.memory_space<vmem>> -> memref<80xi32, #tpu.memory_space<vmem>>
      %dma_wait3A_75 = arith.constant 0 : i32
      %dma_wait3A_76 = arith.constant 0 : i32
      %dma_wait3A_77 = tpu.memref_slice %arg9[%dma_wait3A_75, %dma_wait3A_76] : memref<10240x8xf32, #tpu.memory_space<vmem_shared>> -> memref<10240x8xf32, #tpu.memory_space<vmem_shared>>
      tpu.wait_indirect_dma semaphore(%arg8 : memref<!tpu.dma_semaphore, #tpu.memory_space<semaphore_mem>>) src(%arg7 : memref<80x8xf32, #tpu.memory_space<vmem>>) dst(%dma_wait3A_77 : memref<10240x8xf32, #tpu.memory_space<vmem_shared>>)
      %dma_wait3A_78 = arith.constant 0 : i32
      %dma_wait3A_79 = arith.constant 0 : i32
      %dma_wait3A_80 = tpu.memref_slice %arg6[%dma_wait3A_78, %dma_wait3A_79] : memref<125x80xi32, #tpu.memory_space<vmem>> -> memref<1x80xi32, #tpu.memory_space<vmem>>
      %dma_wait3A_81 = tpu.memref_squeeze %dma_wait3A_80 : memref<1x80xi32, #tpu.memory_space<vmem>> -> memref<80xi32, #tpu.memory_space<vmem>>
      %dma_wait3A_82 = arith.constant 0 : i32
      %dma_wait3A_83 = arith.constant 0 : i32
      %dma_wait3A_84 = tpu.memref_slice %arg9[%dma_wait3A_82, %dma_wait3A_83] : memref<10240x8xf32, #tpu.memory_space<vmem_shared>> -> memref<10240x8xf32, #tpu.memory_space<vmem_shared>>
      tpu.wait_indirect_dma semaphore(%arg8 : memref<!tpu.dma_semaphore, #tpu.memory_space<semaphore_mem>>) src(%arg7 : memref<80x8xf32, #tpu.memory_space<vmem>>) dst(%dma_wait3A_84 : memref<10240x8xf32, #tpu.memory_space<vmem_shared>>)
      %dma_wait3A_85 = arith.constant 0 : i32
      %dma_wait3A_86 = arith.constant 0 : i32
      %dma_wait3A_87 = tpu.memref_slice %arg6[%dma_wait3A_85, %dma_wait3A_86] : memref<125x80xi32, #tpu.memory_space<vmem>> -> memref<1x80xi32, #tpu.memory_space<vmem>>
      %dma_wait3A_88 = tpu.memref_squeeze %dma_wait3A_87 : memref<1x80xi32, #tpu.memory_space<vmem>> -> memref<80xi32, #tpu.memory_space<vmem>>
      %dma_wait3A_89 = arith.constant 0 : i32
      %dma_wait3A_90 = arith.constant 0 : i32
      %dma_wait3A_91 = tpu.memref_slice %arg9[%dma_wait3A_89, %dma_wait3A_90] : memref<10240x8xf32, #tpu.memory_space<vmem_shared>> -> memref<10240x8xf32, #tpu.memory_space<vmem_shared>>
      tpu.wait_indirect_dma semaphore(%arg8 : memref<!tpu.dma_semaphore, #tpu.memory_space<semaphore_mem>>) src(%arg7 : memref<80x8xf32, #tpu.memory_space<vmem>>) dst(%dma_wait3A_91 : memref<10240x8xf32, #tpu.memory_space<vmem_shared>>)
      %dma_wait3A_92 = arith.constant 0 : i32
      %dma_wait3A_93 = arith.constant 0 : i32
      %dma_wait3A_94 = tpu.memref_slice %arg6[%dma_wait3A_92, %dma_wait3A_93] : memref<125x80xi32, #tpu.memory_space<vmem>> -> memref<1x80xi32, #tpu.memory_space<vmem>>
      %dma_wait3A_95 = tpu.memref_squeeze %dma_wait3A_94 : memref<1x80xi32, #tpu.memory_space<vmem>> -> memref<80xi32, #tpu.memory_space<vmem>>
      %dma_wait3A_96 = arith.constant 0 : i32
      %dma_wait3A_97 = arith.constant 0 : i32
      %dma_wait3A_98 = tpu.memref_slice %arg9[%dma_wait3A_96, %dma_wait3A_97] : memref<10240x8xf32, #tpu.memory_space<vmem_shared>> -> memref<10240x8xf32, #tpu.memory_space<vmem_shared>>
      tpu.wait_indirect_dma semaphore(%arg8 : memref<!tpu.dma_semaphore, #tpu.memory_space<semaphore_mem>>) src(%arg7 : memref<80x8xf32, #tpu.memory_space<vmem>>) dst(%dma_wait3A_98 : memref<10240x8xf32, #tpu.memory_space<vmem_shared>>)
    }
    %scan3A_9 = arith.constant 25 : i32
    %barrier3A_10 = arith.constant 0 : index
    tpu.barrier barrier_id(%barrier3A_10)
    %mul3A_11 = arith.constant 640 : i32
    %mul3A_12 = arith.muli %arg1, %mul3A_11 : i32
    %mul3A_13 = arith.constant 640 : i32
    %mul3A_14 = arith.muli %arg1, %mul3A_13 : i32
    "tpu.region"() ({
      %run_scoped3A = tpu.sem_alloc : memref<!tpu.dma_semaphore, #tpu.memory_space<semaphore_mem>>
      %dma_start3A = arith.constant 0 : i32
      %dma_start3A_15 = tpu.memref_slice %arg5[%arg0, %mul3A_14, %dma_start3A] : memref<2x10240x8xf32, #tpu.memory_space<hbm>> -> memref<1x640x8xf32, #tpu.memory_space<hbm>>
      %dma_start3A_16 = tpu.memref_squeeze %dma_start3A_15 : memref<1x640x8xf32, #tpu.memory_space<hbm>> -> memref<640x8xf32, #tpu.memory_space<hbm>>
      %dma_start3A_17 = arith.constant 0 : i32
      %dma_start3A_18 = tpu.memref_slice %arg9[%mul3A_12, %dma_start3A_17] : memref<10240x8xf32, #tpu.memory_space<vmem_shared>> -> memref<640x8xf32, #tpu.memory_space<vmem_shared>>
      tpu.enqueue_dma source(%dma_start3A_18 : memref<640x8xf32, #tpu.memory_space<vmem_shared>>) target(%dma_start3A_16 : memref<640x8xf32, #tpu.memory_space<hbm>>) target_semaphore(%run_scoped3A : memref<!tpu.dma_semaphore, #tpu.memory_space<semaphore_mem>>)
      %dma_wait3A = arith.constant 0 : i32
      %dma_wait3A_19 = tpu.memref_slice %arg5[%arg0, %mul3A_14, %dma_wait3A] : memref<2x10240x8xf32, #tpu.memory_space<hbm>> -> memref<1x640x8xf32, #tpu.memory_space<hbm>>
      %dma_wait3A_20 = tpu.memref_squeeze %dma_wait3A_19 : memref<1x640x8xf32, #tpu.memory_space<hbm>> -> memref<640x8xf32, #tpu.memory_space<hbm>>
      %dma_wait3A_21 = arith.constant 0 : i32
      %dma_wait3A_22 = tpu.memref_slice %arg9[%mul3A_12, %dma_wait3A_21] : memref<10240x8xf32, #tpu.memory_space<vmem_shared>> -> memref<640x8xf32, #tpu.memory_space<vmem_shared>>
      tpu.wait_dma2 semaphore(%run_scoped3A : memref<!tpu.dma_semaphore, #tpu.memory_space<semaphore_mem>>) src(%dma_wait3A_22 : memref<640x8xf32, #tpu.memory_space<vmem_shared>>) dst(%dma_wait3A_20 : memref<640x8xf32, #tpu.memory_space<hbm>>)
      tpu.yield
    }) : () -> ()
    return
  }
}

#map = affine_map<(d0, d1) -> (0, 0)>
#map1 = affine_map<(d0, d1) -> (0, 0, 0)>
module attributes {stable_mosaic.version = 14 : i64} {
  func.func @prop(%arg0: i32, %arg1: i32, %arg2: memref<10240x32xf32, #tpu.memory_space<hbm>>, %arg3: memref<32x125x80xi32, #tpu.memory_space<hbm>>, %arg4: memref<32x125x80xi32, #tpu.memory_space<hbm>>, %arg5: memref<10240x32xf32, #tpu.memory_space<hbm>>, %arg6: memref<2x10240x32xf32, #tpu.memory_space<hbm>>, %arg7: memref<125x80xi32, #tpu.memory_space<vmem>>, %arg8: memref<125x80xi32, #tpu.memory_space<vmem>>, %arg9: memref<2x2x80x32xf32, #tpu.memory_space<vmem>>, %arg10: memref<!tpu.dma_semaphore, #tpu.memory_space<semaphore_mem>>, %arg11: memref<!tpu.dma_semaphore, #tpu.memory_space<semaphore_mem>>, %arg12: memref<!tpu.dma_semaphore, #tpu.memory_space<semaphore_mem>>, %arg13: memref<!tpu.dma_semaphore, #tpu.memory_space<semaphore_mem>>, %arg14: memref<10240x32xf32, #tpu.memory_space<vmem_shared>>) attributes {dimension_semantics = [#tpu.dimension_semantics<core_parallel>, #tpu.dimension_semantics<subcore_parallel>], iteration_bounds = array<i64: 2, 16>, scalar_prefetch = 0 : i64, scratch_operands = 8 : i64, tpu.core_type = #tpu.core_type<sc_vector_subcore>, window_params = [{transform_indices = #map}, {transform_indices = #map1}, {transform_indices = #map1}, {transform_indices = #map}, {transform_indices = #map1}]} {
    %mul3A = arith.constant 16 : i32
    %mul3A_0 = arith.muli %arg0, %mul3A : i32
    %add3A = arith.addi %mul3A_0, %arg1 : i32
    "tpu.region"() ({
      %run_scoped3A = tpu.sem_alloc : memref<!tpu.dma_semaphore, #tpu.memory_space<semaphore_mem>>
      %dma_start3A_91 = arith.constant 0 : i32
      %dma_start3A_92 = arith.constant 0 : i32
      %dma_start3A_93 = tpu.memref_slice %arg3[%add3A, %dma_start3A_91, %dma_start3A_92] : memref<32x125x80xi32, #tpu.memory_space<hbm>> -> memref<1x125x80xi32, #tpu.memory_space<hbm>>
      %dma_start3A_94 = tpu.memref_squeeze %dma_start3A_93 : memref<1x125x80xi32, #tpu.memory_space<hbm>> -> memref<125x80xi32, #tpu.memory_space<hbm>>
      %dma_start3A_95 = arith.constant 0 : i32
      %dma_start3A_96 = arith.constant 0 : i32
      %dma_start3A_97 = tpu.memref_slice %arg3[%add3A, %dma_start3A_95, %dma_start3A_96] : memref<32x125x80xi32, #tpu.memory_space<hbm>> -> memref<1x125x80xi32, #tpu.memory_space<hbm>>
      %dma_start3A_98 = tpu.memref_squeeze %dma_start3A_97 : memref<1x125x80xi32, #tpu.memory_space<hbm>> -> memref<125x80xi32, #tpu.memory_space<hbm>>
      tpu.enqueue_dma source(%dma_start3A_98 : memref<125x80xi32, #tpu.memory_space<hbm>>) target(%arg7 : memref<125x80xi32, #tpu.memory_space<vmem>>) target_semaphore(%run_scoped3A : memref<!tpu.dma_semaphore, #tpu.memory_space<semaphore_mem>>)
      %dma_wait3A_99 = arith.constant 0 : i32
      %dma_wait3A_100 = arith.constant 0 : i32
      %dma_wait3A_101 = tpu.memref_slice %arg3[%add3A, %dma_wait3A_99, %dma_wait3A_100] : memref<32x125x80xi32, #tpu.memory_space<hbm>> -> memref<1x125x80xi32, #tpu.memory_space<hbm>>
      %dma_wait3A_102 = tpu.memref_squeeze %dma_wait3A_101 : memref<1x125x80xi32, #tpu.memory_space<hbm>> -> memref<125x80xi32, #tpu.memory_space<hbm>>
      %dma_wait3A_103 = arith.constant 0 : i32
      %dma_wait3A_104 = arith.constant 0 : i32
      %dma_wait3A_105 = tpu.memref_slice %arg3[%add3A, %dma_wait3A_103, %dma_wait3A_104] : memref<32x125x80xi32, #tpu.memory_space<hbm>> -> memref<1x125x80xi32, #tpu.memory_space<hbm>>
      %dma_wait3A_106 = tpu.memref_squeeze %dma_wait3A_105 : memref<1x125x80xi32, #tpu.memory_space<hbm>> -> memref<125x80xi32, #tpu.memory_space<hbm>>
      tpu.wait_dma2 semaphore(%run_scoped3A : memref<!tpu.dma_semaphore, #tpu.memory_space<semaphore_mem>>) src(%dma_wait3A_106 : memref<125x80xi32, #tpu.memory_space<hbm>>) dst(%arg7 : memref<125x80xi32, #tpu.memory_space<vmem>>)
      tpu.yield
    }) : () -> ()
    "tpu.region"() ({
      %run_scoped3A = tpu.sem_alloc : memref<!tpu.dma_semaphore, #tpu.memory_space<semaphore_mem>>
      %dma_start3A_91 = arith.constant 0 : i32
      %dma_start3A_92 = arith.constant 0 : i32
      %dma_start3A_93 = tpu.memref_slice %arg4[%add3A, %dma_start3A_91, %dma_start3A_92] : memref<32x125x80xi32, #tpu.memory_space<hbm>> -> memref<1x125x80xi32, #tpu.memory_space<hbm>>
      %dma_start3A_94 = tpu.memref_squeeze %dma_start3A_93 : memref<1x125x80xi32, #tpu.memory_space<hbm>> -> memref<125x80xi32, #tpu.memory_space<hbm>>
      %dma_start3A_95 = arith.constant 0 : i32
      %dma_start3A_96 = arith.constant 0 : i32
      %dma_start3A_97 = tpu.memref_slice %arg4[%add3A, %dma_start3A_95, %dma_start3A_96] : memref<32x125x80xi32, #tpu.memory_space<hbm>> -> memref<1x125x80xi32, #tpu.memory_space<hbm>>
      %dma_start3A_98 = tpu.memref_squeeze %dma_start3A_97 : memref<1x125x80xi32, #tpu.memory_space<hbm>> -> memref<125x80xi32, #tpu.memory_space<hbm>>
      tpu.enqueue_dma source(%dma_start3A_98 : memref<125x80xi32, #tpu.memory_space<hbm>>) target(%arg8 : memref<125x80xi32, #tpu.memory_space<vmem>>) target_semaphore(%run_scoped3A : memref<!tpu.dma_semaphore, #tpu.memory_space<semaphore_mem>>)
      %dma_wait3A_99 = arith.constant 0 : i32
      %dma_wait3A_100 = arith.constant 0 : i32
      %dma_wait3A_101 = tpu.memref_slice %arg4[%add3A, %dma_wait3A_99, %dma_wait3A_100] : memref<32x125x80xi32, #tpu.memory_space<hbm>> -> memref<1x125x80xi32, #tpu.memory_space<hbm>>
      %dma_wait3A_102 = tpu.memref_squeeze %dma_wait3A_101 : memref<1x125x80xi32, #tpu.memory_space<hbm>> -> memref<125x80xi32, #tpu.memory_space<hbm>>
      %dma_wait3A_103 = arith.constant 0 : i32
      %dma_wait3A_104 = arith.constant 0 : i32
      %dma_wait3A_105 = tpu.memref_slice %arg4[%add3A, %dma_wait3A_103, %dma_wait3A_104] : memref<32x125x80xi32, #tpu.memory_space<hbm>> -> memref<1x125x80xi32, #tpu.memory_space<hbm>>
      %dma_wait3A_106 = tpu.memref_squeeze %dma_wait3A_105 : memref<1x125x80xi32, #tpu.memory_space<hbm>> -> memref<125x80xi32, #tpu.memory_space<hbm>>
      tpu.wait_dma2 semaphore(%run_scoped3A : memref<!tpu.dma_semaphore, #tpu.memory_space<semaphore_mem>>) src(%dma_wait3A_106 : memref<125x80xi32, #tpu.memory_space<hbm>>) dst(%arg8 : memref<125x80xi32, #tpu.memory_space<vmem>>)
      tpu.yield
    }) : () -> ()
    %mul3A_1 = arith.constant 640 : i32
    %mul3A_2 = arith.muli %arg1, %mul3A_1 : i32
    %mul3A_3 = arith.constant 640 : i32
    %mul3A_4 = arith.muli %arg1, %mul3A_3 : i32
    "tpu.region"() ({
      %run_scoped3A = tpu.sem_alloc : memref<!tpu.dma_semaphore, #tpu.memory_space<semaphore_mem>>
      %dma_start3A_91 = arith.constant 0 : i32
      %dma_start3A_92 = tpu.memref_slice %arg14[%mul3A_4, %dma_start3A_91] : memref<10240x32xf32, #tpu.memory_space<vmem_shared>> -> memref<640x32xf32, #tpu.memory_space<vmem_shared>>
      %dma_start3A_93 = arith.constant 0 : i32
      %dma_start3A_94 = tpu.memref_slice %arg5[%mul3A_2, %dma_start3A_93] : memref<10240x32xf32, #tpu.memory_space<hbm>> -> memref<640x32xf32, #tpu.memory_space<hbm>>
      tpu.enqueue_dma source(%dma_start3A_94 : memref<640x32xf32, #tpu.memory_space<hbm>>) target(%dma_start3A_92 : memref<640x32xf32, #tpu.memory_space<vmem_shared>>) target_semaphore(%run_scoped3A : memref<!tpu.dma_semaphore, #tpu.memory_space<semaphore_mem>>)
      %dma_wait3A_95 = arith.constant 0 : i32
      %dma_wait3A_96 = tpu.memref_slice %arg14[%mul3A_4, %dma_wait3A_95] : memref<10240x32xf32, #tpu.memory_space<vmem_shared>> -> memref<640x32xf32, #tpu.memory_space<vmem_shared>>
      %dma_wait3A_97 = arith.constant 0 : i32
      %dma_wait3A_98 = tpu.memref_slice %arg5[%mul3A_2, %dma_wait3A_97] : memref<10240x32xf32, #tpu.memory_space<hbm>> -> memref<640x32xf32, #tpu.memory_space<hbm>>
      tpu.wait_dma2 semaphore(%run_scoped3A : memref<!tpu.dma_semaphore, #tpu.memory_space<semaphore_mem>>) src(%dma_wait3A_98 : memref<640x32xf32, #tpu.memory_space<hbm>>) dst(%dma_wait3A_96 : memref<640x32xf32, #tpu.memory_space<vmem_shared>>)
      tpu.yield
    }) : () -> ()
    %barrier3A = arith.constant 0 : index
    tpu.barrier barrier_id(%barrier3A)
    %dma_start3A = arith.constant 0 : i32
    %dma_start3A_5 = arith.constant 0 : i32
    %dma_start3A_6 = arith.constant 0 : i32
    %dma_start3A_7 = arith.constant 0 : i32
    %dma_start3A_8 = arith.constant 0 : i32
    %dma_start3A_9 = tpu.memref_slice %arg9[%dma_start3A_5, %dma_start3A_6, %dma_start3A_7, %dma_start3A_8] : memref<2x2x80x32xf32, #tpu.memory_space<vmem>> -> memref<1x1x80x32xf32, #tpu.memory_space<vmem>>
    %dma_start3A_10 = tpu.memref_squeeze %dma_start3A_9 : memref<1x1x80x32xf32, #tpu.memory_space<vmem>> -> memref<80x32xf32, #tpu.memory_space<vmem>>
    %dma_start3A_11 = arith.constant 0 : i32
    %dma_start3A_12 = tpu.memref_slice %arg7[%dma_start3A, %dma_start3A_11] : memref<125x80xi32, #tpu.memory_space<vmem>> -> memref<1x80xi32, #tpu.memory_space<vmem>>
    %dma_start3A_13 = tpu.memref_squeeze %dma_start3A_12 : memref<1x80xi32, #tpu.memory_space<vmem>> -> memref<80xi32, #tpu.memory_space<vmem>>
    %dma_start3A_14 = arith.constant 0 : i32
    %dma_start3A_15 = arith.constant 0 : i32
    %dma_start3A_16 = tpu.memref_slice %arg2[%dma_start3A_14, %dma_start3A_15] : memref<10240x32xf32, #tpu.memory_space<hbm>> -> memref<10240x32xf32, #tpu.memory_space<hbm>>
    tpu.enqueue_indirect_dma source(%dma_start3A_16 : memref<10240x32xf32, #tpu.memory_space<hbm>>) target(%dma_start3A_10 : memref<80x32xf32, #tpu.memory_space<vmem>>) offsets(%dma_start3A_13 : memref<80xi32, #tpu.memory_space<vmem>>) semaphore(%arg10 : memref<!tpu.dma_semaphore, #tpu.memory_space<semaphore_mem>>)
    %dma_start3A_17 = arith.constant 1 : i32
    %dma_start3A_18 = arith.constant 0 : i32
    %dma_start3A_19 = arith.constant 1 : i32
    %dma_start3A_20 = arith.constant 0 : i32
    %dma_start3A_21 = arith.constant 0 : i32
    %dma_start3A_22 = tpu.memref_slice %arg9[%dma_start3A_18, %dma_start3A_19, %dma_start3A_20, %dma_start3A_21] : memref<2x2x80x32xf32, #tpu.memory_space<vmem>> -> memref<1x1x80x32xf32, #tpu.memory_space<vmem>>
    %dma_start3A_23 = tpu.memref_squeeze %dma_start3A_22 : memref<1x1x80x32xf32, #tpu.memory_space<vmem>> -> memref<80x32xf32, #tpu.memory_space<vmem>>
    %dma_start3A_24 = arith.constant 0 : i32
    %dma_start3A_25 = tpu.memref_slice %arg7[%dma_start3A_17, %dma_start3A_24] : memref<125x80xi32, #tpu.memory_space<vmem>> -> memref<1x80xi32, #tpu.memory_space<vmem>>
    %dma_start3A_26 = tpu.memref_squeeze %dma_start3A_25 : memref<1x80xi32, #tpu.memory_space<vmem>> -> memref<80xi32, #tpu.memory_space<vmem>>
    %dma_start3A_27 = arith.constant 0 : i32
    %dma_start3A_28 = arith.constant 0 : i32
    %dma_start3A_29 = tpu.memref_slice %arg2[%dma_start3A_27, %dma_start3A_28] : memref<10240x32xf32, #tpu.memory_space<hbm>> -> memref<10240x32xf32, #tpu.memory_space<hbm>>
    tpu.enqueue_indirect_dma source(%dma_start3A_29 : memref<10240x32xf32, #tpu.memory_space<hbm>>) target(%dma_start3A_23 : memref<80x32xf32, #tpu.memory_space<vmem>>) offsets(%dma_start3A_26 : memref<80xi32, #tpu.memory_space<vmem>>) semaphore(%arg10 : memref<!tpu.dma_semaphore, #tpu.memory_space<semaphore_mem>>)
    %scan3A = arith.constant 0 : i32
    %scan3A_30 = arith.constant 0 : i32
    %scan3A_31 = arith.constant 31 : i32
    %scan3A_32 = arith.addi %scan3A_30, %scan3A_31 : i32
    %scan3A_33 = arith.constant 1 : i32
    scf.for %scan3A_91 = %scan3A_30 to %scan3A_32 step %scan3A_33  : i32 {
      %mul3A_92 = arith.constant 2 : i32
      %mul3A_93 = arith.muli %mul3A_92, %scan3A_91 : i32
      %add3A_94 = arith.constant 1 : i32
      %add3A_95 = arith.addi %mul3A_93, %add3A_94 : i32
      %mul3A_96 = arith.constant 2 : i32
      %mul3A_97 = arith.muli %add3A_95, %mul3A_96 : i32
      %add3A_98 = arith.constant 0 : i32
      %add3A_99 = arith.addi %mul3A_97, %add3A_98 : i32
      %dma_start3A_100 = arith.constant 1 : i32
      %dma_start3A_101 = arith.constant 0 : i32
      %dma_start3A_102 = arith.constant 0 : i32
      %dma_start3A_103 = arith.constant 0 : i32
      %dma_start3A_104 = tpu.memref_slice %arg9[%dma_start3A_100, %dma_start3A_101, %dma_start3A_102, %dma_start3A_103] : memref<2x2x80x32xf32, #tpu.memory_space<vmem>> -> memref<1x1x80x32xf32, #tpu.memory_space<vmem>>
      %dma_start3A_105 = tpu.memref_squeeze %dma_start3A_104 : memref<1x1x80x32xf32, #tpu.memory_space<vmem>> -> memref<80x32xf32, #tpu.memory_space<vmem>>
      %dma_start3A_106 = arith.constant 0 : i32
      %dma_start3A_107 = tpu.memref_slice %arg7[%add3A_99, %dma_start3A_106] : memref<125x80xi32, #tpu.memory_space<vmem>> -> memref<1x80xi32, #tpu.memory_space<vmem>>
      %dma_start3A_108 = tpu.memref_squeeze %dma_start3A_107 : memref<1x80xi32, #tpu.memory_space<vmem>> -> memref<80xi32, #tpu.memory_space<vmem>>
      %dma_start3A_109 = arith.constant 0 : i32
      %dma_start3A_110 = arith.constant 0 : i32
      %dma_start3A_111 = tpu.memref_slice %arg2[%dma_start3A_109, %dma_start3A_110] : memref<10240x32xf32, #tpu.memory_space<hbm>> -> memref<10240x32xf32, #tpu.memory_space<hbm>>
      tpu.enqueue_indirect_dma source(%dma_start3A_111 : memref<10240x32xf32, #tpu.memory_space<hbm>>) target(%dma_start3A_105 : memref<80x32xf32, #tpu.memory_space<vmem>>) offsets(%dma_start3A_108 : memref<80xi32, #tpu.memory_space<vmem>>) semaphore(%arg11 : memref<!tpu.dma_semaphore, #tpu.memory_space<semaphore_mem>>)
      %mul3A_112 = arith.constant 2 : i32
      %mul3A_113 = arith.muli %add3A_95, %mul3A_112 : i32
      %add3A_114 = arith.constant 1 : i32
      %add3A_115 = arith.addi %mul3A_113, %add3A_114 : i32
      %dma_start3A_116 = arith.constant 1 : i32
      %dma_start3A_117 = arith.constant 1 : i32
      %dma_start3A_118 = arith.constant 0 : i32
      %dma_start3A_119 = arith.constant 0 : i32
      %dma_start3A_120 = tpu.memref_slice %arg9[%dma_start3A_116, %dma_start3A_117, %dma_start3A_118, %dma_start3A_119] : memref<2x2x80x32xf32, #tpu.memory_space<vmem>> -> memref<1x1x80x32xf32, #tpu.memory_space<vmem>>
      %dma_start3A_121 = tpu.memref_squeeze %dma_start3A_120 : memref<1x1x80x32xf32, #tpu.memory_space<vmem>> -> memref<80x32xf32, #tpu.memory_space<vmem>>
      %dma_start3A_122 = arith.constant 0 : i32
      %dma_start3A_123 = tpu.memref_slice %arg7[%add3A_115, %dma_start3A_122] : memref<125x80xi32, #tpu.memory_space<vmem>> -> memref<1x80xi32, #tpu.memory_space<vmem>>
      %dma_start3A_124 = tpu.memref_squeeze %dma_start3A_123 : memref<1x80xi32, #tpu.memory_space<vmem>> -> memref<80xi32, #tpu.memory_space<vmem>>
      %dma_start3A_125 = arith.constant 0 : i32
      %dma_start3A_126 = arith.constant 0 : i32
      %dma_start3A_127 = tpu.memref_slice %arg2[%dma_start3A_125, %dma_start3A_126] : memref<10240x32xf32, #tpu.memory_space<hbm>> -> memref<10240x32xf32, #tpu.memory_space<hbm>>
      tpu.enqueue_indirect_dma source(%dma_start3A_127 : memref<10240x32xf32, #tpu.memory_space<hbm>>) target(%dma_start3A_121 : memref<80x32xf32, #tpu.memory_space<vmem>>) offsets(%dma_start3A_124 : memref<80xi32, #tpu.memory_space<vmem>>) semaphore(%arg11 : memref<!tpu.dma_semaphore, #tpu.memory_space<semaphore_mem>>)
      %dma_wait3A_128 = arith.constant 0 : i32
      %dma_wait3A_129 = arith.constant 0 : i32
      %dma_wait3A_130 = arith.constant 0 : i32
      %dma_wait3A_131 = arith.constant 0 : i32
      %dma_wait3A_132 = arith.constant 0 : i32
      %dma_wait3A_133 = tpu.memref_slice %arg9[%dma_wait3A_129, %dma_wait3A_130, %dma_wait3A_131, %dma_wait3A_132] : memref<2x2x80x32xf32, #tpu.memory_space<vmem>> -> memref<1x1x80x32xf32, #tpu.memory_space<vmem>>
      %dma_wait3A_134 = tpu.memref_squeeze %dma_wait3A_133 : memref<1x1x80x32xf32, #tpu.memory_space<vmem>> -> memref<80x32xf32, #tpu.memory_space<vmem>>
      %dma_wait3A_135 = arith.constant 0 : i32
      %dma_wait3A_136 = tpu.memref_slice %arg7[%dma_wait3A_128, %dma_wait3A_135] : memref<125x80xi32, #tpu.memory_space<vmem>> -> memref<1x80xi32, #tpu.memory_space<vmem>>
      %dma_wait3A_137 = tpu.memref_squeeze %dma_wait3A_136 : memref<1x80xi32, #tpu.memory_space<vmem>> -> memref<80xi32, #tpu.memory_space<vmem>>
      %dma_wait3A_138 = arith.constant 0 : i32
      %dma_wait3A_139 = arith.constant 0 : i32
      %dma_wait3A_140 = tpu.memref_slice %arg2[%dma_wait3A_138, %dma_wait3A_139] : memref<10240x32xf32, #tpu.memory_space<hbm>> -> memref<10240x32xf32, #tpu.memory_space<hbm>>
      tpu.wait_indirect_dma semaphore(%arg10 : memref<!tpu.dma_semaphore, #tpu.memory_space<semaphore_mem>>) src(%dma_wait3A_140 : memref<10240x32xf32, #tpu.memory_space<hbm>>) dst(%dma_wait3A_134 : memref<80x32xf32, #tpu.memory_space<vmem>>)
      %dma_wait3A_141 = arith.constant 0 : i32
      %dma_wait3A_142 = arith.constant 0 : i32
      %dma_wait3A_143 = arith.constant 1 : i32
      %dma_wait3A_144 = arith.constant 0 : i32
      %dma_wait3A_145 = arith.constant 0 : i32
      %dma_wait3A_146 = tpu.memref_slice %arg9[%dma_wait3A_142, %dma_wait3A_143, %dma_wait3A_144, %dma_wait3A_145] : memref<2x2x80x32xf32, #tpu.memory_space<vmem>> -> memref<1x1x80x32xf32, #tpu.memory_space<vmem>>
      %dma_wait3A_147 = tpu.memref_squeeze %dma_wait3A_146 : memref<1x1x80x32xf32, #tpu.memory_space<vmem>> -> memref<80x32xf32, #tpu.memory_space<vmem>>
      %dma_wait3A_148 = arith.constant 0 : i32
      %dma_wait3A_149 = tpu.memref_slice %arg7[%dma_wait3A_141, %dma_wait3A_148] : memref<125x80xi32, #tpu.memory_space<vmem>> -> memref<1x80xi32, #tpu.memory_space<vmem>>
      %dma_wait3A_150 = tpu.memref_squeeze %dma_wait3A_149 : memref<1x80xi32, #tpu.memory_space<vmem>> -> memref<80xi32, #tpu.memory_space<vmem>>
      %dma_wait3A_151 = arith.constant 0 : i32
      %dma_wait3A_152 = arith.constant 0 : i32
      %dma_wait3A_153 = tpu.memref_slice %arg2[%dma_wait3A_151, %dma_wait3A_152] : memref<10240x32xf32, #tpu.memory_space<hbm>> -> memref<10240x32xf32, #tpu.memory_space<hbm>>
      tpu.wait_indirect_dma semaphore(%arg10 : memref<!tpu.dma_semaphore, #tpu.memory_space<semaphore_mem>>) src(%dma_wait3A_153 : memref<10240x32xf32, #tpu.memory_space<hbm>>) dst(%dma_wait3A_147 : memref<80x32xf32, #tpu.memory_space<vmem>>)
      %mul3A_154 = arith.constant 2 : i32
      %mul3A_155 = arith.muli %mul3A_154, %scan3A_91 : i32
      %mul3A_156 = arith.constant 2 : i32
      %mul3A_157 = arith.muli %mul3A_155, %mul3A_156 : i32
      %add3A_158 = arith.constant 0 : i32
      %add3A_159 = arith.addi %mul3A_157, %add3A_158 : i32
      %dma_start3A_160 = arith.constant 0 : i32
      %dma_start3A_161 = arith.constant 0 : i32
      %dma_start3A_162 = arith.constant 0 : i32
      %dma_start3A_163 = arith.constant 0 : i32
      %dma_start3A_164 = tpu.memref_slice %arg9[%dma_start3A_160, %dma_start3A_161, %dma_start3A_162, %dma_start3A_163] : memref<2x2x80x32xf32, #tpu.memory_space<vmem>> -> memref<1x1x80x32xf32, #tpu.memory_space<vmem>>
      %dma_start3A_165 = tpu.memref_squeeze %dma_start3A_164 : memref<1x1x80x32xf32, #tpu.memory_space<vmem>> -> memref<80x32xf32, #tpu.memory_space<vmem>>
      %dma_start3A_166 = arith.constant 0 : i32
      %dma_start3A_167 = tpu.memref_slice %arg8[%add3A_159, %dma_start3A_166] : memref<125x80xi32, #tpu.memory_space<vmem>> -> memref<1x80xi32, #tpu.memory_space<vmem>>
      %dma_start3A_168 = tpu.memref_squeeze %dma_start3A_167 : memref<1x80xi32, #tpu.memory_space<vmem>> -> memref<80xi32, #tpu.memory_space<vmem>>
      %dma_start3A_169 = arith.constant 0 : i32
      %dma_start3A_170 = arith.constant 0 : i32
      %dma_start3A_171 = tpu.memref_slice %arg14[%dma_start3A_169, %dma_start3A_170] : memref<10240x32xf32, #tpu.memory_space<vmem_shared>> -> memref<10240x32xf32, #tpu.memory_space<vmem_shared>>
      tpu.enqueue_indirect_dma source(%dma_start3A_165 : memref<80x32xf32, #tpu.memory_space<vmem>>) target(%dma_start3A_171 : memref<10240x32xf32, #tpu.memory_space<vmem_shared>>) offsets(%dma_start3A_168 : memref<80xi32, #tpu.memory_space<vmem>>) semaphore(%arg12 : memref<!tpu.dma_semaphore, #tpu.memory_space<semaphore_mem>>) {add = true}
      %mul3A_172 = arith.constant 2 : i32
      %mul3A_173 = arith.muli %mul3A_155, %mul3A_172 : i32
      %add3A_174 = arith.constant 1 : i32
      %add3A_175 = arith.addi %mul3A_173, %add3A_174 : i32
      %dma_start3A_176 = arith.constant 0 : i32
      %dma_start3A_177 = arith.constant 1 : i32
      %dma_start3A_178 = arith.constant 0 : i32
      %dma_start3A_179 = arith.constant 0 : i32
      %dma_start3A_180 = tpu.memref_slice %arg9[%dma_start3A_176, %dma_start3A_177, %dma_start3A_178, %dma_start3A_179] : memref<2x2x80x32xf32, #tpu.memory_space<vmem>> -> memref<1x1x80x32xf32, #tpu.memory_space<vmem>>
      %dma_start3A_181 = tpu.memref_squeeze %dma_start3A_180 : memref<1x1x80x32xf32, #tpu.memory_space<vmem>> -> memref<80x32xf32, #tpu.memory_space<vmem>>
      %dma_start3A_182 = arith.constant 0 : i32
      %dma_start3A_183 = tpu.memref_slice %arg8[%add3A_175, %dma_start3A_182] : memref<125x80xi32, #tpu.memory_space<vmem>> -> memref<1x80xi32, #tpu.memory_space<vmem>>
      %dma_start3A_184 = tpu.memref_squeeze %dma_start3A_183 : memref<1x80xi32, #tpu.memory_space<vmem>> -> memref<80xi32, #tpu.memory_space<vmem>>
      %dma_start3A_185 = arith.constant 0 : i32
      %dma_start3A_186 = arith.constant 0 : i32
      %dma_start3A_187 = tpu.memref_slice %arg14[%dma_start3A_185, %dma_start3A_186] : memref<10240x32xf32, #tpu.memory_space<vmem_shared>> -> memref<10240x32xf32, #tpu.memory_space<vmem_shared>>
      tpu.enqueue_indirect_dma source(%dma_start3A_181 : memref<80x32xf32, #tpu.memory_space<vmem>>) target(%dma_start3A_187 : memref<10240x32xf32, #tpu.memory_space<vmem_shared>>) offsets(%dma_start3A_184 : memref<80xi32, #tpu.memory_space<vmem>>) semaphore(%arg12 : memref<!tpu.dma_semaphore, #tpu.memory_space<semaphore_mem>>) {add = true}
      %dma_wait3A_188 = arith.constant 0 : i32
      %dma_wait3A_189 = arith.constant 1 : i32
      %dma_wait3A_190 = arith.constant 0 : i32
      %dma_wait3A_191 = arith.constant 0 : i32
      %dma_wait3A_192 = arith.constant 0 : i32
      %dma_wait3A_193 = tpu.memref_slice %arg9[%dma_wait3A_189, %dma_wait3A_190, %dma_wait3A_191, %dma_wait3A_192] : memref<2x2x80x32xf32, #tpu.memory_space<vmem>> -> memref<1x1x80x32xf32, #tpu.memory_space<vmem>>
      %dma_wait3A_194 = tpu.memref_squeeze %dma_wait3A_193 : memref<1x1x80x32xf32, #tpu.memory_space<vmem>> -> memref<80x32xf32, #tpu.memory_space<vmem>>
      %dma_wait3A_195 = arith.constant 0 : i32
      %dma_wait3A_196 = tpu.memref_slice %arg7[%dma_wait3A_188, %dma_wait3A_195] : memref<125x80xi32, #tpu.memory_space<vmem>> -> memref<1x80xi32, #tpu.memory_space<vmem>>
      %dma_wait3A_197 = tpu.memref_squeeze %dma_wait3A_196 : memref<1x80xi32, #tpu.memory_space<vmem>> -> memref<80xi32, #tpu.memory_space<vmem>>
      %dma_wait3A_198 = arith.constant 0 : i32
      %dma_wait3A_199 = arith.constant 0 : i32
      %dma_wait3A_200 = tpu.memref_slice %arg2[%dma_wait3A_198, %dma_wait3A_199] : memref<10240x32xf32, #tpu.memory_space<hbm>> -> memref<10240x32xf32, #tpu.memory_space<hbm>>
      tpu.wait_indirect_dma semaphore(%arg11 : memref<!tpu.dma_semaphore, #tpu.memory_space<semaphore_mem>>) src(%dma_wait3A_200 : memref<10240x32xf32, #tpu.memory_space<hbm>>) dst(%dma_wait3A_194 : memref<80x32xf32, #tpu.memory_space<vmem>>)
      %dma_wait3A_201 = arith.constant 0 : i32
      %dma_wait3A_202 = arith.constant 1 : i32
      %dma_wait3A_203 = arith.constant 1 : i32
      %dma_wait3A_204 = arith.constant 0 : i32
      %dma_wait3A_205 = arith.constant 0 : i32
      %dma_wait3A_206 = tpu.memref_slice %arg9[%dma_wait3A_202, %dma_wait3A_203, %dma_wait3A_204, %dma_wait3A_205] : memref<2x2x80x32xf32, #tpu.memory_space<vmem>> -> memref<1x1x80x32xf32, #tpu.memory_space<vmem>>
      %dma_wait3A_207 = tpu.memref_squeeze %dma_wait3A_206 : memref<1x1x80x32xf32, #tpu.memory_space<vmem>> -> memref<80x32xf32, #tpu.memory_space<vmem>>
      %dma_wait3A_208 = arith.constant 0 : i32
      %dma_wait3A_209 = tpu.memref_slice %arg7[%dma_wait3A_201, %dma_wait3A_208] : memref<125x80xi32, #tpu.memory_space<vmem>> -> memref<1x80xi32, #tpu.memory_space<vmem>>
      %dma_wait3A_210 = tpu.memref_squeeze %dma_wait3A_209 : memref<1x80xi32, #tpu.memory_space<vmem>> -> memref<80xi32, #tpu.memory_space<vmem>>
      %dma_wait3A_211 = arith.constant 0 : i32
      %dma_wait3A_212 = arith.constant 0 : i32
      %dma_wait3A_213 = tpu.memref_slice %arg2[%dma_wait3A_211, %dma_wait3A_212] : memref<10240x32xf32, #tpu.memory_space<hbm>> -> memref<10240x32xf32, #tpu.memory_space<hbm>>
      tpu.wait_indirect_dma semaphore(%arg11 : memref<!tpu.dma_semaphore, #tpu.memory_space<semaphore_mem>>) src(%dma_wait3A_213 : memref<10240x32xf32, #tpu.memory_space<hbm>>) dst(%dma_wait3A_207 : memref<80x32xf32, #tpu.memory_space<vmem>>)
      %mul3A_214 = arith.constant 2 : i32
      %mul3A_215 = arith.muli %mul3A_214, %scan3A_91 : i32
      %add3A_216 = arith.constant 1 : i32
      %add3A_217 = arith.addi %mul3A_215, %add3A_216 : i32
      %mul3A_218 = arith.constant 2 : i32
      %mul3A_219 = arith.muli %add3A_217, %mul3A_218 : i32
      %add3A_220 = arith.constant 0 : i32
      %add3A_221 = arith.addi %mul3A_219, %add3A_220 : i32
      %dma_start3A_222 = arith.constant 1 : i32
      %dma_start3A_223 = arith.constant 0 : i32
      %dma_start3A_224 = arith.constant 0 : i32
      %dma_start3A_225 = arith.constant 0 : i32
      %dma_start3A_226 = tpu.memref_slice %arg9[%dma_start3A_222, %dma_start3A_223, %dma_start3A_224, %dma_start3A_225] : memref<2x2x80x32xf32, #tpu.memory_space<vmem>> -> memref<1x1x80x32xf32, #tpu.memory_space<vmem>>
      %dma_start3A_227 = tpu.memref_squeeze %dma_start3A_226 : memref<1x1x80x32xf32, #tpu.memory_space<vmem>> -> memref<80x32xf32, #tpu.memory_space<vmem>>
      %dma_start3A_228 = arith.constant 0 : i32
      %dma_start3A_229 = tpu.memref_slice %arg8[%add3A_221, %dma_start3A_228] : memref<125x80xi32, #tpu.memory_space<vmem>> -> memref<1x80xi32, #tpu.memory_space<vmem>>
      %dma_start3A_230 = tpu.memref_squeeze %dma_start3A_229 : memref<1x80xi32, #tpu.memory_space<vmem>> -> memref<80xi32, #tpu.memory_space<vmem>>
      %dma_start3A_231 = arith.constant 0 : i32
      %dma_start3A_232 = arith.constant 0 : i32
      %dma_start3A_233 = tpu.memref_slice %arg14[%dma_start3A_231, %dma_start3A_232] : memref<10240x32xf32, #tpu.memory_space<vmem_shared>> -> memref<10240x32xf32, #tpu.memory_space<vmem_shared>>
      tpu.enqueue_indirect_dma source(%dma_start3A_227 : memref<80x32xf32, #tpu.memory_space<vmem>>) target(%dma_start3A_233 : memref<10240x32xf32, #tpu.memory_space<vmem_shared>>) offsets(%dma_start3A_230 : memref<80xi32, #tpu.memory_space<vmem>>) semaphore(%arg13 : memref<!tpu.dma_semaphore, #tpu.memory_space<semaphore_mem>>) {add = true}
      %mul3A_234 = arith.constant 2 : i32
      %mul3A_235 = arith.muli %add3A_217, %mul3A_234 : i32
      %add3A_236 = arith.constant 1 : i32
      %add3A_237 = arith.addi %mul3A_235, %add3A_236 : i32
      %dma_start3A_238 = arith.constant 1 : i32
      %dma_start3A_239 = arith.constant 1 : i32
      %dma_start3A_240 = arith.constant 0 : i32
      %dma_start3A_241 = arith.constant 0 : i32
      %dma_start3A_242 = tpu.memref_slice %arg9[%dma_start3A_238, %dma_start3A_239, %dma_start3A_240, %dma_start3A_241] : memref<2x2x80x32xf32, #tpu.memory_space<vmem>> -> memref<1x1x80x32xf32, #tpu.memory_space<vmem>>
      %dma_start3A_243 = tpu.memref_squeeze %dma_start3A_242 : memref<1x1x80x32xf32, #tpu.memory_space<vmem>> -> memref<80x32xf32, #tpu.memory_space<vmem>>
      %dma_start3A_244 = arith.constant 0 : i32
      %dma_start3A_245 = tpu.memref_slice %arg8[%add3A_237, %dma_start3A_244] : memref<125x80xi32, #tpu.memory_space<vmem>> -> memref<1x80xi32, #tpu.memory_space<vmem>>
      %dma_start3A_246 = tpu.memref_squeeze %dma_start3A_245 : memref<1x80xi32, #tpu.memory_space<vmem>> -> memref<80xi32, #tpu.memory_space<vmem>>
      %dma_start3A_247 = arith.constant 0 : i32
      %dma_start3A_248 = arith.constant 0 : i32
      %dma_start3A_249 = tpu.memref_slice %arg14[%dma_start3A_247, %dma_start3A_248] : memref<10240x32xf32, #tpu.memory_space<vmem_shared>> -> memref<10240x32xf32, #tpu.memory_space<vmem_shared>>
      tpu.enqueue_indirect_dma source(%dma_start3A_243 : memref<80x32xf32, #tpu.memory_space<vmem>>) target(%dma_start3A_249 : memref<10240x32xf32, #tpu.memory_space<vmem_shared>>) offsets(%dma_start3A_246 : memref<80xi32, #tpu.memory_space<vmem>>) semaphore(%arg13 : memref<!tpu.dma_semaphore, #tpu.memory_space<semaphore_mem>>) {add = true}
      %dma_wait3A_250 = arith.constant 0 : i32
      %dma_wait3A_251 = arith.constant 0 : i32
      %dma_wait3A_252 = arith.constant 0 : i32
      %dma_wait3A_253 = arith.constant 0 : i32
      %dma_wait3A_254 = arith.constant 0 : i32
      %dma_wait3A_255 = tpu.memref_slice %arg9[%dma_wait3A_250, %dma_wait3A_251, %dma_wait3A_253, %dma_wait3A_254] : memref<2x2x80x32xf32, #tpu.memory_space<vmem>> -> memref<1x1x80x32xf32, #tpu.memory_space<vmem>>
      %dma_wait3A_256 = tpu.memref_squeeze %dma_wait3A_255 : memref<1x1x80x32xf32, #tpu.memory_space<vmem>> -> memref<80x32xf32, #tpu.memory_space<vmem>>
      %dma_wait3A_257 = arith.constant 0 : i32
      %dma_wait3A_258 = tpu.memref_slice %arg8[%dma_wait3A_252, %dma_wait3A_257] : memref<125x80xi32, #tpu.memory_space<vmem>> -> memref<1x80xi32, #tpu.memory_space<vmem>>
      %dma_wait3A_259 = tpu.memref_squeeze %dma_wait3A_258 : memref<1x80xi32, #tpu.memory_space<vmem>> -> memref<80xi32, #tpu.memory_space<vmem>>
      %dma_wait3A_260 = arith.constant 0 : i32
      %dma_wait3A_261 = arith.constant 0 : i32
      %dma_wait3A_262 = tpu.memref_slice %arg14[%dma_wait3A_260, %dma_wait3A_261] : memref<10240x32xf32, #tpu.memory_space<vmem_shared>> -> memref<10240x32xf32, #tpu.memory_space<vmem_shared>>
      tpu.wait_indirect_dma semaphore(%arg12 : memref<!tpu.dma_semaphore, #tpu.memory_space<semaphore_mem>>) src(%dma_wait3A_256 : memref<80x32xf32, #tpu.memory_space<vmem>>) dst(%dma_wait3A_262 : memref<10240x32xf32, #tpu.memory_space<vmem_shared>>)
      %dma_wait3A_263 = arith.constant 0 : i32
      %dma_wait3A_264 = arith.constant 1 : i32
      %dma_wait3A_265 = arith.constant 0 : i32
      %dma_wait3A_266 = arith.constant 0 : i32
      %dma_wait3A_267 = arith.constant 0 : i32
      %dma_wait3A_268 = tpu.memref_slice %arg9[%dma_wait3A_263, %dma_wait3A_264, %dma_wait3A_266, %dma_wait3A_267] : memref<2x2x80x32xf32, #tpu.memory_space<vmem>> -> memref<1x1x80x32xf32, #tpu.memory_space<vmem>>
      %dma_wait3A_269 = tpu.memref_squeeze %dma_wait3A_268 : memref<1x1x80x32xf32, #tpu.memory_space<vmem>> -> memref<80x32xf32, #tpu.memory_space<vmem>>
      %dma_wait3A_270 = arith.constant 0 : i32
      %dma_wait3A_271 = tpu.memref_slice %arg8[%dma_wait3A_265, %dma_wait3A_270] : memref<125x80xi32, #tpu.memory_space<vmem>> -> memref<1x80xi32, #tpu.memory_space<vmem>>
      %dma_wait3A_272 = tpu.memref_squeeze %dma_wait3A_271 : memref<1x80xi32, #tpu.memory_space<vmem>> -> memref<80xi32, #tpu.memory_space<vmem>>
      %dma_wait3A_273 = arith.constant 0 : i32
      %dma_wait3A_274 = arith.constant 0 : i32
      %dma_wait3A_275 = tpu.memref_slice %arg14[%dma_wait3A_273, %dma_wait3A_274] : memref<10240x32xf32, #tpu.memory_space<vmem_shared>> -> memref<10240x32xf32, #tpu.memory_space<vmem_shared>>
      tpu.wait_indirect_dma semaphore(%arg12 : memref<!tpu.dma_semaphore, #tpu.memory_space<semaphore_mem>>) src(%dma_wait3A_269 : memref<80x32xf32, #tpu.memory_space<vmem>>) dst(%dma_wait3A_275 : memref<10240x32xf32, #tpu.memory_space<vmem_shared>>)
      %add3A_276 = arith.constant 1 : i32
      %add3A_277 = arith.addi %scan3A_91, %add3A_276 : i32
      %lt3A = arith.constant 31 : i32
      %lt3A_278 = arith.cmpi slt, %add3A_277, %lt3A : i32
      %convert_element_type3A = arith.extui %lt3A_278 : i1 to i32
      %cond3A = arith.constant 0 : i32
      %cond3A_279 = arith.cmpi ne, %convert_element_type3A, %cond3A : i32
      scf.if %cond3A_279 {
        %mul3A_306 = arith.constant 2 : i32
        %mul3A_307 = arith.muli %mul3A_306, %scan3A_91 : i32
        %add3A_308 = arith.constant 2 : i32
        %add3A_309 = arith.addi %mul3A_307, %add3A_308 : i32
        %mul3A_310 = arith.constant 2 : i32
        %mul3A_311 = arith.muli %add3A_309, %mul3A_310 : i32
        %add3A_312 = arith.constant 0 : i32
        %add3A_313 = arith.addi %mul3A_311, %add3A_312 : i32
        %dma_start3A_314 = arith.constant 0 : i32
        %dma_start3A_315 = arith.constant 0 : i32
        %dma_start3A_316 = arith.constant 0 : i32
        %dma_start3A_317 = arith.constant 0 : i32
        %dma_start3A_318 = tpu.memref_slice %arg9[%dma_start3A_314, %dma_start3A_315, %dma_start3A_316, %dma_start3A_317] : memref<2x2x80x32xf32, #tpu.memory_space<vmem>> -> memref<1x1x80x32xf32, #tpu.memory_space<vmem>>
        %dma_start3A_319 = tpu.memref_squeeze %dma_start3A_318 : memref<1x1x80x32xf32, #tpu.memory_space<vmem>> -> memref<80x32xf32, #tpu.memory_space<vmem>>
        %dma_start3A_320 = arith.constant 0 : i32
        %dma_start3A_321 = tpu.memref_slice %arg7[%add3A_313, %dma_start3A_320] : memref<125x80xi32, #tpu.memory_space<vmem>> -> memref<1x80xi32, #tpu.memory_space<vmem>>
        %dma_start3A_322 = tpu.memref_squeeze %dma_start3A_321 : memref<1x80xi32, #tpu.memory_space<vmem>> -> memref<80xi32, #tpu.memory_space<vmem>>
        %dma_start3A_323 = arith.constant 0 : i32
        %dma_start3A_324 = arith.constant 0 : i32
        %dma_start3A_325 = tpu.memref_slice %arg2[%dma_start3A_323, %dma_start3A_324] : memref<10240x32xf32, #tpu.memory_space<hbm>> -> memref<10240x32xf32, #tpu.memory_space<hbm>>
        tpu.enqueue_indirect_dma source(%dma_start3A_325 : memref<10240x32xf32, #tpu.memory_space<hbm>>) target(%dma_start3A_319 : memref<80x32xf32, #tpu.memory_space<vmem>>) offsets(%dma_start3A_322 : memref<80xi32, #tpu.memory_space<vmem>>) semaphore(%arg10 : memref<!tpu.dma_semaphore, #tpu.memory_space<semaphore_mem>>)
        %mul3A_326 = arith.constant 2 : i32
        %mul3A_327 = arith.muli %add3A_309, %mul3A_326 : i32
        %add3A_328 = arith.constant 1 : i32
        %add3A_329 = arith.addi %mul3A_327, %add3A_328 : i32
        %dma_start3A_330 = arith.constant 0 : i32
        %dma_start3A_331 = arith.constant 1 : i32
        %dma_start3A_332 = arith.constant 0 : i32
        %dma_start3A_333 = arith.constant 0 : i32
        %dma_start3A_334 = tpu.memref_slice %arg9[%dma_start3A_330, %dma_start3A_331, %dma_start3A_332, %dma_start3A_333] : memref<2x2x80x32xf32, #tpu.memory_space<vmem>> -> memref<1x1x80x32xf32, #tpu.memory_space<vmem>>
        %dma_start3A_335 = tpu.memref_squeeze %dma_start3A_334 : memref<1x1x80x32xf32, #tpu.memory_space<vmem>> -> memref<80x32xf32, #tpu.memory_space<vmem>>
        %dma_start3A_336 = arith.constant 0 : i32
        %dma_start3A_337 = tpu.memref_slice %arg7[%add3A_329, %dma_start3A_336] : memref<125x80xi32, #tpu.memory_space<vmem>> -> memref<1x80xi32, #tpu.memory_space<vmem>>
        %dma_start3A_338 = tpu.memref_squeeze %dma_start3A_337 : memref<1x80xi32, #tpu.memory_space<vmem>> -> memref<80xi32, #tpu.memory_space<vmem>>
        %dma_start3A_339 = arith.constant 0 : i32
        %dma_start3A_340 = arith.constant 0 : i32
        %dma_start3A_341 = tpu.memref_slice %arg2[%dma_start3A_339, %dma_start3A_340] : memref<10240x32xf32, #tpu.memory_space<hbm>> -> memref<10240x32xf32, #tpu.memory_space<hbm>>
        tpu.enqueue_indirect_dma source(%dma_start3A_341 : memref<10240x32xf32, #tpu.memory_space<hbm>>) target(%dma_start3A_335 : memref<80x32xf32, #tpu.memory_space<vmem>>) offsets(%dma_start3A_338 : memref<80xi32, #tpu.memory_space<vmem>>) semaphore(%arg10 : memref<!tpu.dma_semaphore, #tpu.memory_space<semaphore_mem>>)
      } else {
      }
      %dma_wait3A_280 = arith.constant 1 : i32
      %dma_wait3A_281 = arith.constant 0 : i32
      %dma_wait3A_282 = arith.constant 0 : i32
      %dma_wait3A_283 = arith.constant 0 : i32
      %dma_wait3A_284 = arith.constant 0 : i32
      %dma_wait3A_285 = tpu.memref_slice %arg9[%dma_wait3A_280, %dma_wait3A_281, %dma_wait3A_283, %dma_wait3A_284] : memref<2x2x80x32xf32, #tpu.memory_space<vmem>> -> memref<1x1x80x32xf32, #tpu.memory_space<vmem>>
      %dma_wait3A_286 = tpu.memref_squeeze %dma_wait3A_285 : memref<1x1x80x32xf32, #tpu.memory_space<vmem>> -> memref<80x32xf32, #tpu.memory_space<vmem>>
      %dma_wait3A_287 = arith.constant 0 : i32
      %dma_wait3A_288 = tpu.memref_slice %arg8[%dma_wait3A_282, %dma_wait3A_287] : memref<125x80xi32, #tpu.memory_space<vmem>> -> memref<1x80xi32, #tpu.memory_space<vmem>>
      %dma_wait3A_289 = tpu.memref_squeeze %dma_wait3A_288 : memref<1x80xi32, #tpu.memory_space<vmem>> -> memref<80xi32, #tpu.memory_space<vmem>>
      %dma_wait3A_290 = arith.constant 0 : i32
      %dma_wait3A_291 = arith.constant 0 : i32
      %dma_wait3A_292 = tpu.memref_slice %arg14[%dma_wait3A_290, %dma_wait3A_291] : memref<10240x32xf32, #tpu.memory_space<vmem_shared>> -> memref<10240x32xf32, #tpu.memory_space<vmem_shared>>
      tpu.wait_indirect_dma semaphore(%arg13 : memref<!tpu.dma_semaphore, #tpu.memory_space<semaphore_mem>>) src(%dma_wait3A_286 : memref<80x32xf32, #tpu.memory_space<vmem>>) dst(%dma_wait3A_292 : memref<10240x32xf32, #tpu.memory_space<vmem_shared>>)
      %dma_wait3A_293 = arith.constant 1 : i32
      %dma_wait3A_294 = arith.constant 1 : i32
      %dma_wait3A_295 = arith.constant 0 : i32
      %dma_wait3A_296 = arith.constant 0 : i32
      %dma_wait3A_297 = arith.constant 0 : i32
      %dma_wait3A_298 = tpu.memref_slice %arg9[%dma_wait3A_293, %dma_wait3A_294, %dma_wait3A_296, %dma_wait3A_297] : memref<2x2x80x32xf32, #tpu.memory_space<vmem>> -> memref<1x1x80x32xf32, #tpu.memory_space<vmem>>
      %dma_wait3A_299 = tpu.memref_squeeze %dma_wait3A_298 : memref<1x1x80x32xf32, #tpu.memory_space<vmem>> -> memref<80x32xf32, #tpu.memory_space<vmem>>
      %dma_wait3A_300 = arith.constant 0 : i32
      %dma_wait3A_301 = tpu.memref_slice %arg8[%dma_wait3A_295, %dma_wait3A_300] : memref<125x80xi32, #tpu.memory_space<vmem>> -> memref<1x80xi32, #tpu.memory_space<vmem>>
      %dma_wait3A_302 = tpu.memref_squeeze %dma_wait3A_301 : memref<1x80xi32, #tpu.memory_space<vmem>> -> memref<80xi32, #tpu.memory_space<vmem>>
      %dma_wait3A_303 = arith.constant 0 : i32
      %dma_wait3A_304 = arith.constant 0 : i32
      %dma_wait3A_305 = tpu.memref_slice %arg14[%dma_wait3A_303, %dma_wait3A_304] : memref<10240x32xf32, #tpu.memory_space<vmem_shared>> -> memref<10240x32xf32, #tpu.memory_space<vmem_shared>>
      tpu.wait_indirect_dma semaphore(%arg13 : memref<!tpu.dma_semaphore, #tpu.memory_space<semaphore_mem>>) src(%dma_wait3A_299 : memref<80x32xf32, #tpu.memory_space<vmem>>) dst(%dma_wait3A_305 : memref<10240x32xf32, #tpu.memory_space<vmem_shared>>)
    }
    %scan3A_34 = arith.constant 31 : i32
    %dma_start3A_35 = arith.constant 124 : i32
    %dma_start3A_36 = arith.constant 0 : i32
    %dma_start3A_37 = arith.constant 0 : i32
    %dma_start3A_38 = arith.constant 0 : i32
    %dma_start3A_39 = arith.constant 0 : i32
    %dma_start3A_40 = tpu.memref_slice %arg9[%dma_start3A_36, %dma_start3A_37, %dma_start3A_38, %dma_start3A_39] : memref<2x2x80x32xf32, #tpu.memory_space<vmem>> -> memref<1x1x80x32xf32, #tpu.memory_space<vmem>>
    %dma_start3A_41 = tpu.memref_squeeze %dma_start3A_40 : memref<1x1x80x32xf32, #tpu.memory_space<vmem>> -> memref<80x32xf32, #tpu.memory_space<vmem>>
    %dma_start3A_42 = arith.constant 0 : i32
    %dma_start3A_43 = tpu.memref_slice %arg7[%dma_start3A_35, %dma_start3A_42] : memref<125x80xi32, #tpu.memory_space<vmem>> -> memref<1x80xi32, #tpu.memory_space<vmem>>
    %dma_start3A_44 = tpu.memref_squeeze %dma_start3A_43 : memref<1x80xi32, #tpu.memory_space<vmem>> -> memref<80xi32, #tpu.memory_space<vmem>>
    %dma_start3A_45 = arith.constant 0 : i32
    %dma_start3A_46 = arith.constant 0 : i32
    %dma_start3A_47 = tpu.memref_slice %arg2[%dma_start3A_45, %dma_start3A_46] : memref<10240x32xf32, #tpu.memory_space<hbm>> -> memref<10240x32xf32, #tpu.memory_space<hbm>>
    tpu.enqueue_indirect_dma source(%dma_start3A_47 : memref<10240x32xf32, #tpu.memory_space<hbm>>) target(%dma_start3A_41 : memref<80x32xf32, #tpu.memory_space<vmem>>) offsets(%dma_start3A_44 : memref<80xi32, #tpu.memory_space<vmem>>) semaphore(%arg10 : memref<!tpu.dma_semaphore, #tpu.memory_space<semaphore_mem>>)
    %dma_wait3A = arith.constant 0 : i32
    %dma_wait3A_48 = arith.constant 0 : i32
    %dma_wait3A_49 = arith.constant 0 : i32
    %dma_wait3A_50 = arith.constant 0 : i32
    %dma_wait3A_51 = arith.constant 0 : i32
    %dma_wait3A_52 = tpu.memref_slice %arg9[%dma_wait3A_48, %dma_wait3A_49, %dma_wait3A_50, %dma_wait3A_51] : memref<2x2x80x32xf32, #tpu.memory_space<vmem>> -> memref<1x1x80x32xf32, #tpu.memory_space<vmem>>
    %dma_wait3A_53 = tpu.memref_squeeze %dma_wait3A_52 : memref<1x1x80x32xf32, #tpu.memory_space<vmem>> -> memref<80x32xf32, #tpu.memory_space<vmem>>
    %dma_wait3A_54 = arith.constant 0 : i32
    %dma_wait3A_55 = tpu.memref_slice %arg7[%dma_wait3A, %dma_wait3A_54] : memref<125x80xi32, #tpu.memory_space<vmem>> -> memref<1x80xi32, #tpu.memory_space<vmem>>
    %dma_wait3A_56 = tpu.memref_squeeze %dma_wait3A_55 : memref<1x80xi32, #tpu.memory_space<vmem>> -> memref<80xi32, #tpu.memory_space<vmem>>
    %dma_wait3A_57 = arith.constant 0 : i32
    %dma_wait3A_58 = arith.constant 0 : i32
    %dma_wait3A_59 = tpu.memref_slice %arg2[%dma_wait3A_57, %dma_wait3A_58] : memref<10240x32xf32, #tpu.memory_space<hbm>> -> memref<10240x32xf32, #tpu.memory_space<hbm>>
    tpu.wait_indirect_dma semaphore(%arg10 : memref<!tpu.dma_semaphore, #tpu.memory_space<semaphore_mem>>) src(%dma_wait3A_59 : memref<10240x32xf32, #tpu.memory_space<hbm>>) dst(%dma_wait3A_53 : memref<80x32xf32, #tpu.memory_space<vmem>>)
    %dma_start3A_60 = arith.constant 0 : i32
    %dma_start3A_61 = arith.constant 0 : i32
    %dma_start3A_62 = arith.constant 124 : i32
    %dma_start3A_63 = arith.constant 0 : i32
    %dma_start3A_64 = arith.constant 0 : i32
    %dma_start3A_65 = tpu.memref_slice %arg9[%dma_start3A_60, %dma_start3A_61, %dma_start3A_63, %dma_start3A_64] : memref<2x2x80x32xf32, #tpu.memory_space<vmem>> -> memref<1x1x80x32xf32, #tpu.memory_space<vmem>>
    %dma_start3A_66 = tpu.memref_squeeze %dma_start3A_65 : memref<1x1x80x32xf32, #tpu.memory_space<vmem>> -> memref<80x32xf32, #tpu.memory_space<vmem>>
    %dma_start3A_67 = arith.constant 0 : i32
    %dma_start3A_68 = tpu.memref_slice %arg8[%dma_start3A_62, %dma_start3A_67] : memref<125x80xi32, #tpu.memory_space<vmem>> -> memref<1x80xi32, #tpu.memory_space<vmem>>
    %dma_start3A_69 = tpu.memref_squeeze %dma_start3A_68 : memref<1x80xi32, #tpu.memory_space<vmem>> -> memref<80xi32, #tpu.memory_space<vmem>>
    %dma_start3A_70 = arith.constant 0 : i32
    %dma_start3A_71 = arith.constant 0 : i32
    %dma_start3A_72 = tpu.memref_slice %arg14[%dma_start3A_70, %dma_start3A_71] : memref<10240x32xf32, #tpu.memory_space<vmem_shared>> -> memref<10240x32xf32, #tpu.memory_space<vmem_shared>>
    tpu.enqueue_indirect_dma source(%dma_start3A_66 : memref<80x32xf32, #tpu.memory_space<vmem>>) target(%dma_start3A_72 : memref<10240x32xf32, #tpu.memory_space<vmem_shared>>) offsets(%dma_start3A_69 : memref<80xi32, #tpu.memory_space<vmem>>) semaphore(%arg12 : memref<!tpu.dma_semaphore, #tpu.memory_space<semaphore_mem>>) {add = true}
    %dma_wait3A_73 = arith.constant 0 : i32
    %dma_wait3A_74 = arith.constant 0 : i32
    %dma_wait3A_75 = arith.constant 0 : i32
    %dma_wait3A_76 = arith.constant 0 : i32
    %dma_wait3A_77 = arith.constant 0 : i32
    %dma_wait3A_78 = tpu.memref_slice %arg9[%dma_wait3A_73, %dma_wait3A_74, %dma_wait3A_76, %dma_wait3A_77] : memref<2x2x80x32xf32, #tpu.memory_space<vmem>> -> memref<1x1x80x32xf32, #tpu.memory_space<vmem>>
    %dma_wait3A_79 = tpu.memref_squeeze %dma_wait3A_78 : memref<1x1x80x32xf32, #tpu.memory_space<vmem>> -> memref<80x32xf32, #tpu.memory_space<vmem>>
    %dma_wait3A_80 = arith.constant 0 : i32
    %dma_wait3A_81 = tpu.memref_slice %arg8[%dma_wait3A_75, %dma_wait3A_80] : memref<125x80xi32, #tpu.memory_space<vmem>> -> memref<1x80xi32, #tpu.memory_space<vmem>>
    %dma_wait3A_82 = tpu.memref_squeeze %dma_wait3A_81 : memref<1x80xi32, #tpu.memory_space<vmem>> -> memref<80xi32, #tpu.memory_space<vmem>>
    %dma_wait3A_83 = arith.constant 0 : i32
    %dma_wait3A_84 = arith.constant 0 : i32
    %dma_wait3A_85 = tpu.memref_slice %arg14[%dma_wait3A_83, %dma_wait3A_84] : memref<10240x32xf32, #tpu.memory_space<vmem_shared>> -> memref<10240x32xf32, #tpu.memory_space<vmem_shared>>
    tpu.wait_indirect_dma semaphore(%arg12 : memref<!tpu.dma_semaphore, #tpu.memory_space<semaphore_mem>>) src(%dma_wait3A_79 : memref<80x32xf32, #tpu.memory_space<vmem>>) dst(%dma_wait3A_85 : memref<10240x32xf32, #tpu.memory_space<vmem_shared>>)
    %barrier3A_86 = arith.constant 0 : index
    tpu.barrier barrier_id(%barrier3A_86)
    %mul3A_87 = arith.constant 640 : i32
    %mul3A_88 = arith.muli %arg1, %mul3A_87 : i32
    %mul3A_89 = arith.constant 640 : i32
    %mul3A_90 = arith.muli %arg1, %mul3A_89 : i32
    "tpu.region"() ({
      %run_scoped3A = tpu.sem_alloc : memref<!tpu.dma_semaphore, #tpu.memory_space<semaphore_mem>>
      %dma_start3A_91 = arith.constant 0 : i32
      %dma_start3A_92 = tpu.memref_slice %arg6[%arg0, %mul3A_90, %dma_start3A_91] : memref<2x10240x32xf32, #tpu.memory_space<hbm>> -> memref<1x640x32xf32, #tpu.memory_space<hbm>>
      %dma_start3A_93 = tpu.memref_squeeze %dma_start3A_92 : memref<1x640x32xf32, #tpu.memory_space<hbm>> -> memref<640x32xf32, #tpu.memory_space<hbm>>
      %dma_start3A_94 = arith.constant 0 : i32
      %dma_start3A_95 = tpu.memref_slice %arg14[%mul3A_88, %dma_start3A_94] : memref<10240x32xf32, #tpu.memory_space<vmem_shared>> -> memref<640x32xf32, #tpu.memory_space<vmem_shared>>
      tpu.enqueue_dma source(%dma_start3A_95 : memref<640x32xf32, #tpu.memory_space<vmem_shared>>) target(%dma_start3A_93 : memref<640x32xf32, #tpu.memory_space<hbm>>) target_semaphore(%run_scoped3A : memref<!tpu.dma_semaphore, #tpu.memory_space<semaphore_mem>>)
      %dma_wait3A_96 = arith.constant 0 : i32
      %dma_wait3A_97 = tpu.memref_slice %arg6[%arg0, %mul3A_90, %dma_wait3A_96] : memref<2x10240x32xf32, #tpu.memory_space<hbm>> -> memref<1x640x32xf32, #tpu.memory_space<hbm>>
      %dma_wait3A_98 = tpu.memref_squeeze %dma_wait3A_97 : memref<1x640x32xf32, #tpu.memory_space<hbm>> -> memref<640x32xf32, #tpu.memory_space<hbm>>
      %dma_wait3A_99 = arith.constant 0 : i32
      %dma_wait3A_100 = tpu.memref_slice %arg14[%mul3A_88, %dma_wait3A_99] : memref<10240x32xf32, #tpu.memory_space<vmem_shared>> -> memref<640x32xf32, #tpu.memory_space<vmem_shared>>
      tpu.wait_dma2 semaphore(%run_scoped3A : memref<!tpu.dma_semaphore, #tpu.memory_space<semaphore_mem>>) src(%dma_wait3A_100 : memref<640x32xf32, #tpu.memory_space<vmem_shared>>) dst(%dma_wait3A_98 : memref<640x32xf32, #tpu.memory_space<hbm>>)
      tpu.yield
    }) : () -> ()
    return
  }
}

#map = affine_map<(d0, d1) -> (0, 0)>
#map1 = affine_map<(d0, d1) -> (0, 0, 0)>
module attributes {stable_mosaic.version = 14 : i64} {
  func.func @prop(%arg0: i32, %arg1: i32, %arg2: memref<10240x64xf32, #tpu.memory_space<hbm>>, %arg3: memref<32x125x80xi32, #tpu.memory_space<hbm>>, %arg4: memref<32x125x80xi32, #tpu.memory_space<hbm>>, %arg5: memref<10240x64xf32, #tpu.memory_space<hbm>>, %arg6: memref<2x10240x64xf32, #tpu.memory_space<hbm>>, %arg7: memref<125x80xi32, #tpu.memory_space<vmem>>, %arg8: memref<125x80xi32, #tpu.memory_space<vmem>>, %arg9: memref<2x2x80x64xf32, #tpu.memory_space<vmem>>, %arg10: memref<!tpu.dma_semaphore, #tpu.memory_space<semaphore_mem>>, %arg11: memref<!tpu.dma_semaphore, #tpu.memory_space<semaphore_mem>>, %arg12: memref<!tpu.dma_semaphore, #tpu.memory_space<semaphore_mem>>, %arg13: memref<!tpu.dma_semaphore, #tpu.memory_space<semaphore_mem>>, %arg14: memref<10240x64xf32, #tpu.memory_space<vmem_shared>>) attributes {dimension_semantics = [#tpu.dimension_semantics<core_parallel>, #tpu.dimension_semantics<subcore_parallel>], iteration_bounds = array<i64: 2, 16>, scalar_prefetch = 0 : i64, scratch_operands = 8 : i64, tpu.core_type = #tpu.core_type<sc_vector_subcore>, window_params = [{transform_indices = #map}, {transform_indices = #map1}, {transform_indices = #map1}, {transform_indices = #map}, {transform_indices = #map1}]} {
    %mul3A = arith.constant 16 : i32
    %mul3A_0 = arith.muli %arg0, %mul3A : i32
    %add3A = arith.addi %mul3A_0, %arg1 : i32
    "tpu.region"() ({
      %run_scoped3A = tpu.sem_alloc : memref<!tpu.dma_semaphore, #tpu.memory_space<semaphore_mem>>
      %dma_start3A_91 = arith.constant 0 : i32
      %dma_start3A_92 = arith.constant 0 : i32
      %dma_start3A_93 = tpu.memref_slice %arg3[%add3A, %dma_start3A_91, %dma_start3A_92] : memref<32x125x80xi32, #tpu.memory_space<hbm>> -> memref<1x125x80xi32, #tpu.memory_space<hbm>>
      %dma_start3A_94 = tpu.memref_squeeze %dma_start3A_93 : memref<1x125x80xi32, #tpu.memory_space<hbm>> -> memref<125x80xi32, #tpu.memory_space<hbm>>
      %dma_start3A_95 = arith.constant 0 : i32
      %dma_start3A_96 = arith.constant 0 : i32
      %dma_start3A_97 = tpu.memref_slice %arg3[%add3A, %dma_start3A_95, %dma_start3A_96] : memref<32x125x80xi32, #tpu.memory_space<hbm>> -> memref<1x125x80xi32, #tpu.memory_space<hbm>>
      %dma_start3A_98 = tpu.memref_squeeze %dma_start3A_97 : memref<1x125x80xi32, #tpu.memory_space<hbm>> -> memref<125x80xi32, #tpu.memory_space<hbm>>
      tpu.enqueue_dma source(%dma_start3A_98 : memref<125x80xi32, #tpu.memory_space<hbm>>) target(%arg7 : memref<125x80xi32, #tpu.memory_space<vmem>>) target_semaphore(%run_scoped3A : memref<!tpu.dma_semaphore, #tpu.memory_space<semaphore_mem>>)
      %dma_wait3A_99 = arith.constant 0 : i32
      %dma_wait3A_100 = arith.constant 0 : i32
      %dma_wait3A_101 = tpu.memref_slice %arg3[%add3A, %dma_wait3A_99, %dma_wait3A_100] : memref<32x125x80xi32, #tpu.memory_space<hbm>> -> memref<1x125x80xi32, #tpu.memory_space<hbm>>
      %dma_wait3A_102 = tpu.memref_squeeze %dma_wait3A_101 : memref<1x125x80xi32, #tpu.memory_space<hbm>> -> memref<125x80xi32, #tpu.memory_space<hbm>>
      %dma_wait3A_103 = arith.constant 0 : i32
      %dma_wait3A_104 = arith.constant 0 : i32
      %dma_wait3A_105 = tpu.memref_slice %arg3[%add3A, %dma_wait3A_103, %dma_wait3A_104] : memref<32x125x80xi32, #tpu.memory_space<hbm>> -> memref<1x125x80xi32, #tpu.memory_space<hbm>>
      %dma_wait3A_106 = tpu.memref_squeeze %dma_wait3A_105 : memref<1x125x80xi32, #tpu.memory_space<hbm>> -> memref<125x80xi32, #tpu.memory_space<hbm>>
      tpu.wait_dma2 semaphore(%run_scoped3A : memref<!tpu.dma_semaphore, #tpu.memory_space<semaphore_mem>>) src(%dma_wait3A_106 : memref<125x80xi32, #tpu.memory_space<hbm>>) dst(%arg7 : memref<125x80xi32, #tpu.memory_space<vmem>>)
      tpu.yield
    }) : () -> ()
    "tpu.region"() ({
      %run_scoped3A = tpu.sem_alloc : memref<!tpu.dma_semaphore, #tpu.memory_space<semaphore_mem>>
      %dma_start3A_91 = arith.constant 0 : i32
      %dma_start3A_92 = arith.constant 0 : i32
      %dma_start3A_93 = tpu.memref_slice %arg4[%add3A, %dma_start3A_91, %dma_start3A_92] : memref<32x125x80xi32, #tpu.memory_space<hbm>> -> memref<1x125x80xi32, #tpu.memory_space<hbm>>
      %dma_start3A_94 = tpu.memref_squeeze %dma_start3A_93 : memref<1x125x80xi32, #tpu.memory_space<hbm>> -> memref<125x80xi32, #tpu.memory_space<hbm>>
      %dma_start3A_95 = arith.constant 0 : i32
      %dma_start3A_96 = arith.constant 0 : i32
      %dma_start3A_97 = tpu.memref_slice %arg4[%add3A, %dma_start3A_95, %dma_start3A_96] : memref<32x125x80xi32, #tpu.memory_space<hbm>> -> memref<1x125x80xi32, #tpu.memory_space<hbm>>
      %dma_start3A_98 = tpu.memref_squeeze %dma_start3A_97 : memref<1x125x80xi32, #tpu.memory_space<hbm>> -> memref<125x80xi32, #tpu.memory_space<hbm>>
      tpu.enqueue_dma source(%dma_start3A_98 : memref<125x80xi32, #tpu.memory_space<hbm>>) target(%arg8 : memref<125x80xi32, #tpu.memory_space<vmem>>) target_semaphore(%run_scoped3A : memref<!tpu.dma_semaphore, #tpu.memory_space<semaphore_mem>>)
      %dma_wait3A_99 = arith.constant 0 : i32
      %dma_wait3A_100 = arith.constant 0 : i32
      %dma_wait3A_101 = tpu.memref_slice %arg4[%add3A, %dma_wait3A_99, %dma_wait3A_100] : memref<32x125x80xi32, #tpu.memory_space<hbm>> -> memref<1x125x80xi32, #tpu.memory_space<hbm>>
      %dma_wait3A_102 = tpu.memref_squeeze %dma_wait3A_101 : memref<1x125x80xi32, #tpu.memory_space<hbm>> -> memref<125x80xi32, #tpu.memory_space<hbm>>
      %dma_wait3A_103 = arith.constant 0 : i32
      %dma_wait3A_104 = arith.constant 0 : i32
      %dma_wait3A_105 = tpu.memref_slice %arg4[%add3A, %dma_wait3A_103, %dma_wait3A_104] : memref<32x125x80xi32, #tpu.memory_space<hbm>> -> memref<1x125x80xi32, #tpu.memory_space<hbm>>
      %dma_wait3A_106 = tpu.memref_squeeze %dma_wait3A_105 : memref<1x125x80xi32, #tpu.memory_space<hbm>> -> memref<125x80xi32, #tpu.memory_space<hbm>>
      tpu.wait_dma2 semaphore(%run_scoped3A : memref<!tpu.dma_semaphore, #tpu.memory_space<semaphore_mem>>) src(%dma_wait3A_106 : memref<125x80xi32, #tpu.memory_space<hbm>>) dst(%arg8 : memref<125x80xi32, #tpu.memory_space<vmem>>)
      tpu.yield
    }) : () -> ()
    %mul3A_1 = arith.constant 640 : i32
    %mul3A_2 = arith.muli %arg1, %mul3A_1 : i32
    %mul3A_3 = arith.constant 640 : i32
    %mul3A_4 = arith.muli %arg1, %mul3A_3 : i32
    "tpu.region"() ({
      %run_scoped3A = tpu.sem_alloc : memref<!tpu.dma_semaphore, #tpu.memory_space<semaphore_mem>>
      %dma_start3A_91 = arith.constant 0 : i32
      %dma_start3A_92 = tpu.memref_slice %arg14[%mul3A_4, %dma_start3A_91] : memref<10240x64xf32, #tpu.memory_space<vmem_shared>> -> memref<640x64xf32, #tpu.memory_space<vmem_shared>>
      %dma_start3A_93 = arith.constant 0 : i32
      %dma_start3A_94 = tpu.memref_slice %arg5[%mul3A_2, %dma_start3A_93] : memref<10240x64xf32, #tpu.memory_space<hbm>> -> memref<640x64xf32, #tpu.memory_space<hbm>>
      tpu.enqueue_dma source(%dma_start3A_94 : memref<640x64xf32, #tpu.memory_space<hbm>>) target(%dma_start3A_92 : memref<640x64xf32, #tpu.memory_space<vmem_shared>>) target_semaphore(%run_scoped3A : memref<!tpu.dma_semaphore, #tpu.memory_space<semaphore_mem>>)
      %dma_wait3A_95 = arith.constant 0 : i32
      %dma_wait3A_96 = tpu.memref_slice %arg14[%mul3A_4, %dma_wait3A_95] : memref<10240x64xf32, #tpu.memory_space<vmem_shared>> -> memref<640x64xf32, #tpu.memory_space<vmem_shared>>
      %dma_wait3A_97 = arith.constant 0 : i32
      %dma_wait3A_98 = tpu.memref_slice %arg5[%mul3A_2, %dma_wait3A_97] : memref<10240x64xf32, #tpu.memory_space<hbm>> -> memref<640x64xf32, #tpu.memory_space<hbm>>
      tpu.wait_dma2 semaphore(%run_scoped3A : memref<!tpu.dma_semaphore, #tpu.memory_space<semaphore_mem>>) src(%dma_wait3A_98 : memref<640x64xf32, #tpu.memory_space<hbm>>) dst(%dma_wait3A_96 : memref<640x64xf32, #tpu.memory_space<vmem_shared>>)
      tpu.yield
    }) : () -> ()
    %barrier3A = arith.constant 0 : index
    tpu.barrier barrier_id(%barrier3A)
    %dma_start3A = arith.constant 0 : i32
    %dma_start3A_5 = arith.constant 0 : i32
    %dma_start3A_6 = arith.constant 0 : i32
    %dma_start3A_7 = arith.constant 0 : i32
    %dma_start3A_8 = arith.constant 0 : i32
    %dma_start3A_9 = tpu.memref_slice %arg9[%dma_start3A_5, %dma_start3A_6, %dma_start3A_7, %dma_start3A_8] : memref<2x2x80x64xf32, #tpu.memory_space<vmem>> -> memref<1x1x80x64xf32, #tpu.memory_space<vmem>>
    %dma_start3A_10 = tpu.memref_squeeze %dma_start3A_9 : memref<1x1x80x64xf32, #tpu.memory_space<vmem>> -> memref<80x64xf32, #tpu.memory_space<vmem>>
    %dma_start3A_11 = arith.constant 0 : i32
    %dma_start3A_12 = tpu.memref_slice %arg7[%dma_start3A, %dma_start3A_11] : memref<125x80xi32, #tpu.memory_space<vmem>> -> memref<1x80xi32, #tpu.memory_space<vmem>>
    %dma_start3A_13 = tpu.memref_squeeze %dma_start3A_12 : memref<1x80xi32, #tpu.memory_space<vmem>> -> memref<80xi32, #tpu.memory_space<vmem>>
    %dma_start3A_14 = arith.constant 0 : i32
    %dma_start3A_15 = arith.constant 0 : i32
    %dma_start3A_16 = tpu.memref_slice %arg2[%dma_start3A_14, %dma_start3A_15] : memref<10240x64xf32, #tpu.memory_space<hbm>> -> memref<10240x64xf32, #tpu.memory_space<hbm>>
    tpu.enqueue_indirect_dma source(%dma_start3A_16 : memref<10240x64xf32, #tpu.memory_space<hbm>>) target(%dma_start3A_10 : memref<80x64xf32, #tpu.memory_space<vmem>>) offsets(%dma_start3A_13 : memref<80xi32, #tpu.memory_space<vmem>>) semaphore(%arg10 : memref<!tpu.dma_semaphore, #tpu.memory_space<semaphore_mem>>)
    %dma_start3A_17 = arith.constant 1 : i32
    %dma_start3A_18 = arith.constant 0 : i32
    %dma_start3A_19 = arith.constant 1 : i32
    %dma_start3A_20 = arith.constant 0 : i32
    %dma_start3A_21 = arith.constant 0 : i32
    %dma_start3A_22 = tpu.memref_slice %arg9[%dma_start3A_18, %dma_start3A_19, %dma_start3A_20, %dma_start3A_21] : memref<2x2x80x64xf32, #tpu.memory_space<vmem>> -> memref<1x1x80x64xf32, #tpu.memory_space<vmem>>
    %dma_start3A_23 = tpu.memref_squeeze %dma_start3A_22 : memref<1x1x80x64xf32, #tpu.memory_space<vmem>> -> memref<80x64xf32, #tpu.memory_space<vmem>>
    %dma_start3A_24 = arith.constant 0 : i32
    %dma_start3A_25 = tpu.memref_slice %arg7[%dma_start3A_17, %dma_start3A_24] : memref<125x80xi32, #tpu.memory_space<vmem>> -> memref<1x80xi32, #tpu.memory_space<vmem>>
    %dma_start3A_26 = tpu.memref_squeeze %dma_start3A_25 : memref<1x80xi32, #tpu.memory_space<vmem>> -> memref<80xi32, #tpu.memory_space<vmem>>
    %dma_start3A_27 = arith.constant 0 : i32
    %dma_start3A_28 = arith.constant 0 : i32
    %dma_start3A_29 = tpu.memref_slice %arg2[%dma_start3A_27, %dma_start3A_28] : memref<10240x64xf32, #tpu.memory_space<hbm>> -> memref<10240x64xf32, #tpu.memory_space<hbm>>
    tpu.enqueue_indirect_dma source(%dma_start3A_29 : memref<10240x64xf32, #tpu.memory_space<hbm>>) target(%dma_start3A_23 : memref<80x64xf32, #tpu.memory_space<vmem>>) offsets(%dma_start3A_26 : memref<80xi32, #tpu.memory_space<vmem>>) semaphore(%arg10 : memref<!tpu.dma_semaphore, #tpu.memory_space<semaphore_mem>>)
    %scan3A = arith.constant 0 : i32
    %scan3A_30 = arith.constant 0 : i32
    %scan3A_31 = arith.constant 31 : i32
    %scan3A_32 = arith.addi %scan3A_30, %scan3A_31 : i32
    %scan3A_33 = arith.constant 1 : i32
    scf.for %scan3A_91 = %scan3A_30 to %scan3A_32 step %scan3A_33  : i32 {
      %mul3A_92 = arith.constant 2 : i32
      %mul3A_93 = arith.muli %mul3A_92, %scan3A_91 : i32
      %add3A_94 = arith.constant 1 : i32
      %add3A_95 = arith.addi %mul3A_93, %add3A_94 : i32
      %mul3A_96 = arith.constant 2 : i32
      %mul3A_97 = arith.muli %add3A_95, %mul3A_96 : i32
      %add3A_98 = arith.constant 0 : i32
      %add3A_99 = arith.addi %mul3A_97, %add3A_98 : i32
      %dma_start3A_100 = arith.constant 1 : i32
      %dma_start3A_101 = arith.constant 0 : i32
      %dma_start3A_102 = arith.constant 0 : i32
      %dma_start3A_103 = arith.constant 0 : i32
      %dma_start3A_104 = tpu.memref_slice %arg9[%dma_start3A_100, %dma_start3A_101, %dma_start3A_102, %dma_start3A_103] : memref<2x2x80x64xf32, #tpu.memory_space<vmem>> -> memref<1x1x80x64xf32, #tpu.memory_space<vmem>>
      %dma_start3A_105 = tpu.memref_squeeze %dma_start3A_104 : memref<1x1x80x64xf32, #tpu.memory_space<vmem>> -> memref<80x64xf32, #tpu.memory_space<vmem>>
      %dma_start3A_106 = arith.constant 0 : i32
      %dma_start3A_107 = tpu.memref_slice %arg7[%add3A_99, %dma_start3A_106] : memref<125x80xi32, #tpu.memory_space<vmem>> -> memref<1x80xi32, #tpu.memory_space<vmem>>
      %dma_start3A_108 = tpu.memref_squeeze %dma_start3A_107 : memref<1x80xi32, #tpu.memory_space<vmem>> -> memref<80xi32, #tpu.memory_space<vmem>>
      %dma_start3A_109 = arith.constant 0 : i32
      %dma_start3A_110 = arith.constant 0 : i32
      %dma_start3A_111 = tpu.memref_slice %arg2[%dma_start3A_109, %dma_start3A_110] : memref<10240x64xf32, #tpu.memory_space<hbm>> -> memref<10240x64xf32, #tpu.memory_space<hbm>>
      tpu.enqueue_indirect_dma source(%dma_start3A_111 : memref<10240x64xf32, #tpu.memory_space<hbm>>) target(%dma_start3A_105 : memref<80x64xf32, #tpu.memory_space<vmem>>) offsets(%dma_start3A_108 : memref<80xi32, #tpu.memory_space<vmem>>) semaphore(%arg11 : memref<!tpu.dma_semaphore, #tpu.memory_space<semaphore_mem>>)
      %mul3A_112 = arith.constant 2 : i32
      %mul3A_113 = arith.muli %add3A_95, %mul3A_112 : i32
      %add3A_114 = arith.constant 1 : i32
      %add3A_115 = arith.addi %mul3A_113, %add3A_114 : i32
      %dma_start3A_116 = arith.constant 1 : i32
      %dma_start3A_117 = arith.constant 1 : i32
      %dma_start3A_118 = arith.constant 0 : i32
      %dma_start3A_119 = arith.constant 0 : i32
      %dma_start3A_120 = tpu.memref_slice %arg9[%dma_start3A_116, %dma_start3A_117, %dma_start3A_118, %dma_start3A_119] : memref<2x2x80x64xf32, #tpu.memory_space<vmem>> -> memref<1x1x80x64xf32, #tpu.memory_space<vmem>>
      %dma_start3A_121 = tpu.memref_squeeze %dma_start3A_120 : memref<1x1x80x64xf32, #tpu.memory_space<vmem>> -> memref<80x64xf32, #tpu.memory_space<vmem>>
      %dma_start3A_122 = arith.constant 0 : i32
      %dma_start3A_123 = tpu.memref_slice %arg7[%add3A_115, %dma_start3A_122] : memref<125x80xi32, #tpu.memory_space<vmem>> -> memref<1x80xi32, #tpu.memory_space<vmem>>
      %dma_start3A_124 = tpu.memref_squeeze %dma_start3A_123 : memref<1x80xi32, #tpu.memory_space<vmem>> -> memref<80xi32, #tpu.memory_space<vmem>>
      %dma_start3A_125 = arith.constant 0 : i32
      %dma_start3A_126 = arith.constant 0 : i32
      %dma_start3A_127 = tpu.memref_slice %arg2[%dma_start3A_125, %dma_start3A_126] : memref<10240x64xf32, #tpu.memory_space<hbm>> -> memref<10240x64xf32, #tpu.memory_space<hbm>>
      tpu.enqueue_indirect_dma source(%dma_start3A_127 : memref<10240x64xf32, #tpu.memory_space<hbm>>) target(%dma_start3A_121 : memref<80x64xf32, #tpu.memory_space<vmem>>) offsets(%dma_start3A_124 : memref<80xi32, #tpu.memory_space<vmem>>) semaphore(%arg11 : memref<!tpu.dma_semaphore, #tpu.memory_space<semaphore_mem>>)
      %dma_wait3A_128 = arith.constant 0 : i32
      %dma_wait3A_129 = arith.constant 0 : i32
      %dma_wait3A_130 = arith.constant 0 : i32
      %dma_wait3A_131 = arith.constant 0 : i32
      %dma_wait3A_132 = arith.constant 0 : i32
      %dma_wait3A_133 = tpu.memref_slice %arg9[%dma_wait3A_129, %dma_wait3A_130, %dma_wait3A_131, %dma_wait3A_132] : memref<2x2x80x64xf32, #tpu.memory_space<vmem>> -> memref<1x1x80x64xf32, #tpu.memory_space<vmem>>
      %dma_wait3A_134 = tpu.memref_squeeze %dma_wait3A_133 : memref<1x1x80x64xf32, #tpu.memory_space<vmem>> -> memref<80x64xf32, #tpu.memory_space<vmem>>
      %dma_wait3A_135 = arith.constant 0 : i32
      %dma_wait3A_136 = tpu.memref_slice %arg7[%dma_wait3A_128, %dma_wait3A_135] : memref<125x80xi32, #tpu.memory_space<vmem>> -> memref<1x80xi32, #tpu.memory_space<vmem>>
      %dma_wait3A_137 = tpu.memref_squeeze %dma_wait3A_136 : memref<1x80xi32, #tpu.memory_space<vmem>> -> memref<80xi32, #tpu.memory_space<vmem>>
      %dma_wait3A_138 = arith.constant 0 : i32
      %dma_wait3A_139 = arith.constant 0 : i32
      %dma_wait3A_140 = tpu.memref_slice %arg2[%dma_wait3A_138, %dma_wait3A_139] : memref<10240x64xf32, #tpu.memory_space<hbm>> -> memref<10240x64xf32, #tpu.memory_space<hbm>>
      tpu.wait_indirect_dma semaphore(%arg10 : memref<!tpu.dma_semaphore, #tpu.memory_space<semaphore_mem>>) src(%dma_wait3A_140 : memref<10240x64xf32, #tpu.memory_space<hbm>>) dst(%dma_wait3A_134 : memref<80x64xf32, #tpu.memory_space<vmem>>)
      %dma_wait3A_141 = arith.constant 0 : i32
      %dma_wait3A_142 = arith.constant 0 : i32
      %dma_wait3A_143 = arith.constant 1 : i32
      %dma_wait3A_144 = arith.constant 0 : i32
      %dma_wait3A_145 = arith.constant 0 : i32
      %dma_wait3A_146 = tpu.memref_slice %arg9[%dma_wait3A_142, %dma_wait3A_143, %dma_wait3A_144, %dma_wait3A_145] : memref<2x2x80x64xf32, #tpu.memory_space<vmem>> -> memref<1x1x80x64xf32, #tpu.memory_space<vmem>>
      %dma_wait3A_147 = tpu.memref_squeeze %dma_wait3A_146 : memref<1x1x80x64xf32, #tpu.memory_space<vmem>> -> memref<80x64xf32, #tpu.memory_space<vmem>>
      %dma_wait3A_148 = arith.constant 0 : i32
      %dma_wait3A_149 = tpu.memref_slice %arg7[%dma_wait3A_141, %dma_wait3A_148] : memref<125x80xi32, #tpu.memory_space<vmem>> -> memref<1x80xi32, #tpu.memory_space<vmem>>
      %dma_wait3A_150 = tpu.memref_squeeze %dma_wait3A_149 : memref<1x80xi32, #tpu.memory_space<vmem>> -> memref<80xi32, #tpu.memory_space<vmem>>
      %dma_wait3A_151 = arith.constant 0 : i32
      %dma_wait3A_152 = arith.constant 0 : i32
      %dma_wait3A_153 = tpu.memref_slice %arg2[%dma_wait3A_151, %dma_wait3A_152] : memref<10240x64xf32, #tpu.memory_space<hbm>> -> memref<10240x64xf32, #tpu.memory_space<hbm>>
      tpu.wait_indirect_dma semaphore(%arg10 : memref<!tpu.dma_semaphore, #tpu.memory_space<semaphore_mem>>) src(%dma_wait3A_153 : memref<10240x64xf32, #tpu.memory_space<hbm>>) dst(%dma_wait3A_147 : memref<80x64xf32, #tpu.memory_space<vmem>>)
      %mul3A_154 = arith.constant 2 : i32
      %mul3A_155 = arith.muli %mul3A_154, %scan3A_91 : i32
      %mul3A_156 = arith.constant 2 : i32
      %mul3A_157 = arith.muli %mul3A_155, %mul3A_156 : i32
      %add3A_158 = arith.constant 0 : i32
      %add3A_159 = arith.addi %mul3A_157, %add3A_158 : i32
      %dma_start3A_160 = arith.constant 0 : i32
      %dma_start3A_161 = arith.constant 0 : i32
      %dma_start3A_162 = arith.constant 0 : i32
      %dma_start3A_163 = arith.constant 0 : i32
      %dma_start3A_164 = tpu.memref_slice %arg9[%dma_start3A_160, %dma_start3A_161, %dma_start3A_162, %dma_start3A_163] : memref<2x2x80x64xf32, #tpu.memory_space<vmem>> -> memref<1x1x80x64xf32, #tpu.memory_space<vmem>>
      %dma_start3A_165 = tpu.memref_squeeze %dma_start3A_164 : memref<1x1x80x64xf32, #tpu.memory_space<vmem>> -> memref<80x64xf32, #tpu.memory_space<vmem>>
      %dma_start3A_166 = arith.constant 0 : i32
      %dma_start3A_167 = tpu.memref_slice %arg8[%add3A_159, %dma_start3A_166] : memref<125x80xi32, #tpu.memory_space<vmem>> -> memref<1x80xi32, #tpu.memory_space<vmem>>
      %dma_start3A_168 = tpu.memref_squeeze %dma_start3A_167 : memref<1x80xi32, #tpu.memory_space<vmem>> -> memref<80xi32, #tpu.memory_space<vmem>>
      %dma_start3A_169 = arith.constant 0 : i32
      %dma_start3A_170 = arith.constant 0 : i32
      %dma_start3A_171 = tpu.memref_slice %arg14[%dma_start3A_169, %dma_start3A_170] : memref<10240x64xf32, #tpu.memory_space<vmem_shared>> -> memref<10240x64xf32, #tpu.memory_space<vmem_shared>>
      tpu.enqueue_indirect_dma source(%dma_start3A_165 : memref<80x64xf32, #tpu.memory_space<vmem>>) target(%dma_start3A_171 : memref<10240x64xf32, #tpu.memory_space<vmem_shared>>) offsets(%dma_start3A_168 : memref<80xi32, #tpu.memory_space<vmem>>) semaphore(%arg12 : memref<!tpu.dma_semaphore, #tpu.memory_space<semaphore_mem>>) {add = true}
      %mul3A_172 = arith.constant 2 : i32
      %mul3A_173 = arith.muli %mul3A_155, %mul3A_172 : i32
      %add3A_174 = arith.constant 1 : i32
      %add3A_175 = arith.addi %mul3A_173, %add3A_174 : i32
      %dma_start3A_176 = arith.constant 0 : i32
      %dma_start3A_177 = arith.constant 1 : i32
      %dma_start3A_178 = arith.constant 0 : i32
      %dma_start3A_179 = arith.constant 0 : i32
      %dma_start3A_180 = tpu.memref_slice %arg9[%dma_start3A_176, %dma_start3A_177, %dma_start3A_178, %dma_start3A_179] : memref<2x2x80x64xf32, #tpu.memory_space<vmem>> -> memref<1x1x80x64xf32, #tpu.memory_space<vmem>>
      %dma_start3A_181 = tpu.memref_squeeze %dma_start3A_180 : memref<1x1x80x64xf32, #tpu.memory_space<vmem>> -> memref<80x64xf32, #tpu.memory_space<vmem>>
      %dma_start3A_182 = arith.constant 0 : i32
      %dma_start3A_183 = tpu.memref_slice %arg8[%add3A_175, %dma_start3A_182] : memref<125x80xi32, #tpu.memory_space<vmem>> -> memref<1x80xi32, #tpu.memory_space<vmem>>
      %dma_start3A_184 = tpu.memref_squeeze %dma_start3A_183 : memref<1x80xi32, #tpu.memory_space<vmem>> -> memref<80xi32, #tpu.memory_space<vmem>>
      %dma_start3A_185 = arith.constant 0 : i32
      %dma_start3A_186 = arith.constant 0 : i32
      %dma_start3A_187 = tpu.memref_slice %arg14[%dma_start3A_185, %dma_start3A_186] : memref<10240x64xf32, #tpu.memory_space<vmem_shared>> -> memref<10240x64xf32, #tpu.memory_space<vmem_shared>>
      tpu.enqueue_indirect_dma source(%dma_start3A_181 : memref<80x64xf32, #tpu.memory_space<vmem>>) target(%dma_start3A_187 : memref<10240x64xf32, #tpu.memory_space<vmem_shared>>) offsets(%dma_start3A_184 : memref<80xi32, #tpu.memory_space<vmem>>) semaphore(%arg12 : memref<!tpu.dma_semaphore, #tpu.memory_space<semaphore_mem>>) {add = true}
      %dma_wait3A_188 = arith.constant 0 : i32
      %dma_wait3A_189 = arith.constant 1 : i32
      %dma_wait3A_190 = arith.constant 0 : i32
      %dma_wait3A_191 = arith.constant 0 : i32
      %dma_wait3A_192 = arith.constant 0 : i32
      %dma_wait3A_193 = tpu.memref_slice %arg9[%dma_wait3A_189, %dma_wait3A_190, %dma_wait3A_191, %dma_wait3A_192] : memref<2x2x80x64xf32, #tpu.memory_space<vmem>> -> memref<1x1x80x64xf32, #tpu.memory_space<vmem>>
      %dma_wait3A_194 = tpu.memref_squeeze %dma_wait3A_193 : memref<1x1x80x64xf32, #tpu.memory_space<vmem>> -> memref<80x64xf32, #tpu.memory_space<vmem>>
      %dma_wait3A_195 = arith.constant 0 : i32
      %dma_wait3A_196 = tpu.memref_slice %arg7[%dma_wait3A_188, %dma_wait3A_195] : memref<125x80xi32, #tpu.memory_space<vmem>> -> memref<1x80xi32, #tpu.memory_space<vmem>>
      %dma_wait3A_197 = tpu.memref_squeeze %dma_wait3A_196 : memref<1x80xi32, #tpu.memory_space<vmem>> -> memref<80xi32, #tpu.memory_space<vmem>>
      %dma_wait3A_198 = arith.constant 0 : i32
      %dma_wait3A_199 = arith.constant 0 : i32
      %dma_wait3A_200 = tpu.memref_slice %arg2[%dma_wait3A_198, %dma_wait3A_199] : memref<10240x64xf32, #tpu.memory_space<hbm>> -> memref<10240x64xf32, #tpu.memory_space<hbm>>
      tpu.wait_indirect_dma semaphore(%arg11 : memref<!tpu.dma_semaphore, #tpu.memory_space<semaphore_mem>>) src(%dma_wait3A_200 : memref<10240x64xf32, #tpu.memory_space<hbm>>) dst(%dma_wait3A_194 : memref<80x64xf32, #tpu.memory_space<vmem>>)
      %dma_wait3A_201 = arith.constant 0 : i32
      %dma_wait3A_202 = arith.constant 1 : i32
      %dma_wait3A_203 = arith.constant 1 : i32
      %dma_wait3A_204 = arith.constant 0 : i32
      %dma_wait3A_205 = arith.constant 0 : i32
      %dma_wait3A_206 = tpu.memref_slice %arg9[%dma_wait3A_202, %dma_wait3A_203, %dma_wait3A_204, %dma_wait3A_205] : memref<2x2x80x64xf32, #tpu.memory_space<vmem>> -> memref<1x1x80x64xf32, #tpu.memory_space<vmem>>
      %dma_wait3A_207 = tpu.memref_squeeze %dma_wait3A_206 : memref<1x1x80x64xf32, #tpu.memory_space<vmem>> -> memref<80x64xf32, #tpu.memory_space<vmem>>
      %dma_wait3A_208 = arith.constant 0 : i32
      %dma_wait3A_209 = tpu.memref_slice %arg7[%dma_wait3A_201, %dma_wait3A_208] : memref<125x80xi32, #tpu.memory_space<vmem>> -> memref<1x80xi32, #tpu.memory_space<vmem>>
      %dma_wait3A_210 = tpu.memref_squeeze %dma_wait3A_209 : memref<1x80xi32, #tpu.memory_space<vmem>> -> memref<80xi32, #tpu.memory_space<vmem>>
      %dma_wait3A_211 = arith.constant 0 : i32
      %dma_wait3A_212 = arith.constant 0 : i32
      %dma_wait3A_213 = tpu.memref_slice %arg2[%dma_wait3A_211, %dma_wait3A_212] : memref<10240x64xf32, #tpu.memory_space<hbm>> -> memref<10240x64xf32, #tpu.memory_space<hbm>>
      tpu.wait_indirect_dma semaphore(%arg11 : memref<!tpu.dma_semaphore, #tpu.memory_space<semaphore_mem>>) src(%dma_wait3A_213 : memref<10240x64xf32, #tpu.memory_space<hbm>>) dst(%dma_wait3A_207 : memref<80x64xf32, #tpu.memory_space<vmem>>)
      %mul3A_214 = arith.constant 2 : i32
      %mul3A_215 = arith.muli %mul3A_214, %scan3A_91 : i32
      %add3A_216 = arith.constant 1 : i32
      %add3A_217 = arith.addi %mul3A_215, %add3A_216 : i32
      %mul3A_218 = arith.constant 2 : i32
      %mul3A_219 = arith.muli %add3A_217, %mul3A_218 : i32
      %add3A_220 = arith.constant 0 : i32
      %add3A_221 = arith.addi %mul3A_219, %add3A_220 : i32
      %dma_start3A_222 = arith.constant 1 : i32
      %dma_start3A_223 = arith.constant 0 : i32
      %dma_start3A_224 = arith.constant 0 : i32
      %dma_start3A_225 = arith.constant 0 : i32
      %dma_start3A_226 = tpu.memref_slice %arg9[%dma_start3A_222, %dma_start3A_223, %dma_start3A_224, %dma_start3A_225] : memref<2x2x80x64xf32, #tpu.memory_space<vmem>> -> memref<1x1x80x64xf32, #tpu.memory_space<vmem>>
      %dma_start3A_227 = tpu.memref_squeeze %dma_start3A_226 : memref<1x1x80x64xf32, #tpu.memory_space<vmem>> -> memref<80x64xf32, #tpu.memory_space<vmem>>
      %dma_start3A_228 = arith.constant 0 : i32
      %dma_start3A_229 = tpu.memref_slice %arg8[%add3A_221, %dma_start3A_228] : memref<125x80xi32, #tpu.memory_space<vmem>> -> memref<1x80xi32, #tpu.memory_space<vmem>>
      %dma_start3A_230 = tpu.memref_squeeze %dma_start3A_229 : memref<1x80xi32, #tpu.memory_space<vmem>> -> memref<80xi32, #tpu.memory_space<vmem>>
      %dma_start3A_231 = arith.constant 0 : i32
      %dma_start3A_232 = arith.constant 0 : i32
      %dma_start3A_233 = tpu.memref_slice %arg14[%dma_start3A_231, %dma_start3A_232] : memref<10240x64xf32, #tpu.memory_space<vmem_shared>> -> memref<10240x64xf32, #tpu.memory_space<vmem_shared>>
      tpu.enqueue_indirect_dma source(%dma_start3A_227 : memref<80x64xf32, #tpu.memory_space<vmem>>) target(%dma_start3A_233 : memref<10240x64xf32, #tpu.memory_space<vmem_shared>>) offsets(%dma_start3A_230 : memref<80xi32, #tpu.memory_space<vmem>>) semaphore(%arg13 : memref<!tpu.dma_semaphore, #tpu.memory_space<semaphore_mem>>) {add = true}
      %mul3A_234 = arith.constant 2 : i32
      %mul3A_235 = arith.muli %add3A_217, %mul3A_234 : i32
      %add3A_236 = arith.constant 1 : i32
      %add3A_237 = arith.addi %mul3A_235, %add3A_236 : i32
      %dma_start3A_238 = arith.constant 1 : i32
      %dma_start3A_239 = arith.constant 1 : i32
      %dma_start3A_240 = arith.constant 0 : i32
      %dma_start3A_241 = arith.constant 0 : i32
      %dma_start3A_242 = tpu.memref_slice %arg9[%dma_start3A_238, %dma_start3A_239, %dma_start3A_240, %dma_start3A_241] : memref<2x2x80x64xf32, #tpu.memory_space<vmem>> -> memref<1x1x80x64xf32, #tpu.memory_space<vmem>>
      %dma_start3A_243 = tpu.memref_squeeze %dma_start3A_242 : memref<1x1x80x64xf32, #tpu.memory_space<vmem>> -> memref<80x64xf32, #tpu.memory_space<vmem>>
      %dma_start3A_244 = arith.constant 0 : i32
      %dma_start3A_245 = tpu.memref_slice %arg8[%add3A_237, %dma_start3A_244] : memref<125x80xi32, #tpu.memory_space<vmem>> -> memref<1x80xi32, #tpu.memory_space<vmem>>
      %dma_start3A_246 = tpu.memref_squeeze %dma_start3A_245 : memref<1x80xi32, #tpu.memory_space<vmem>> -> memref<80xi32, #tpu.memory_space<vmem>>
      %dma_start3A_247 = arith.constant 0 : i32
      %dma_start3A_248 = arith.constant 0 : i32
      %dma_start3A_249 = tpu.memref_slice %arg14[%dma_start3A_247, %dma_start3A_248] : memref<10240x64xf32, #tpu.memory_space<vmem_shared>> -> memref<10240x64xf32, #tpu.memory_space<vmem_shared>>
      tpu.enqueue_indirect_dma source(%dma_start3A_243 : memref<80x64xf32, #tpu.memory_space<vmem>>) target(%dma_start3A_249 : memref<10240x64xf32, #tpu.memory_space<vmem_shared>>) offsets(%dma_start3A_246 : memref<80xi32, #tpu.memory_space<vmem>>) semaphore(%arg13 : memref<!tpu.dma_semaphore, #tpu.memory_space<semaphore_mem>>) {add = true}
      %dma_wait3A_250 = arith.constant 0 : i32
      %dma_wait3A_251 = arith.constant 0 : i32
      %dma_wait3A_252 = arith.constant 0 : i32
      %dma_wait3A_253 = arith.constant 0 : i32
      %dma_wait3A_254 = arith.constant 0 : i32
      %dma_wait3A_255 = tpu.memref_slice %arg9[%dma_wait3A_250, %dma_wait3A_251, %dma_wait3A_253, %dma_wait3A_254] : memref<2x2x80x64xf32, #tpu.memory_space<vmem>> -> memref<1x1x80x64xf32, #tpu.memory_space<vmem>>
      %dma_wait3A_256 = tpu.memref_squeeze %dma_wait3A_255 : memref<1x1x80x64xf32, #tpu.memory_space<vmem>> -> memref<80x64xf32, #tpu.memory_space<vmem>>
      %dma_wait3A_257 = arith.constant 0 : i32
      %dma_wait3A_258 = tpu.memref_slice %arg8[%dma_wait3A_252, %dma_wait3A_257] : memref<125x80xi32, #tpu.memory_space<vmem>> -> memref<1x80xi32, #tpu.memory_space<vmem>>
      %dma_wait3A_259 = tpu.memref_squeeze %dma_wait3A_258 : memref<1x80xi32, #tpu.memory_space<vmem>> -> memref<80xi32, #tpu.memory_space<vmem>>
      %dma_wait3A_260 = arith.constant 0 : i32
      %dma_wait3A_261 = arith.constant 0 : i32
      %dma_wait3A_262 = tpu.memref_slice %arg14[%dma_wait3A_260, %dma_wait3A_261] : memref<10240x64xf32, #tpu.memory_space<vmem_shared>> -> memref<10240x64xf32, #tpu.memory_space<vmem_shared>>
      tpu.wait_indirect_dma semaphore(%arg12 : memref<!tpu.dma_semaphore, #tpu.memory_space<semaphore_mem>>) src(%dma_wait3A_256 : memref<80x64xf32, #tpu.memory_space<vmem>>) dst(%dma_wait3A_262 : memref<10240x64xf32, #tpu.memory_space<vmem_shared>>)
      %dma_wait3A_263 = arith.constant 0 : i32
      %dma_wait3A_264 = arith.constant 1 : i32
      %dma_wait3A_265 = arith.constant 0 : i32
      %dma_wait3A_266 = arith.constant 0 : i32
      %dma_wait3A_267 = arith.constant 0 : i32
      %dma_wait3A_268 = tpu.memref_slice %arg9[%dma_wait3A_263, %dma_wait3A_264, %dma_wait3A_266, %dma_wait3A_267] : memref<2x2x80x64xf32, #tpu.memory_space<vmem>> -> memref<1x1x80x64xf32, #tpu.memory_space<vmem>>
      %dma_wait3A_269 = tpu.memref_squeeze %dma_wait3A_268 : memref<1x1x80x64xf32, #tpu.memory_space<vmem>> -> memref<80x64xf32, #tpu.memory_space<vmem>>
      %dma_wait3A_270 = arith.constant 0 : i32
      %dma_wait3A_271 = tpu.memref_slice %arg8[%dma_wait3A_265, %dma_wait3A_270] : memref<125x80xi32, #tpu.memory_space<vmem>> -> memref<1x80xi32, #tpu.memory_space<vmem>>
      %dma_wait3A_272 = tpu.memref_squeeze %dma_wait3A_271 : memref<1x80xi32, #tpu.memory_space<vmem>> -> memref<80xi32, #tpu.memory_space<vmem>>
      %dma_wait3A_273 = arith.constant 0 : i32
      %dma_wait3A_274 = arith.constant 0 : i32
      %dma_wait3A_275 = tpu.memref_slice %arg14[%dma_wait3A_273, %dma_wait3A_274] : memref<10240x64xf32, #tpu.memory_space<vmem_shared>> -> memref<10240x64xf32, #tpu.memory_space<vmem_shared>>
      tpu.wait_indirect_dma semaphore(%arg12 : memref<!tpu.dma_semaphore, #tpu.memory_space<semaphore_mem>>) src(%dma_wait3A_269 : memref<80x64xf32, #tpu.memory_space<vmem>>) dst(%dma_wait3A_275 : memref<10240x64xf32, #tpu.memory_space<vmem_shared>>)
      %add3A_276 = arith.constant 1 : i32
      %add3A_277 = arith.addi %scan3A_91, %add3A_276 : i32
      %lt3A = arith.constant 31 : i32
      %lt3A_278 = arith.cmpi slt, %add3A_277, %lt3A : i32
      %convert_element_type3A = arith.extui %lt3A_278 : i1 to i32
      %cond3A = arith.constant 0 : i32
      %cond3A_279 = arith.cmpi ne, %convert_element_type3A, %cond3A : i32
      scf.if %cond3A_279 {
        %mul3A_306 = arith.constant 2 : i32
        %mul3A_307 = arith.muli %mul3A_306, %scan3A_91 : i32
        %add3A_308 = arith.constant 2 : i32
        %add3A_309 = arith.addi %mul3A_307, %add3A_308 : i32
        %mul3A_310 = arith.constant 2 : i32
        %mul3A_311 = arith.muli %add3A_309, %mul3A_310 : i32
        %add3A_312 = arith.constant 0 : i32
        %add3A_313 = arith.addi %mul3A_311, %add3A_312 : i32
        %dma_start3A_314 = arith.constant 0 : i32
        %dma_start3A_315 = arith.constant 0 : i32
        %dma_start3A_316 = arith.constant 0 : i32
        %dma_start3A_317 = arith.constant 0 : i32
        %dma_start3A_318 = tpu.memref_slice %arg9[%dma_start3A_314, %dma_start3A_315, %dma_start3A_316, %dma_start3A_317] : memref<2x2x80x64xf32, #tpu.memory_space<vmem>> -> memref<1x1x80x64xf32, #tpu.memory_space<vmem>>
        %dma_start3A_319 = tpu.memref_squeeze %dma_start3A_318 : memref<1x1x80x64xf32, #tpu.memory_space<vmem>> -> memref<80x64xf32, #tpu.memory_space<vmem>>
        %dma_start3A_320 = arith.constant 0 : i32
        %dma_start3A_321 = tpu.memref_slice %arg7[%add3A_313, %dma_start3A_320] : memref<125x80xi32, #tpu.memory_space<vmem>> -> memref<1x80xi32, #tpu.memory_space<vmem>>
        %dma_start3A_322 = tpu.memref_squeeze %dma_start3A_321 : memref<1x80xi32, #tpu.memory_space<vmem>> -> memref<80xi32, #tpu.memory_space<vmem>>
        %dma_start3A_323 = arith.constant 0 : i32
        %dma_start3A_324 = arith.constant 0 : i32
        %dma_start3A_325 = tpu.memref_slice %arg2[%dma_start3A_323, %dma_start3A_324] : memref<10240x64xf32, #tpu.memory_space<hbm>> -> memref<10240x64xf32, #tpu.memory_space<hbm>>
        tpu.enqueue_indirect_dma source(%dma_start3A_325 : memref<10240x64xf32, #tpu.memory_space<hbm>>) target(%dma_start3A_319 : memref<80x64xf32, #tpu.memory_space<vmem>>) offsets(%dma_start3A_322 : memref<80xi32, #tpu.memory_space<vmem>>) semaphore(%arg10 : memref<!tpu.dma_semaphore, #tpu.memory_space<semaphore_mem>>)
        %mul3A_326 = arith.constant 2 : i32
        %mul3A_327 = arith.muli %add3A_309, %mul3A_326 : i32
        %add3A_328 = arith.constant 1 : i32
        %add3A_329 = arith.addi %mul3A_327, %add3A_328 : i32
        %dma_start3A_330 = arith.constant 0 : i32
        %dma_start3A_331 = arith.constant 1 : i32
        %dma_start3A_332 = arith.constant 0 : i32
        %dma_start3A_333 = arith.constant 0 : i32
        %dma_start3A_334 = tpu.memref_slice %arg9[%dma_start3A_330, %dma_start3A_331, %dma_start3A_332, %dma_start3A_333] : memref<2x2x80x64xf32, #tpu.memory_space<vmem>> -> memref<1x1x80x64xf32, #tpu.memory_space<vmem>>
        %dma_start3A_335 = tpu.memref_squeeze %dma_start3A_334 : memref<1x1x80x64xf32, #tpu.memory_space<vmem>> -> memref<80x64xf32, #tpu.memory_space<vmem>>
        %dma_start3A_336 = arith.constant 0 : i32
        %dma_start3A_337 = tpu.memref_slice %arg7[%add3A_329, %dma_start3A_336] : memref<125x80xi32, #tpu.memory_space<vmem>> -> memref<1x80xi32, #tpu.memory_space<vmem>>
        %dma_start3A_338 = tpu.memref_squeeze %dma_start3A_337 : memref<1x80xi32, #tpu.memory_space<vmem>> -> memref<80xi32, #tpu.memory_space<vmem>>
        %dma_start3A_339 = arith.constant 0 : i32
        %dma_start3A_340 = arith.constant 0 : i32
        %dma_start3A_341 = tpu.memref_slice %arg2[%dma_start3A_339, %dma_start3A_340] : memref<10240x64xf32, #tpu.memory_space<hbm>> -> memref<10240x64xf32, #tpu.memory_space<hbm>>
        tpu.enqueue_indirect_dma source(%dma_start3A_341 : memref<10240x64xf32, #tpu.memory_space<hbm>>) target(%dma_start3A_335 : memref<80x64xf32, #tpu.memory_space<vmem>>) offsets(%dma_start3A_338 : memref<80xi32, #tpu.memory_space<vmem>>) semaphore(%arg10 : memref<!tpu.dma_semaphore, #tpu.memory_space<semaphore_mem>>)
      } else {
      }
      %dma_wait3A_280 = arith.constant 1 : i32
      %dma_wait3A_281 = arith.constant 0 : i32
      %dma_wait3A_282 = arith.constant 0 : i32
      %dma_wait3A_283 = arith.constant 0 : i32
      %dma_wait3A_284 = arith.constant 0 : i32
      %dma_wait3A_285 = tpu.memref_slice %arg9[%dma_wait3A_280, %dma_wait3A_281, %dma_wait3A_283, %dma_wait3A_284] : memref<2x2x80x64xf32, #tpu.memory_space<vmem>> -> memref<1x1x80x64xf32, #tpu.memory_space<vmem>>
      %dma_wait3A_286 = tpu.memref_squeeze %dma_wait3A_285 : memref<1x1x80x64xf32, #tpu.memory_space<vmem>> -> memref<80x64xf32, #tpu.memory_space<vmem>>
      %dma_wait3A_287 = arith.constant 0 : i32
      %dma_wait3A_288 = tpu.memref_slice %arg8[%dma_wait3A_282, %dma_wait3A_287] : memref<125x80xi32, #tpu.memory_space<vmem>> -> memref<1x80xi32, #tpu.memory_space<vmem>>
      %dma_wait3A_289 = tpu.memref_squeeze %dma_wait3A_288 : memref<1x80xi32, #tpu.memory_space<vmem>> -> memref<80xi32, #tpu.memory_space<vmem>>
      %dma_wait3A_290 = arith.constant 0 : i32
      %dma_wait3A_291 = arith.constant 0 : i32
      %dma_wait3A_292 = tpu.memref_slice %arg14[%dma_wait3A_290, %dma_wait3A_291] : memref<10240x64xf32, #tpu.memory_space<vmem_shared>> -> memref<10240x64xf32, #tpu.memory_space<vmem_shared>>
      tpu.wait_indirect_dma semaphore(%arg13 : memref<!tpu.dma_semaphore, #tpu.memory_space<semaphore_mem>>) src(%dma_wait3A_286 : memref<80x64xf32, #tpu.memory_space<vmem>>) dst(%dma_wait3A_292 : memref<10240x64xf32, #tpu.memory_space<vmem_shared>>)
      %dma_wait3A_293 = arith.constant 1 : i32
      %dma_wait3A_294 = arith.constant 1 : i32
      %dma_wait3A_295 = arith.constant 0 : i32
      %dma_wait3A_296 = arith.constant 0 : i32
      %dma_wait3A_297 = arith.constant 0 : i32
      %dma_wait3A_298 = tpu.memref_slice %arg9[%dma_wait3A_293, %dma_wait3A_294, %dma_wait3A_296, %dma_wait3A_297] : memref<2x2x80x64xf32, #tpu.memory_space<vmem>> -> memref<1x1x80x64xf32, #tpu.memory_space<vmem>>
      %dma_wait3A_299 = tpu.memref_squeeze %dma_wait3A_298 : memref<1x1x80x64xf32, #tpu.memory_space<vmem>> -> memref<80x64xf32, #tpu.memory_space<vmem>>
      %dma_wait3A_300 = arith.constant 0 : i32
      %dma_wait3A_301 = tpu.memref_slice %arg8[%dma_wait3A_295, %dma_wait3A_300] : memref<125x80xi32, #tpu.memory_space<vmem>> -> memref<1x80xi32, #tpu.memory_space<vmem>>
      %dma_wait3A_302 = tpu.memref_squeeze %dma_wait3A_301 : memref<1x80xi32, #tpu.memory_space<vmem>> -> memref<80xi32, #tpu.memory_space<vmem>>
      %dma_wait3A_303 = arith.constant 0 : i32
      %dma_wait3A_304 = arith.constant 0 : i32
      %dma_wait3A_305 = tpu.memref_slice %arg14[%dma_wait3A_303, %dma_wait3A_304] : memref<10240x64xf32, #tpu.memory_space<vmem_shared>> -> memref<10240x64xf32, #tpu.memory_space<vmem_shared>>
      tpu.wait_indirect_dma semaphore(%arg13 : memref<!tpu.dma_semaphore, #tpu.memory_space<semaphore_mem>>) src(%dma_wait3A_299 : memref<80x64xf32, #tpu.memory_space<vmem>>) dst(%dma_wait3A_305 : memref<10240x64xf32, #tpu.memory_space<vmem_shared>>)
    }
    %scan3A_34 = arith.constant 31 : i32
    %dma_start3A_35 = arith.constant 124 : i32
    %dma_start3A_36 = arith.constant 0 : i32
    %dma_start3A_37 = arith.constant 0 : i32
    %dma_start3A_38 = arith.constant 0 : i32
    %dma_start3A_39 = arith.constant 0 : i32
    %dma_start3A_40 = tpu.memref_slice %arg9[%dma_start3A_36, %dma_start3A_37, %dma_start3A_38, %dma_start3A_39] : memref<2x2x80x64xf32, #tpu.memory_space<vmem>> -> memref<1x1x80x64xf32, #tpu.memory_space<vmem>>
    %dma_start3A_41 = tpu.memref_squeeze %dma_start3A_40 : memref<1x1x80x64xf32, #tpu.memory_space<vmem>> -> memref<80x64xf32, #tpu.memory_space<vmem>>
    %dma_start3A_42 = arith.constant 0 : i32
    %dma_start3A_43 = tpu.memref_slice %arg7[%dma_start3A_35, %dma_start3A_42] : memref<125x80xi32, #tpu.memory_space<vmem>> -> memref<1x80xi32, #tpu.memory_space<vmem>>
    %dma_start3A_44 = tpu.memref_squeeze %dma_start3A_43 : memref<1x80xi32, #tpu.memory_space<vmem>> -> memref<80xi32, #tpu.memory_space<vmem>>
    %dma_start3A_45 = arith.constant 0 : i32
    %dma_start3A_46 = arith.constant 0 : i32
    %dma_start3A_47 = tpu.memref_slice %arg2[%dma_start3A_45, %dma_start3A_46] : memref<10240x64xf32, #tpu.memory_space<hbm>> -> memref<10240x64xf32, #tpu.memory_space<hbm>>
    tpu.enqueue_indirect_dma source(%dma_start3A_47 : memref<10240x64xf32, #tpu.memory_space<hbm>>) target(%dma_start3A_41 : memref<80x64xf32, #tpu.memory_space<vmem>>) offsets(%dma_start3A_44 : memref<80xi32, #tpu.memory_space<vmem>>) semaphore(%arg10 : memref<!tpu.dma_semaphore, #tpu.memory_space<semaphore_mem>>)
    %dma_wait3A = arith.constant 0 : i32
    %dma_wait3A_48 = arith.constant 0 : i32
    %dma_wait3A_49 = arith.constant 0 : i32
    %dma_wait3A_50 = arith.constant 0 : i32
    %dma_wait3A_51 = arith.constant 0 : i32
    %dma_wait3A_52 = tpu.memref_slice %arg9[%dma_wait3A_48, %dma_wait3A_49, %dma_wait3A_50, %dma_wait3A_51] : memref<2x2x80x64xf32, #tpu.memory_space<vmem>> -> memref<1x1x80x64xf32, #tpu.memory_space<vmem>>
    %dma_wait3A_53 = tpu.memref_squeeze %dma_wait3A_52 : memref<1x1x80x64xf32, #tpu.memory_space<vmem>> -> memref<80x64xf32, #tpu.memory_space<vmem>>
    %dma_wait3A_54 = arith.constant 0 : i32
    %dma_wait3A_55 = tpu.memref_slice %arg7[%dma_wait3A, %dma_wait3A_54] : memref<125x80xi32, #tpu.memory_space<vmem>> -> memref<1x80xi32, #tpu.memory_space<vmem>>
    %dma_wait3A_56 = tpu.memref_squeeze %dma_wait3A_55 : memref<1x80xi32, #tpu.memory_space<vmem>> -> memref<80xi32, #tpu.memory_space<vmem>>
    %dma_wait3A_57 = arith.constant 0 : i32
    %dma_wait3A_58 = arith.constant 0 : i32
    %dma_wait3A_59 = tpu.memref_slice %arg2[%dma_wait3A_57, %dma_wait3A_58] : memref<10240x64xf32, #tpu.memory_space<hbm>> -> memref<10240x64xf32, #tpu.memory_space<hbm>>
    tpu.wait_indirect_dma semaphore(%arg10 : memref<!tpu.dma_semaphore, #tpu.memory_space<semaphore_mem>>) src(%dma_wait3A_59 : memref<10240x64xf32, #tpu.memory_space<hbm>>) dst(%dma_wait3A_53 : memref<80x64xf32, #tpu.memory_space<vmem>>)
    %dma_start3A_60 = arith.constant 0 : i32
    %dma_start3A_61 = arith.constant 0 : i32
    %dma_start3A_62 = arith.constant 124 : i32
    %dma_start3A_63 = arith.constant 0 : i32
    %dma_start3A_64 = arith.constant 0 : i32
    %dma_start3A_65 = tpu.memref_slice %arg9[%dma_start3A_60, %dma_start3A_61, %dma_start3A_63, %dma_start3A_64] : memref<2x2x80x64xf32, #tpu.memory_space<vmem>> -> memref<1x1x80x64xf32, #tpu.memory_space<vmem>>
    %dma_start3A_66 = tpu.memref_squeeze %dma_start3A_65 : memref<1x1x80x64xf32, #tpu.memory_space<vmem>> -> memref<80x64xf32, #tpu.memory_space<vmem>>
    %dma_start3A_67 = arith.constant 0 : i32
    %dma_start3A_68 = tpu.memref_slice %arg8[%dma_start3A_62, %dma_start3A_67] : memref<125x80xi32, #tpu.memory_space<vmem>> -> memref<1x80xi32, #tpu.memory_space<vmem>>
    %dma_start3A_69 = tpu.memref_squeeze %dma_start3A_68 : memref<1x80xi32, #tpu.memory_space<vmem>> -> memref<80xi32, #tpu.memory_space<vmem>>
    %dma_start3A_70 = arith.constant 0 : i32
    %dma_start3A_71 = arith.constant 0 : i32
    %dma_start3A_72 = tpu.memref_slice %arg14[%dma_start3A_70, %dma_start3A_71] : memref<10240x64xf32, #tpu.memory_space<vmem_shared>> -> memref<10240x64xf32, #tpu.memory_space<vmem_shared>>
    tpu.enqueue_indirect_dma source(%dma_start3A_66 : memref<80x64xf32, #tpu.memory_space<vmem>>) target(%dma_start3A_72 : memref<10240x64xf32, #tpu.memory_space<vmem_shared>>) offsets(%dma_start3A_69 : memref<80xi32, #tpu.memory_space<vmem>>) semaphore(%arg12 : memref<!tpu.dma_semaphore, #tpu.memory_space<semaphore_mem>>) {add = true}
    %dma_wait3A_73 = arith.constant 0 : i32
    %dma_wait3A_74 = arith.constant 0 : i32
    %dma_wait3A_75 = arith.constant 0 : i32
    %dma_wait3A_76 = arith.constant 0 : i32
    %dma_wait3A_77 = arith.constant 0 : i32
    %dma_wait3A_78 = tpu.memref_slice %arg9[%dma_wait3A_73, %dma_wait3A_74, %dma_wait3A_76, %dma_wait3A_77] : memref<2x2x80x64xf32, #tpu.memory_space<vmem>> -> memref<1x1x80x64xf32, #tpu.memory_space<vmem>>
    %dma_wait3A_79 = tpu.memref_squeeze %dma_wait3A_78 : memref<1x1x80x64xf32, #tpu.memory_space<vmem>> -> memref<80x64xf32, #tpu.memory_space<vmem>>
    %dma_wait3A_80 = arith.constant 0 : i32
    %dma_wait3A_81 = tpu.memref_slice %arg8[%dma_wait3A_75, %dma_wait3A_80] : memref<125x80xi32, #tpu.memory_space<vmem>> -> memref<1x80xi32, #tpu.memory_space<vmem>>
    %dma_wait3A_82 = tpu.memref_squeeze %dma_wait3A_81 : memref<1x80xi32, #tpu.memory_space<vmem>> -> memref<80xi32, #tpu.memory_space<vmem>>
    %dma_wait3A_83 = arith.constant 0 : i32
    %dma_wait3A_84 = arith.constant 0 : i32
    %dma_wait3A_85 = tpu.memref_slice %arg14[%dma_wait3A_83, %dma_wait3A_84] : memref<10240x64xf32, #tpu.memory_space<vmem_shared>> -> memref<10240x64xf32, #tpu.memory_space<vmem_shared>>
    tpu.wait_indirect_dma semaphore(%arg12 : memref<!tpu.dma_semaphore, #tpu.memory_space<semaphore_mem>>) src(%dma_wait3A_79 : memref<80x64xf32, #tpu.memory_space<vmem>>) dst(%dma_wait3A_85 : memref<10240x64xf32, #tpu.memory_space<vmem_shared>>)
    %barrier3A_86 = arith.constant 0 : index
    tpu.barrier barrier_id(%barrier3A_86)
    %mul3A_87 = arith.constant 640 : i32
    %mul3A_88 = arith.muli %arg1, %mul3A_87 : i32
    %mul3A_89 = arith.constant 640 : i32
    %mul3A_90 = arith.muli %arg1, %mul3A_89 : i32
    "tpu.region"() ({
      %run_scoped3A = tpu.sem_alloc : memref<!tpu.dma_semaphore, #tpu.memory_space<semaphore_mem>>
      %dma_start3A_91 = arith.constant 0 : i32
      %dma_start3A_92 = tpu.memref_slice %arg6[%arg0, %mul3A_90, %dma_start3A_91] : memref<2x10240x64xf32, #tpu.memory_space<hbm>> -> memref<1x640x64xf32, #tpu.memory_space<hbm>>
      %dma_start3A_93 = tpu.memref_squeeze %dma_start3A_92 : memref<1x640x64xf32, #tpu.memory_space<hbm>> -> memref<640x64xf32, #tpu.memory_space<hbm>>
      %dma_start3A_94 = arith.constant 0 : i32
      %dma_start3A_95 = tpu.memref_slice %arg14[%mul3A_88, %dma_start3A_94] : memref<10240x64xf32, #tpu.memory_space<vmem_shared>> -> memref<640x64xf32, #tpu.memory_space<vmem_shared>>
      tpu.enqueue_dma source(%dma_start3A_95 : memref<640x64xf32, #tpu.memory_space<vmem_shared>>) target(%dma_start3A_93 : memref<640x64xf32, #tpu.memory_space<hbm>>) target_semaphore(%run_scoped3A : memref<!tpu.dma_semaphore, #tpu.memory_space<semaphore_mem>>)
      %dma_wait3A_96 = arith.constant 0 : i32
      %dma_wait3A_97 = tpu.memref_slice %arg6[%arg0, %mul3A_90, %dma_wait3A_96] : memref<2x10240x64xf32, #tpu.memory_space<hbm>> -> memref<1x640x64xf32, #tpu.memory_space<hbm>>
      %dma_wait3A_98 = tpu.memref_squeeze %dma_wait3A_97 : memref<1x640x64xf32, #tpu.memory_space<hbm>> -> memref<640x64xf32, #tpu.memory_space<hbm>>
      %dma_wait3A_99 = arith.constant 0 : i32
      %dma_wait3A_100 = tpu.memref_slice %arg14[%mul3A_88, %dma_wait3A_99] : memref<10240x64xf32, #tpu.memory_space<vmem_shared>> -> memref<640x64xf32, #tpu.memory_space<vmem_shared>>
      tpu.wait_dma2 semaphore(%run_scoped3A : memref<!tpu.dma_semaphore, #tpu.memory_space<semaphore_mem>>) src(%dma_wait3A_100 : memref<640x64xf32, #tpu.memory_space<vmem_shared>>) dst(%dma_wait3A_98 : memref<640x64xf32, #tpu.memory_space<hbm>>)
      tpu.yield
    }) : () -> ()
    return
  }
}

module attributes {stable_mosaic.version = 14 : i64} {
  func.func @_tc1_body(%arg0: i32, %arg1: memref<1000x128xf32, #tpu.memory_space<vmem>>, %arg2: memref<1000x128xf32, #tpu.memory_space<vmem>>, %arg3: memref<128x64xf32, #tpu.memory_space<vmem>>, %arg4: memref<1x64xf32, #tpu.memory_space<vmem>>, %arg5: memref<128x64xf32, #tpu.memory_space<vmem>>, %arg6: memref<1x64xf32, #tpu.memory_space<vmem>>, %arg7: memref<64x64xf32, #tpu.memory_space<vmem>>, %arg8: memref<2x1000x8xf32, #tpu.memory_space<vmem>>, %arg9: memref<1000x64xf32, #tpu.memory_space<vmem>>, %arg10: memref<1000x1xf32, #tpu.memory_space<vmem>>) attributes {dimension_semantics = [#tpu.dimension_semantics<arbitrary>], iteration_bounds = array<i64: 10>, scalar_prefetch = 0 : i64, scratch_operands = 0 : i64, tpu.core_type = #tpu.core_type<tc>, window_params = [{transform_indices = @transform_0, window_bounds = array<i64: 1000, 128>}, {transform_indices = @transform_1, window_bounds = array<i64: 1000, 128>}, {pipeline_mode = #tpu.pipeline_mode<synchronous>, transform_indices = @transform_2, window_bounds = array<i64: 128, 64>}, {pipeline_mode = #tpu.pipeline_mode<synchronous>, transform_indices = @transform_3, window_bounds = array<i64: 1, 64>}, {pipeline_mode = #tpu.pipeline_mode<synchronous>, transform_indices = @transform_4, window_bounds = array<i64: 128, 64>}, {pipeline_mode = #tpu.pipeline_mode<synchronous>, transform_indices = @transform_5, window_bounds = array<i64: 1, 64>}, {pipeline_mode = #tpu.pipeline_mode<synchronous>, transform_indices = @transform_6, window_bounds = array<i64: 64, 64>}, {transform_indices = @transform_7, window_bounds = array<i64: 2, 1000, 8>}, {transform_indices = @transform_8, window_bounds = array<i64: 1000, 64>}, {transform_indices = @transform_9, window_bounds = array<i64: 1000, 1>}]} {
    %lt3A = arith.constant 5 : i32
    %lt3A_0 = arith.cmpi slt, %arg0, %lt3A : i32
    %get3A = arith.constant 0 : index
    %get3A_1 = arith.constant 0 : index
    %get3A_2 = vector.load %arg1[%get3A, %get3A_1] : memref<1000x128xf32, #tpu.memory_space<vmem>>, vector<1000x128xf32>
    %get3A_3 = arith.constant 0 : index
    %get3A_4 = arith.constant 0 : index
    %get3A_5 = vector.load %arg2[%get3A_3, %get3A_4] : memref<1000x128xf32, #tpu.memory_space<vmem>>, vector<1000x128xf32>
    %select_n3A = arith.select %lt3A_0, %get3A_2, %get3A_5 : vector<1000x128xf32>
    %get3A_6 = arith.constant 0 : index
    %get3A_7 = arith.constant 0 : index
    %get3A_8 = vector.load %arg3[%get3A_6, %get3A_7] : memref<128x64xf32, #tpu.memory_space<vmem>>, vector<128x64xf32>
    %get3A_9 = arith.constant 0 : index
    %get3A_10 = arith.constant 0 : index
    %get3A_11 = vector.load %arg5[%get3A_9, %get3A_10] : memref<128x64xf32, #tpu.memory_space<vmem>>, vector<128x64xf32>
    %select_n3A_12 = arith.select %lt3A_0, %get3A_8, %get3A_11 : vector<128x64xf32>
    %get3A_13 = arith.constant 0 : index
    %get3A_14 = arith.constant 0 : index
    %get3A_15 = vector.load %arg4[%get3A_13, %get3A_14] : memref<1x64xf32, #tpu.memory_space<vmem>>, vector<1x64xf32>
    %get3A_16 = arith.constant 0 : index
    %get3A_17 = arith.constant 0 : index
    %get3A_18 = vector.load %arg6[%get3A_16, %get3A_17] : memref<1x64xf32, #tpu.memory_space<vmem>>, vector<1x64xf32>
    %select_n3A_19 = arith.select %lt3A_0, %get3A_15, %get3A_18 : vector<1x64xf32>
    %dot_general3A = arith.constant dense<0.000000e+00> : vector<1000x64xf32>
    %dot_general3A_20 = tpu.matmul %select_n3A, %select_n3A_12, %dot_general3A {dimension_numbers = #tpu.dot_dimension_numbers<[1], [0], [0], [1], [0, 0, 1, 1], [], []>, transpose_lhs_hint = false} : vector<1000x128xf32>, vector<128x64xf32>, vector<1000x64xf32> -> vector<1000x64xf32>
    %add3A = vector.broadcast %select_n3A_19 : vector<1x64xf32> to vector<1000x64xf32>
    %add3A_21 = arith.addf %dot_general3A_20, %add3A : vector<1000x64xf32>
    %get3A_22 = arith.constant 0 : index
    %get3A_23 = arith.constant 0 : index
    %get3A_24 = arith.constant 0 : index
    %get3A_25 = vector.load %arg8[%get3A_22, %get3A_23, %get3A_24] : memref<2x1000x8xf32, #tpu.memory_space<vmem>>, vector<1x1000x8xf32>
    %get3A_26 = vector.shape_cast %get3A_25 : vector<1x1000x8xf32> to vector<1000x8xf32>
    %slice3A = vector.extract_strided_slice %get3A_26 {offsets = [0, 0], sizes = [1000, 1], strides = [1, 1]} : vector<1000x8xf32> to vector<1000x1xf32>
    %get3A_27 = arith.constant 1 : index
    %get3A_28 = arith.constant 0 : index
    %get3A_29 = arith.constant 0 : index
    %get3A_30 = vector.load %arg8[%get3A_27, %get3A_28, %get3A_29] : memref<2x1000x8xf32, #tpu.memory_space<vmem>>, vector<1x1000x8xf32>
    %get3A_31 = vector.shape_cast %get3A_30 : vector<1x1000x8xf32> to vector<1000x8xf32>
    %slice3A_32 = vector.extract_strided_slice %get3A_31 {offsets = [0, 0], sizes = [1000, 1], strides = [1, 1]} : vector<1000x8xf32> to vector<1000x1xf32>
    %add3A_33 = arith.addf %slice3A, %slice3A_32 : vector<1000x1xf32>
    %add3A_34 = arith.constant 1.000000e+00 : f32
    %add3A_35 = vector.broadcast %add3A_34 : f32 to vector<1000x1xf32>
    %add3A_36 = arith.addf %add3A_33, %add3A_35 : vector<1000x1xf32>
    %rsqrt3A = math.rsqrt %add3A_36 : vector<1000x1xf32>
    %get3A_37 = arith.constant 0 : index
    %get3A_38 = arith.constant 0 : index
    %get3A_39 = vector.load %arg7[%get3A_37, %get3A_38] : memref<64x64xf32, #tpu.memory_space<vmem>>, vector<64x64xf32>
    %dot_general3A_40 = arith.constant dense<0.000000e+00> : vector<1000x64xf32>
    %dot_general3A_41 = tpu.matmul %add3A_21, %get3A_39, %dot_general3A_40 {dimension_numbers = #tpu.dot_dimension_numbers<[1], [0], [0], [1], [0, 0, 1, 1], [], []>, transpose_lhs_hint = false} : vector<1000x64xf32>, vector<64x64xf32>, vector<1000x64xf32> -> vector<1000x64xf32>
    %mul3A = vector.broadcast %rsqrt3A : vector<1000x1xf32> to vector<1000x64xf32>
    %mul3A_42 = arith.mulf %dot_general3A_41, %mul3A : vector<1000x64xf32>
    %swap3A = arith.constant 0 : index
    %swap3A_43 = arith.constant 0 : index
    %swap3A_44 = vector.load %arg9[%swap3A, %swap3A_43] : memref<1000x64xf32, #tpu.memory_space<vmem>>, vector<1000x64xf32>
    tpu.vector_store %arg9[%swap3A, %swap3A_43], %mul3A_42 {strides = array<i32>} : memref<1000x64xf32, #tpu.memory_space<vmem>>, vector<1000x64xf32>,
    %swap3A_45 = arith.constant 0 : index
    %swap3A_46 = arith.constant 0 : index
    %swap3A_47 = vector.load %arg10[%swap3A_45, %swap3A_46] : memref<1000x1xf32, #tpu.memory_space<vmem>>, vector<1000x1xf32>
    tpu.vector_store %arg10[%swap3A_45, %swap3A_46], %rsqrt3A {strides = array<i32>} : memref<1000x1xf32, #tpu.memory_space<vmem>>, vector<1000x1xf32>,
    return
  }
  func.func @transform_0(%arg0: i32) -> (i32, i32) {
    %jit3A = arith.constant 5 : i32
    %eq3A = arith.constant 0 : i32
    %eq3A_0 = arith.cmpi eq, %jit3A, %eq3A : i32
    %jit3A_1 = arith.constant 1 : i32
    %select_n3A = arith.select %eq3A_0, %jit3A_1, %jit3A : i32
    %rem3A = arith.remsi %arg0, %select_n3A : i32
    %ne3A = arith.constant 0 : i32
    %ne3A_2 = arith.cmpi ne, %rem3A, %ne3A : i32
    %lt3A = arith.constant 0 : i32
    %lt3A_3 = arith.cmpi slt, %rem3A, %lt3A : i32
    %lt3A_4 = arith.constant 0 : i32
    %lt3A_5 = arith.cmpi slt, %select_n3A, %lt3A_4 : i32
    %ne3A_6 = arith.xori %lt3A_3, %lt3A_5 : i1
    %and3A = arith.andi %ne3A_6, %ne3A_2 : i1
    %add3A = arith.addi %rem3A, %select_n3A : i32
    %select_n3A_7 = arith.select %and3A, %add3A, %rem3A : i32
    %c0_i32 = arith.constant 0 : i32
    %c0_i32_8 = arith.constant 0 : i32
    return %select_n3A_7, %c0_i32 : i32, i32
  }
  func.func @transform_1(%arg0: i32) -> (i32, i32) {
    %jit3A = arith.constant 5 : i32
    %eq3A = arith.constant 0 : i32
    %eq3A_0 = arith.cmpi eq, %jit3A, %eq3A : i32
    %jit3A_1 = arith.constant 1 : i32
    %select_n3A = arith.select %eq3A_0, %jit3A_1, %jit3A : i32
    %rem3A = arith.remsi %arg0, %select_n3A : i32
    %ne3A = arith.constant 0 : i32
    %ne3A_2 = arith.cmpi ne, %rem3A, %ne3A : i32
    %lt3A = arith.constant 0 : i32
    %lt3A_3 = arith.cmpi slt, %rem3A, %lt3A : i32
    %lt3A_4 = arith.constant 0 : i32
    %lt3A_5 = arith.cmpi slt, %select_n3A, %lt3A_4 : i32
    %ne3A_6 = arith.xori %lt3A_3, %lt3A_5 : i1
    %and3A = arith.andi %ne3A_6, %ne3A_2 : i1
    %add3A = arith.addi %rem3A, %select_n3A : i32
    %select_n3A_7 = arith.select %and3A, %add3A, %rem3A : i32
    %c0_i32 = arith.constant 0 : i32
    %c0_i32_8 = arith.constant 0 : i32
    return %select_n3A_7, %c0_i32 : i32, i32
  }
  func.func @transform_2(%arg0: i32) -> (i32, i32) {
    %c0_i32 = arith.constant 0 : i32
    %c0_i32_0 = arith.constant 0 : i32
    %c0_i32_1 = arith.constant 0 : i32
    return %c0_i32, %c0_i32_0 : i32, i32
  }
  func.func @transform_3(%arg0: i32) -> (i32, i32) {
    %c0_i32 = arith.constant 0 : i32
    %c0_i32_0 = arith.constant 0 : i32
    %c0_i32_1 = arith.constant 0 : i32
    return %c0_i32, %c0_i32_0 : i32, i32
  }
  func.func @transform_4(%arg0: i32) -> (i32, i32) {
    %c0_i32 = arith.constant 0 : i32
    %c0_i32_0 = arith.constant 0 : i32
    %c0_i32_1 = arith.constant 0 : i32
    return %c0_i32, %c0_i32_0 : i32, i32
  }
  func.func @transform_5(%arg0: i32) -> (i32, i32) {
    %c0_i32 = arith.constant 0 : i32
    %c0_i32_0 = arith.constant 0 : i32
    %c0_i32_1 = arith.constant 0 : i32
    return %c0_i32, %c0_i32_0 : i32, i32
  }
  func.func @transform_6(%arg0: i32) -> (i32, i32) {
    %c0_i32 = arith.constant 0 : i32
    %c0_i32_0 = arith.constant 0 : i32
    %c0_i32_1 = arith.constant 0 : i32
    return %c0_i32, %c0_i32_0 : i32, i32
  }
  func.func @transform_7(%arg0: i32) -> (i32, i32, i32) {
    %c0_i32 = arith.constant 0 : i32
    %c0_i32_0 = arith.constant 0 : i32
    %c0_i32_1 = arith.constant 0 : i32
    return %c0_i32, %arg0, %c0_i32_0 : i32, i32, i32
  }
  func.func @transform_8(%arg0: i32) -> (i32, i32) {
    %c0_i32 = arith.constant 0 : i32
    %c0_i32_0 = arith.constant 0 : i32
    return %arg0, %c0_i32 : i32, i32
  }
  func.func @transform_9(%arg0: i32) -> (i32, i32) {
    %c0_i32 = arith.constant 0 : i32
    %c0_i32_0 = arith.constant 0 : i32
    return %arg0, %c0_i32 : i32, i32
  }
}

module attributes {stable_mosaic.version = 14 : i64} {
  func.func @_tc2_body(%arg0: i32, %arg1: memref<1000x64xf32, #tpu.memory_space<vmem>>, %arg2: memref<2x1000x64xf32, #tpu.memory_space<vmem>>, %arg3: memref<1000x1xf32, #tpu.memory_space<vmem>>, %arg4: memref<1x64xf32, #tpu.memory_space<vmem>>, %arg5: memref<64x32xf32, #tpu.memory_space<vmem>>, %arg6: memref<1000x32xf32, #tpu.memory_space<vmem>>) attributes {dimension_semantics = [#tpu.dimension_semantics<arbitrary>], iteration_bounds = array<i64: 10>, scalar_prefetch = 0 : i64, scratch_operands = 0 : i64, tpu.core_type = #tpu.core_type<tc>, window_params = [{transform_indices = @transform_0, window_bounds = array<i64: 1000, 64>}, {transform_indices = @transform_1, window_bounds = array<i64: 2, 1000, 64>}, {transform_indices = @transform_2, window_bounds = array<i64: 1000, 1>}, {pipeline_mode = #tpu.pipeline_mode<synchronous>, transform_indices = @transform_3, window_bounds = array<i64: 1, 64>}, {pipeline_mode = #tpu.pipeline_mode<synchronous>, transform_indices = @transform_4, window_bounds = array<i64: 64, 32>}, {transform_indices = @transform_5, window_bounds = array<i64: 1000, 32>}]} {
    %get3A = arith.constant 0 : index
    %get3A_0 = arith.constant 0 : index
    %get3A_1 = vector.load %arg3[%get3A, %get3A_0] : memref<1000x1xf32, #tpu.memory_space<vmem>>, vector<1000x1xf32>
    %get3A_2 = arith.constant 0 : index
    %get3A_3 = arith.constant 0 : index
    %get3A_4 = arith.constant 0 : index
    %get3A_5 = vector.load %arg2[%get3A_2, %get3A_3, %get3A_4] : memref<2x1000x64xf32, #tpu.memory_space<vmem>>, vector<1x1000x64xf32>
    %get3A_6 = vector.shape_cast %get3A_5 : vector<1x1000x64xf32> to vector<1000x64xf32>
    %get3A_7 = arith.constant 1 : index
    %get3A_8 = arith.constant 0 : index
    %get3A_9 = arith.constant 0 : index
    %get3A_10 = vector.load %arg2[%get3A_7, %get3A_8, %get3A_9] : memref<2x1000x64xf32, #tpu.memory_space<vmem>>, vector<1x1000x64xf32>
    %get3A_11 = vector.shape_cast %get3A_10 : vector<1x1000x64xf32> to vector<1000x64xf32>
    %add3A = arith.addf %get3A_6, %get3A_11 : vector<1000x64xf32>
    %get3A_12 = arith.constant 0 : index
    %get3A_13 = arith.constant 0 : index
    %get3A_14 = vector.load %arg1[%get3A_12, %get3A_13] : memref<1000x64xf32, #tpu.memory_space<vmem>>, vector<1000x64xf32>
    %add3A_15 = arith.addf %add3A, %get3A_14 : vector<1000x64xf32>
    %mul3A = vector.broadcast %get3A_1 : vector<1000x1xf32> to vector<1000x64xf32>
    %mul3A_16 = arith.mulf %mul3A, %add3A_15 : vector<1000x64xf32>
    %get3A_17 = arith.constant 0 : index
    %get3A_18 = arith.constant 0 : index
    %get3A_19 = vector.load %arg4[%get3A_17, %get3A_18] : memref<1x64xf32, #tpu.memory_space<vmem>>, vector<1x64xf32>
    %add3A_20 = vector.broadcast %get3A_19 : vector<1x64xf32> to vector<1000x64xf32>
    %add3A_21 = arith.addf %mul3A_16, %add3A_20 : vector<1000x64xf32>
    %max3A = arith.constant 0.000000e+00 : f32
    %max3A_22 = vector.broadcast %max3A : f32 to vector<1000x64xf32>
    %max3A_23 = arith.maximumf %add3A_21, %max3A_22 : vector<1000x64xf32>
    %get3A_24 = arith.constant 0 : index
    %get3A_25 = arith.constant 0 : index
    %get3A_26 = vector.load %arg5[%get3A_24, %get3A_25] : memref<64x32xf32, #tpu.memory_space<vmem>>, vector<64x32xf32>
    %dot_general3A = arith.constant dense<0.000000e+00> : vector<1000x32xf32>
    %dot_general3A_27 = tpu.matmul %max3A_23, %get3A_26, %dot_general3A {dimension_numbers = #tpu.dot_dimension_numbers<[1], [0], [0], [1], [0, 0, 1, 1], [], []>, transpose_lhs_hint = false} : vector<1000x64xf32>, vector<64x32xf32>, vector<1000x32xf32> -> vector<1000x32xf32>
    %mul3A_28 = vector.broadcast %get3A_1 : vector<1000x1xf32> to vector<1000x32xf32>
    %mul3A_29 = arith.mulf %dot_general3A_27, %mul3A_28 : vector<1000x32xf32>
    %swap3A = arith.constant 0 : index
    %swap3A_30 = arith.constant 0 : index
    %swap3A_31 = vector.load %arg6[%swap3A, %swap3A_30] : memref<1000x32xf32, #tpu.memory_space<vmem>>, vector<1000x32xf32>
    tpu.vector_store %arg6[%swap3A, %swap3A_30], %mul3A_29 {strides = array<i32>} : memref<1000x32xf32, #tpu.memory_space<vmem>>, vector<1000x32xf32>,
    return
  }
  func.func @transform_0(%arg0: i32) -> (i32, i32) {
    %c0_i32 = arith.constant 0 : i32
    %c0_i32_0 = arith.constant 0 : i32
    return %arg0, %c0_i32 : i32, i32
  }
  func.func @transform_1(%arg0: i32) -> (i32, i32, i32) {
    %c0_i32 = arith.constant 0 : i32
    %c0_i32_0 = arith.constant 0 : i32
    %c0_i32_1 = arith.constant 0 : i32
    return %c0_i32, %arg0, %c0_i32_0 : i32, i32, i32
  }
  func.func @transform_2(%arg0: i32) -> (i32, i32) {
    %c0_i32 = arith.constant 0 : i32
    %c0_i32_0 = arith.constant 0 : i32
    return %arg0, %c0_i32 : i32, i32
  }
  func.func @transform_3(%arg0: i32) -> (i32, i32) {
    %c0_i32 = arith.constant 0 : i32
    %c0_i32_0 = arith.constant 0 : i32
    %c0_i32_1 = arith.constant 0 : i32
    return %c0_i32, %c0_i32_0 : i32, i32
  }
  func.func @transform_4(%arg0: i32) -> (i32, i32) {
    %c0_i32 = arith.constant 0 : i32
    %c0_i32_0 = arith.constant 0 : i32
    %c0_i32_1 = arith.constant 0 : i32
    return %c0_i32, %c0_i32_0 : i32, i32
  }
  func.func @transform_5(%arg0: i32) -> (i32, i32) {
    %c0_i32 = arith.constant 0 : i32
    %c0_i32_0 = arith.constant 0 : i32
    return %arg0, %c0_i32 : i32, i32
  }
}

module attributes {stable_mosaic.version = 14 : i64} {
  func.func @_tc3_body(%arg0: i32, %arg1: memref<1000x32xf32, #tpu.memory_space<vmem>>, %arg2: memref<2x1000x32xf32, #tpu.memory_space<vmem>>, %arg3: memref<1000x1xf32, #tpu.memory_space<vmem>>, %arg4: memref<1x32xf32, #tpu.memory_space<vmem>>, %arg5: memref<1000x32xf32, #tpu.memory_space<vmem>>) attributes {dimension_semantics = [#tpu.dimension_semantics<arbitrary>], iteration_bounds = array<i64: 10>, scalar_prefetch = 0 : i64, scratch_operands = 0 : i64, tpu.core_type = #tpu.core_type<tc>, window_params = [{transform_indices = @transform_0, window_bounds = array<i64: 1000, 32>}, {transform_indices = @transform_1, window_bounds = array<i64: 2, 1000, 32>}, {transform_indices = @transform_2, window_bounds = array<i64: 1000, 1>}, {pipeline_mode = #tpu.pipeline_mode<synchronous>, transform_indices = @transform_3, window_bounds = array<i64: 1, 32>}, {transform_indices = @transform_4, window_bounds = array<i64: 1000, 32>}]} {
    %get3A = arith.constant 0 : index
    %get3A_0 = arith.constant 0 : index
    %get3A_1 = vector.load %arg3[%get3A, %get3A_0] : memref<1000x1xf32, #tpu.memory_space<vmem>>, vector<1000x1xf32>
    %get3A_2 = arith.constant 0 : index
    %get3A_3 = arith.constant 0 : index
    %get3A_4 = arith.constant 0 : index
    %get3A_5 = vector.load %arg2[%get3A_2, %get3A_3, %get3A_4] : memref<2x1000x32xf32, #tpu.memory_space<vmem>>, vector<1x1000x32xf32>
    %get3A_6 = vector.shape_cast %get3A_5 : vector<1x1000x32xf32> to vector<1000x32xf32>
    %get3A_7 = arith.constant 1 : index
    %get3A_8 = arith.constant 0 : index
    %get3A_9 = arith.constant 0 : index
    %get3A_10 = vector.load %arg2[%get3A_7, %get3A_8, %get3A_9] : memref<2x1000x32xf32, #tpu.memory_space<vmem>>, vector<1x1000x32xf32>
    %get3A_11 = vector.shape_cast %get3A_10 : vector<1x1000x32xf32> to vector<1000x32xf32>
    %add3A = arith.addf %get3A_6, %get3A_11 : vector<1000x32xf32>
    %get3A_12 = arith.constant 0 : index
    %get3A_13 = arith.constant 0 : index
    %get3A_14 = vector.load %arg1[%get3A_12, %get3A_13] : memref<1000x32xf32, #tpu.memory_space<vmem>>, vector<1000x32xf32>
    %add3A_15 = arith.addf %add3A, %get3A_14 : vector<1000x32xf32>
    %mul3A = vector.broadcast %get3A_1 : vector<1000x1xf32> to vector<1000x32xf32>
    %mul3A_16 = arith.mulf %mul3A, %add3A_15 : vector<1000x32xf32>
    %get3A_17 = arith.constant 0 : index
    %get3A_18 = arith.constant 0 : index
    %get3A_19 = vector.load %arg4[%get3A_17, %get3A_18] : memref<1x32xf32, #tpu.memory_space<vmem>>, vector<1x32xf32>
    %add3A_20 = vector.broadcast %get3A_19 : vector<1x32xf32> to vector<1000x32xf32>
    %add3A_21 = arith.addf %mul3A_16, %add3A_20 : vector<1000x32xf32>
    %swap3A = arith.constant 0 : index
    %swap3A_22 = arith.constant 0 : index
    %swap3A_23 = vector.load %arg5[%swap3A, %swap3A_22] : memref<1000x32xf32, #tpu.memory_space<vmem>>, vector<1000x32xf32>
    tpu.vector_store %arg5[%swap3A, %swap3A_22], %add3A_21 {strides = array<i32>} : memref<1000x32xf32, #tpu.memory_space<vmem>>, vector<1000x32xf32>,
    return
  }
  func.func @transform_0(%arg0: i32) -> (i32, i32) {
    %c0_i32 = arith.constant 0 : i32
    %c0_i32_0 = arith.constant 0 : i32
    return %arg0, %c0_i32 : i32, i32
  }
  func.func @transform_1(%arg0: i32) -> (i32, i32, i32) {
    %c0_i32 = arith.constant 0 : i32
    %c0_i32_0 = arith.constant 0 : i32
    %c0_i32_1 = arith.constant 0 : i32
    return %c0_i32, %arg0, %c0_i32_0 : i32, i32, i32
  }
  func.func @transform_2(%arg0: i32) -> (i32, i32) {
    %c0_i32 = arith.constant 0 : i32
    %c0_i32_0 = arith.constant 0 : i32
    return %arg0, %c0_i32 : i32, i32
  }
  func.func @transform_3(%arg0: i32) -> (i32, i32) {
    %c0_i32 = arith.constant 0 : i32
    %c0_i32_0 = arith.constant 0 : i32
    %c0_i32_1 = arith.constant 0 : i32
    return %c0_i32, %c0_i32_0 : i32, i32
  }
  func.func @transform_4(%arg0: i32) -> (i32, i32) {
    %c0_i32 = arith.constant 0 : i32
    %c0_i32_0 = arith.constant 0 : i32
    return %arg0, %c0_i32 : i32, i32
  }
}

</mosaic_0001>

<sc_bundles>
// kernel: kernel.11.cloned.1.call-start
scs
__scs_entry_jumppad:
0x0: {  	(pc) =	sbr.rel $0x88, $3  }
0x1: {  	(tag) =	ssettag $0x0;
	lr =	simm.s32 $0x1  }
0x2: {  	[smem:$0x3F96] =	sst lr;
	_ =	strace $0xD0000000  }
0x3: {  	_ = 	snop  }
0x4: {  	_ = 	snop  }
0x5: {  	_ = 	snop  }
0x6: {  	_ = 	snop  }
0x7: {  	_ = 	snop  }
__scs_overlays_trampoline_lowered:
0x8: {  	[smem:$0x3FA5] =	sst s0  }
0x9: {  	[smem:$0x3FA6] =	sst s1  }
0xa: {  	[smem:$0x3FA7] =	sst s2  }
0xb: {  	[smem:$0x3FA8] =	sst s3  }
0xc: {  	[smem:$0x3FA9] =	sst s4  }
0xd: {  	[smem:$0x3FAA] =	sst s5  }
0xe: {  	[smem:$0x3FAB] =	sst s6  }
0xf: {  	[smem:$0x3FAC] =	sst s7  }
0x10: {  	[smem:$0x3FAD] =	sst s8  }
0x11: {  	[smem:$0x3FAE] =	sst s9;
	s0 =	simm.s32 @!p0 $0x0  }
0x12: {  	s1 =	sld [smem:$0x3F94];
	s0 =	simm.s32 @p0 $0x1  }
0x13: {  	[smem:$0x3FAF] =	sst s0;
	s0 =	simm.s32 @!p1 $0x0  }
0x14: {  	s2 =	sld [smem:$0x3F93];
	s0 =	simm.s32 @p1 $0x1  }
0x15: {  	[smem:$0x3FB0] =	sst s0;
	s0 =	simm.s32 @!p2 $0x0  }
0x16: {  	s3 =	sld [smem:$0x3FDB];
	s0 =	simm.s32 @p2 $0x1  }
0x17: {  	s4 =	simm.s32 $0x1BF5;
	[smem:$0x3FB2] =	sst s0  }
0x18: {  	s0 =	sld [smem:$0x3F95];
	_ =	swait.ge [sflag:s4], $0x0  }
0x19: {  	s7 =	sld [smem:$0x3F96]  }
0x1a: {  	s8 =	sadd.s32 $0xFFFFE003, lr  }
0x1b: {  	s9 =	sadd.s32 $0xFFFFFEF7, lr;
	s5 =	simm.s32 $0xFFFFFFFF;
	p2 =	slt.u32 s8, $0xFFFFF086  }
0x1c: {  	p1 =	slt.u32 s9, $0xF7A;
	s5 =	simm.s32 @!p2 $0x0  }
0x1d: {  	s5 =	simm.s32 @p1 $0x1;
	p0 =	seq.s32 s7, s2  }
0x1e: {  	s7 =	smul.u32 @!p0 $0xF7A, s2;
	p2 =	seq.s32 @!p0 s5, $0x0  }
0x1f: {  	s9 =	smul.u32 $0xF7A, s1;
	s8 =	simm.s32 @!p0 $0x1BF5;
	p2 =	por !p2, p0  }
0x20: {  	[sflag:s8] =	ssyncset.s32 @!p0 $0xFFFFF086;
	s6 =	sadd.s32 @!p0 s3, s7;
	s7 =	simm.s32 @!p0 $0x108  }
0x21: {  	s3 =	sadd.s32 s3, s9;
	s6 =	sadd.s32 @!p0 $0x88, s6;
	s7 =	simm.s32 @p2 $0x1082  }
0x22: {  	[simem:s7], [sflag:s8] =	dma.local @!p0 [hbm:s6], $0xF7A  }
0x23: {  	s9 =	sor.u32 $0xD0000000, s2;
	s6 =	simm.s32 $0x108;
	_ =	swait.ge @!p0 [sflag:s8], $0x0  }
0x24: {  	s3 =	sadd.s32 $0x88, s3;
	s6 =	simm.s32 @!p1 $0x1082;
	[sflag:s4] =	ssyncset.s32 $0xFFFFF086  }
0x25: {  	[simem:s6], [sflag:s4] =	dma.local [hbm:s3], $0xF7A  }
0x26: {  	[smem:$0x3F96] =	sst s1;
	(tag) =	ssettag s2;
	_ =	strace s9  }
0x27: {  	s1 =	sld [smem:$0x3FA6]  }
0x28: {  	s2 =	sld [smem:$0x3FA7]  }
0x29: {  	s4 =	sld [smem:$0x3FA9]  }
0x2a: {  	p0 =	seq.s32 s5, $0x0;
	s5 =	sld [smem:$0x3FAA]  }
0x2b: {  	s6 =	sld [smem:$0x3FAB]  }
0x2c: {  	s7 =	sld [smem:$0x3FAC]  }
0x2d: {  	s3 =	simm.s32 $0x108;
	s8 =	sld [smem:$0x3FAD]  }
0x2e: {  	s3 =	simm.s32 @!p0 $0x1082;
	s9 =	sld [smem:$0x3FAE]  }
0x2f: {  	lr =	sadd.s32 s0, s3;
	s0 =	sld [smem:$0x3FA5]  }
0x30: {  	s3 =	sld [smem:$0x3FA8]  }
0x31: {  	[smem:$0x3FB1] =	sst s10  }
0x32: {  	s10 =	sld [smem:$0x3FAF];
	_ =	sdelay $0x3  }
0x33: {  	p0 =	seq.s32 s10, $0x1;
	s10 =	sld [smem:$0x3FB1];
	_ =	sdelay $0x3  }
0x34: {  	[smem:$0x3FB1] =	sst s10  }
0x35: {  	s10 =	sld [smem:$0x3FB0];
	_ =	sdelay $0x3  }
0x36: {  	p1 =	seq.s32 s10, $0x1;
	s10 =	sld [smem:$0x3FB1];
	_ =	sdelay $0x3  }
0x37: {  	[smem:$0x3FB1] =	sst s10  }
0x38: {  	s10 =	sld [smem:$0x3FB2]  }
0x39: {  	_ = 	snop;
	(pc) =	sbr.ind lr, $3  }
0x3a: {  	_ = 	snop  }
0x3b: {  	_ = 	snop  }
0x3c: {  	p2 =	seq.s32 s10, $0x1;
	s10 =	sld [smem:$0x3FB1]  }
0x3d: {  	_ =	shalt  }
0x3e: {  	_ =	shalt  }
0x3f: {  	_ =	shalt  }
0x40: {  	_ =	shalt  }
0x41: {  	_ =	shalt  }
0x42: {  	_ =	shalt  }
0x43: {  	_ =	shalt  }
0x44: {  	_ =	shalt  }
0x45: {  	_ =	shalt  }
0x46: {  	_ =	shalt  }
0x47: {  	_ =	shalt  }
0x48: {  	_ =	shalt  }
0x49: {  	_ =	shalt  }
0x4a: {  	_ =	shalt  }
0x4b: {  	_ =	shalt  }
0x4c: {  	_ =	shalt  }
0x4d: {  	_ =	shalt  }
0x4e: {  	_ =	shalt  }
0x4f: {  	_ =	shalt  }
0x50: {  	_ =	shalt  }
0x51: {  	_ =	shalt  }
0x52: {  	_ =	shalt  }
0x53: {  	_ =	shalt  }
0x54: {  	_ =	shalt  }
0x55: {  	_ =	shalt  }
0x56: {  	_ =	shalt  }
0x57: {  	_ =	shalt  }
0x58: {  	_ =	shalt  }
0x59: {  	_ =	shalt  }
0x5a: {  	_ =	shalt  }
0x5b: {  	_ =	shalt  }
0x5c: {  	_ =	shalt  }
0x5d: {  	_ =	shalt  }
0x5e: {  	_ =	shalt  }
0x5f: {  	_ =	shalt  }
0x60: {  	_ =	shalt  }
0x61: {  	_ =	shalt  }
0x62: {  	_ =	shalt  }
0x63: {  	_ =	shalt  }
0x64: {  	_ =	shalt  }
0x65: {  	_ =	shalt  }
0x66: {  	_ =	shalt  }
0x67: {  	_ =	shalt  }
0x68: {  	_ =	shalt  }
0x69: {  	_ =	shalt  }
0x6a: {  	_ =	shalt  }
0x6b: {  	_ =	shalt  }
0x6c: {  	_ =	shalt  }
0x6d: {  	_ =	shalt  }
0x6e: {  	_ =	shalt  }
0x6f: {  	_ =	shalt  }
0x70: {  	_ =	shalt  }
0x71: {  	_ =	shalt  }
0x72: {  	_ =	shalt  }
0x73: {  	_ =	shalt  }
0x74: {  	_ =	shalt  }
0x75: {  	_ =	shalt  }
0x76: {  	_ =	shalt  }
0x77: {  	_ =	shalt  }
0x78: {  	_ =	shalt  }
0x79: {  	_ =	shalt  }
0x7a: {  	_ =	shalt  }
0x7b: {  	_ =	shalt  }
0x7c: {  	_ =	shalt  }
0x7d: {  	_ =	shalt  }
0x7e: {  	_ =	shalt  }
0x7f: {  	_ =	shalt  }
0x80: {  	_ =	shalt  }
0x81: {  	_ =	shalt  }
0x82: {  	_ =	shalt  }
0x83: {  	_ =	shalt  }
0x84: {  	_ =	shalt  }
0x85: {  	_ =	shalt  }
0x86: {  	_ =	shalt  }
0x87: {  	_ =	shalt  }
.Lfunc_end0:
.L_simem_size_0:
called_computation.1_lowered:
.L_overlay_start_0:
0x88: {  	s2 =	sld [smem:$0x3FD9]  }
0x89: {  	s3 =	sld [smem:$0x3FFE];
	_ =	sdelay $0x1  }
0x8a: {  	s1 =	srdreg.scid  }
0x8b: {  	s0 =	sand.u32 $0x1, s1  }
0x8c: {  	s17 =	sshll.u32 s0, $0xA;
	s2 =	sadd.s32 s3, s2  }
0x8d: {  	s2 =	sadd.s32 s2, s17  }
0x8e: {  	[smem:$0x3FBD] =	sst s2  }
0x8f: {  	_ = 	snop  }
0x90: {  	s2 =	sld [smem:$0x3FD0];
	(tm) =	ssettm $0x1  }
0x91: {  	s18 =	sld [smem:$0x3FFB];
	_ =	sdelay $0x3  }
0x92: {  	_ =	strace s18  }
0x93: {  	s3 =	sld [smem:$0x3FFC];
	_ =	sdelay $0x3  }
0x94: {  	_ =	strace s3  }
0x95: {  	s3 =	sld [smem:$0x3FFD];
	_ =	sdelay $0x3  }
0x96: {  	_ =	strace s3  }
0x97: {  	_ =	strace $0x8FFFFFFF  }
0x98: {  	s19 =	sld [smem:$0x3FDB];
	_ =	sdelay $0x1  }
0x99: {  	s4 =	simm.s32 $_scs_section_size  }
0x9a: {  	s5 =	simm.s32 $_size__tile_overlayer_lowered;
	s6 =	simm.s32 $_tile_overlayer_lowered  }
0x9b: {  	s22 =	simm.s32 $0x1BFF;
	s21 =	sshll.u32 s6, $0x1;
	s3 =	sadd.s32 s4, s19  }
0x9c: {  	s7 =	simm.s32 $0x0;
	s20 =	sshll.u32 s5, $0x1;
	s5 =	sadd.s32 s21, s3  }
0x9d: {  	[timem:s7], [sflag:s22] =	dma.local [hbm:s5], s20  }
0x9e: {  	_ =	swait.ge [sflag:s22], s20  }
0x9f: {  	s4 =	ssub.s32 $0x0, s20;
	[sflag:s22] =	ssyncset.done $0x0  }
0xa0: {  	[sflag:s22] =	ssyncadd.s32 s4;
	_ =	sdelay $0x1  }
0xa1: {  	s23 =	simm.s32 $0x1B8B  }
0xa2: {  	_ =	swait.ge [sflag:s23], $0x1  }
0xa3: {  	[sflag:s23] =	ssyncset.done $0x0  }
0xa4: {  	s25 =	simm.s32 $0x1B8E;
	s24 =	sld [smem:$0x3FFE];
	[sflag:s23] =	ssyncadd.s32 $0xFFFFFFFF  }
0xa5: {  	s26 =	simm.s32 $execute0_lowered;
	[smem:$0x3FD2] =	sst s25  }
0xa6: {  	s5 =	sshll.u32 s26, $0x1;
	_ =	strace $0x80000049;
	[dreg:$0x1] =	wrdreg $0xFFFFFFFF  }
0xa7: {  	s28 =	simm.s32 $_size_execute0_lowered;
	s3 =	sadd.s32 s3, s5;
	[dreg:$0x0] =	wrdreg $0x0  }
0xa8: {  	s5 =	sshll.u32 s28, $0x1;
	[dreg:$0x2] =	wrdreg s3  }
0xa9: {  	[dreg:$0x3] =	wrdreg s5  }
0xaa: {  	[dreg:$0x4] =	wrdreg $0xC0  }
0xab: {  	_ =	task [dreg:s7], $0x5FFFF  }
0xac: {  	[dreg:$0x1] =	wrdreg $0xFFFFFFFF  }
0xad: {  	[dreg:$0x0] =	wrdreg $0x60  }
0xae: {  	[dreg:$0x2] =	wrdreg s24  }
0xaf: {  	[dreg:$0x3] =	wrdreg s2  }
0xb0: {  	[dreg:$0x4] =	wrdreg $0x9E200  }
0xb1: {  	[dreg:$0x5] =	wrdreg $0x9  }
0xb2: {  	_ =	task.clear_ibuf [dreg:s7], $0x6FFFF;
	_ =	strace $0x90000049  }
0xb3: {  	s29 =	simm.s32 $0x9;
	_ =	strace $0x8000004B  }
0xb4: {  	_ =	swait.ge [sflag:s29], $0x1  }
0xb5: {  	[sflag:s29] =	ssyncadd.s32 $0xFFFFFFFF  }
0xb6: {  	_ =	strace $0x9000004B  }
0xb7: {  	_ =	sfence  }
0xb8: {  	s30 =	sld [smem:$0x0];
	_ =	sdelay $0x2  }
0xb9: {  	s31 =	sshll.u32 s1, $0xD;
	s1 =	sshrl.u32 s1, $0x2  }
0xba: {  	s3 =	sand.u32 $0x4000, s31;
	s1 =	sadd.s32 s1, s30  }
0xbb: {  	s0 =	sor.u32 s3, s0;
	s1 =	sshll.u32 s1, $0x11  }
0xbc: {  	s0 =	sor.u32 s1, s0  }
0xbd: {  	s0 =	sadd.s32 $0x8F2B, s0  }
0xbe: {  	[sflag:s0] =	ssyncadd.remote.s32 $0x1  }
0xbf: {  	_ =	sfence.sel $0xFFFF  }
0xc0: {  	[dreg:$0x0] =	wrdreg $0xFFFFFFFF;
	(pc) =	sbr.abs _section_cstart, $3  }
0xc1: {  	[dreg:$0x1] =	wrdreg $0xFFFFFFFF  }
0xc2: {  	_ =	task.clear_ibuf [dreg:s7], $0x2FFFF;
	_ =	strace $0x9FFFFFFF  }
0xc3: {  	(tm) =	ssettm $0x7FFFFFFF  }
tec
execute0_lowered:
.L_overlay_start_1:
0x0: {  	(tag) =	ssettag $0x1  }
0x1: {  	s0 =	srdreg.scid;
	s1 =	rddreg [dreg:$0x0]  }
0x2: {  	s12 =	stileid.u32;
	s5 =	rddreg [dreg:$0x1]  }
0x3: {  	s14 =	simm.s32 $0x50;
	s15 =	simm.s32 $0x4E20;
	s16 =	simm.s32 $0x6220  }
0x4: {  	s17 =	simm.s32 $0x7620;
	s18 =	simm.s32 $0x8A20;
	s19 =	simm.s32 $0x1  }
0x5: {  	s20 =	simm.s32 $0x2;
	s21 =	simm.s32 $0x3;
	s22 =	simm.s32 $0x4  }
0x6: {  	s28 =	simm.s32 $0x4D30;
	s29 =	simm.s32 $0x4D80;
	s30 =	simm.s32 $0x26C0  }
0x7: {  	s31 =	simm.s32 $0x4DD0;
	s0 =	sand.u32 $0x1, s0;
	s7 =	smul.u32 $0xA000, s12  }
0x8: {  	s4 =	sadd.s32 $0xB800, s1;
	s26 =	sshll.u32 s12, $0x6;
	s2 =	sshll.u32 s0, $0x4  }
0x9: {  	s8 =	smul.u32 $0xA0000, s0;
	s0 =	ssub.s32 $0x2, s0;
	s3 =	sor.u32 s12, s2  }
0xa: {  	s2 =	rddreg [dreg:$0x2];
	s10 =	sshrl.u32 s7, $0x3;
	s25 =	sshrl.u32 s0, $0x1  }
0xb: {  	s12 =	sor.u32 $0x1C05, s26;
	s26 =	simm.s32 $0x4CE0;
	s6 =	smul.u32 $0x4E2, s3  }
0xc: {  	s3 =	simm.s32 $0x0;
	s8 =	sadd.s32 s7, s8;
	s10 =	sadd.s32 s10, s1  }
0xd: {  	s0 =	ssub.s32 s0, s25;
	s11 =	sadd.s32 s7, s2;
	[smem:$0x7FF] =	sst s3  }
0xe: {  	s8 =	sshrl.u32 s8, $0x3;
	s7 =	sadd.s32 $0x1F800, s10;
	s10 =	simm.s32 $0x5  }
0xf: {  	s13 =	sshrl.u32 s11, $0x3;
	_ =	strace $0x8000004A;
	s9 =	sadd.s32 s6, s1  }
0x10: {  	s1 =	sadd.s32 s8, s1;
	s5 =	sadd.s32 s5, s6;
	s6 =	sadd.s32 $0x1A00, s9  }
0x11: {  	s8 =	sadd.s32 $0x33800, s1;
	s9 =	smax.u32 s0, $0x1;
	s1 =	simm.s32 $0x0  }
.LBB2_1:
0x12: {  	[tilespmem:s3], [sflag:$0x5] =	stream.linear.gather [hbm4b:s5+s3], $0x2710, $0x38;
	[tilespmem:$0x13E20] =	vst v63  }
0x13: {  	_ =	swait.ge [sflag:s10], $0x2710  }
0x14: {  	[sflag:s10] =	ssyncset.done $0x0  }
0x15: {  	s0 =	simm.s32 $0x2710;
	[sflag:s10] =	ssyncadd.s32 $0xFFFFD8F0  }
0x16: {  	[tilespmem:s0], [sflag:$0x5] =	stream.linear.gather [hbm4b:s6+s3], $0x2710, $0x38;
	[tilespmem:$0x13E20] =	vst v63  }
0x17: {  	_ =	swait.ge [sflag:s10], $0x2710  }
0x18: {  	[sflag:s10] =	ssyncset.done $0x0  }
0x19: {  	[sflag:s10] =	ssyncadd.s32 $0xFFFFD8F0  }
0x1a: {  	[spmem:s13], [sflag:s12] =	dma.local [hbm:s7], $0x1400  }
0x1b: {  	_ =	swait.ge [sflag:s10], $0x1400  }
0x1c: {  	[sflag:s10] =	ssyncset.done $0x0  }
0x1d: {  	[sflag:s10] =	ssyncadd.s32 $0xFFFFEC00  }
0x1e: {  	[bflag:$0x0] =	sbarrier.arrive $0xFFFF  }
0x1f: {  	[tilespmem:s15], [sflag:$0x1] =	stream.indirect.gather [hbm4b:s4+s14], $0x40, s3, s14, $0xb8;
	[tilespmem:$0x13E20] =	vst v63  }
0x20: {  	_ = 	snop  }
0x21: {  	[tilespmem:s16], [sflag:$0x1] =	stream.indirect.gather [hbm4b:s4+s14], $0x40, s14, s14, $0xb8;
	[tilespmem:$0x13E20] =	vst v63  }
0x22: {  	s11 =	simm.s32 $0xA0  }
0x23: {  	[tilespmem:s17], [sflag:$0x2] =	stream.indirect.gather [hbm4b:s4+s14], $0x40, s11, s14, $0xb8;
	[tilespmem:$0x13E20] =	vst v63  }
0x24: {  	s23 =	simm.s32 $0xF0  }
0x25: {  	[tilespmem:s18], [sflag:$0x2] =	stream.indirect.gather [hbm4b:s4+s14], $0x40, s23, s14, $0xb8;
	[tilespmem:$0x13E20] =	vst v63  }
0x26: {  	_ =	swait.ge [sflag:s19], $0x1400  }
0x27: {  	[sflag:s19] =	ssyncset.done $0x0  }
0x28: {  	[sflag:s19] =	ssyncadd.s32 $0xFFFFEC00  }
0x29: {  	_ =	swait.ge [sflag:s19], $0x1400  }
0x2a: {  	[sflag:s19] =	ssyncset.done $0x0  }
0x2b: {  	s24 =	simm.s32 $0x2710;
	[sflag:s19] =	ssyncadd.s32 $0xFFFFEC00  }
0x2c: {  	[spmem:s2] =	stream.indirect.scatter.add.f32 [tilespmem:s15], [sflag:$0x3], $0x40, s24, s14, $0xb8;
	[tilespmem:$0x13E20] =	vst v63  }
0x2d: {  	s25 =	simm.s32 $0x2760  }
0x2e: {  	[spmem:s2] =	stream.indirect.scatter.add.f32 [tilespmem:s16], [sflag:$0x3], $0x40, s25, s14, $0xb8;
	[tilespmem:$0x13E20] =	vst v63  }
0x2f: {  	_ =	swait.ge [sflag:s20], $0x1400  }
0x30: {  	[sflag:s20] =	ssyncset.done $0x0  }
0x31: {  	[sflag:s20] =	ssyncadd.s32 $0xFFFFEC00  }
0x32: {  	_ =	swait.ge [sflag:s20], $0x1400  }
0x33: {  	[sflag:s20] =	ssyncset.done $0x0  }
0x34: {  	s11 =	simm.s32 $0x27B0;
	[sflag:s20] =	ssyncadd.s32 $0xFFFFEC00  }
0x35: {  	[spmem:s2] =	stream.indirect.scatter.add.f32 [tilespmem:s17], [sflag:$0x4], $0x40, s11, s14, $0xb8;
	[tilespmem:$0x13E20] =	vst v63  }
0x36: {  	s23 =	simm.s32 $0x2800  }
0x37: {  	[spmem:s2] =	stream.indirect.scatter.add.f32 [tilespmem:s18], [sflag:$0x4], $0x40, s23, s14, $0xb8;
	[tilespmem:$0x13E20] =	vst v63  }
0x38: {  	_ =	swait.ge [sflag:s21], $0x1400  }
0x39: {  	[sflag:s21] =	ssyncset.done $0x0  }
0x3a: {  	[sflag:s21] =	ssyncadd.s32 $0xFFFFEC00  }
0x3b: {  	_ =	swait.ge [sflag:s21], $0x1400  }
0x3c: {  	[sflag:s21] =	ssyncset.done $0x0  }
0x3d: {  	s24 =	simm.s32 $0x140;
	[sflag:s21] =	ssyncadd.s32 $0xFFFFEC00  }
0x3e: {  	[tilespmem:s15], [sflag:$0x1] =	stream.indirect.gather [hbm4b:s4+s14], $0x40, s24, s14, $0xb8;
	[tilespmem:$0x13E20] =	vst v63  }
0x3f: {  	s25 =	simm.s32 $0x190  }
0x40: {  	[tilespmem:s16], [sflag:$0x1] =	stream.indirect.gather [hbm4b:s4+s14], $0x40, s25, s14, $0xb8;
	[tilespmem:$0x13E20] =	vst v63  }
0x41: {  	_ =	swait.ge [sflag:s22], $0x1400  }
0x42: {  	[sflag:s22] =	ssyncset.done $0x0  }
0x43: {  	[sflag:s22] =	ssyncadd.s32 $0xFFFFEC00  }
0x44: {  	_ =	swait.ge [sflag:s22], $0x1400  }
0x45: {  	s0 =	simm.s32 $0x140;
	s11 =	simm.s32 $0xA00;
	[sflag:s22] =	ssyncset.done $0x0  }
.LBB2_2:
0x46: {  	s25 =	sadd.s32 $0xA0, s0  }
0x47: {  	[sflag:s22] =	ssyncadd.s32 $0xFFFFEC00;
	s23 =	smov.u32 s11;
	s24 =	sadd.s32 $0x500, s11  }
0x48: {  	[tilespmem:s17], [sflag:$0x2] =	stream.indirect.gather [hbm4b:s4+s14], $0x40, s25, s14, $0xb8;
	[tilespmem:$0x13E20] =	vst v63  }
0x49: {  	p0 =	sne.s32 s11, $0x9100;
	s11 =	sadd.s32 $0xF0, s0  }
0x4a: {  	[tilespmem:s18], [sflag:$0x2] =	stream.indirect.gather [hbm4b:s4+s14], $0x40, s11, s14, $0xb8;
	[tilespmem:$0x13E20] =	vst v63  }
0x4b: {  	_ =	swait.ge [sflag:s19], $0x1400  }
0x4c: {  	[sflag:s19] =	ssyncset.done $0x0  }
0x4d: {  	[sflag:s19] =	ssyncadd.s32 $0xFFFFEC00  }
0x4e: {  	_ =	swait.ge [sflag:s19], $0x1400  }
0x4f: {  	[sflag:s19] =	ssyncset.done $0x0  }
0x50: {  	s11 =	sadd.s32 $0x2710, s0;
	[sflag:s19] =	ssyncadd.s32 $0xFFFFEC00  }
0x51: {  	[spmem:s2] =	stream.indirect.scatter.add.f32 [tilespmem:s15], [sflag:$0x3], $0x40, s11, s14, $0xb8;
	[tilespmem:$0x13E20] =	vst v63  }
0x52: {  	s11 =	sadd.s32 $0x2760, s0  }
0x53: {  	[spmem:s2] =	stream.indirect.scatter.add.f32 [tilespmem:s16], [sflag:$0x3], $0x40, s11, s14, $0xb8;
	[tilespmem:$0x13E20] =	vst v63  }
0x54: {  	_ =	swait.ge [sflag:s20], $0x1400  }
0x55: {  	[sflag:s20] =	ssyncset.done $0x0  }
0x56: {  	[sflag:s20] =	ssyncadd.s32 $0xFFFFEC00  }
0x57: {  	_ =	swait.ge [sflag:s20], $0x1400  }
0x58: {  	[sflag:s20] =	ssyncset.done $0x0  }
0x59: {  	s11 =	sadd.s32 $0x27B0, s0;
	[sflag:s20] =	ssyncadd.s32 $0xFFFFEC00  }
0x5a: {  	[spmem:s2] =	stream.indirect.scatter.add.f32 [tilespmem:s17], [sflag:$0x4], $0x40, s11, s14, $0xb8;
	[tilespmem:$0x13E20] =	vst v63  }
0x5b: {  	s11 =	sadd.s32 $0x2800, s0  }
0x5c: {  	[spmem:s2] =	stream.indirect.scatter.add.f32 [tilespmem:s18], [sflag:$0x4], $0x40, s11, s14, $0xb8;
	[tilespmem:$0x13E20] =	vst v63  }
0x5d: {  	_ =	swait.ge [sflag:s21], $0x1400  }
0x5e: {  	[sflag:s21] =	ssyncset.done $0x0  }
0x5f: {  	[sflag:s21] =	ssyncadd.s32 $0xFFFFEC00  }
0x60: {  	_ =	swait.ge [sflag:s21], $0x1400  }
0x61: {  	[sflag:s21] =	ssyncset.done $0x0  }
0x62: {  	s11 =	sadd.s32 $0x140, s0;
	[sflag:s21] =	ssyncadd.s32 $0xFFFFEC00  }
0x63: {  	[tilespmem:s15], [sflag:$0x1] =	stream.indirect.gather [hbm4b:s4+s14], $0x40, s11, s14, $0xb8;
	[tilespmem:$0x13E20] =	vst v63  }
0x64: {  	s0 =	sadd.s32 $0x190, s0  }
0x65: {  	[tilespmem:s16], [sflag:$0x1] =	stream.indirect.gather [hbm4b:s4+s14], $0x40, s0, s14, $0xb8;
	[tilespmem:$0x13E20] =	vst v63  }
.Ltmp0:
0x66: {  	_ =	swait.ge [sflag:s22], $0x1400;
	(pc) =	sbr.rel @p0 .LBB2_2-.Ltmp0, $4  }
0x67: {  	[sflag:s22] =	ssyncset.done $0x0  }
0x68: {  	[sflag:s22] =	ssyncadd.s32 $0xFFFFEC00  }
0x69: {  	_ =	swait.ge [sflag:s22], $0x1400  }
0x6a: {  	s11 =	smov.u32 s24;
	s0 =	sshra.s32 s23, $0x2;
	[sflag:s22] =	ssyncset.done $0x0  }
0x6b: {  	s11 =	sadd.s32 $0xA0, s0;
	[sflag:s22] =	ssyncadd.s32 $0xFFFFEC00  }
0x6c: {  	[tilespmem:s17], [sflag:$0x2] =	stream.indirect.gather [hbm4b:s4+s14], $0x40, s11, s14, $0xb8;
	[tilespmem:$0x13E20] =	vst v63  }
0x6d: {  	s23 =	sadd.s32 $0xF0, s0  }
0x6e: {  	[tilespmem:s18], [sflag:$0x2] =	stream.indirect.gather [hbm4b:s4+s14], $0x40, s23, s14, $0xb8;
	[tilespmem:$0x13E20] =	vst v63  }
0x6f: {  	_ =	swait.ge [sflag:s19], $0x1400  }
0x70: {  	[sflag:s19] =	ssyncset.done $0x0  }
0x71: {  	[sflag:s19] =	ssyncadd.s32 $0xFFFFEC00  }
0x72: {  	_ =	swait.ge [sflag:s19], $0x1400  }
0x73: {  	[sflag:s19] =	ssyncset.done $0x0  }
0x74: {  	s24 =	sadd.s32 $0x2710, s0;
	[sflag:s19] =	ssyncadd.s32 $0xFFFFEC00  }
0x75: {  	[spmem:s2] =	stream.indirect.scatter.add.f32 [tilespmem:s15], [sflag:$0x3], $0x40, s24, s14, $0xb8;
	[tilespmem:$0x13E20] =	vst v63  }
0x76: {  	s25 =	sadd.s32 $0x2760, s0  }
0x77: {  	[spmem:s2] =	stream.indirect.scatter.add.f32 [tilespmem:s16], [sflag:$0x3], $0x40, s25, s14, $0xb8;
	[tilespmem:$0x13E20] =	vst v63  }
0x78: {  	_ =	swait.ge [sflag:s20], $0x1400  }
0x79: {  	[sflag:s20] =	ssyncset.done $0x0  }
0x7a: {  	[sflag:s20] =	ssyncadd.s32 $0xFFFFEC00  }
0x7b: {  	_ =	swait.ge [sflag:s20], $0x1400  }
0x7c: {  	[sflag:s20] =	ssyncset.done $0x0  }
0x7d: {  	s23 =	sadd.s32 $0x27B0, s0;
	[sflag:s20] =	ssyncadd.s32 $0xFFFFEC00  }
0x7e: {  	[spmem:s2] =	stream.indirect.scatter.add.f32 [tilespmem:s17], [sflag:$0x4], $0x40, s23, s14, $0xb8;
	[tilespmem:$0x13E20] =	vst v63  }
0x7f: {  	s24 =	sadd.s32 $0x2800, s0  }
0x80: {  	[spmem:s2] =	stream.indirect.scatter.add.f32 [tilespmem:s18], [sflag:$0x4], $0x40, s24, s14, $0xb8;
	[tilespmem:$0x13E20] =	vst v63  }
0x81: {  	_ =	swait.ge [sflag:s21], $0x1400  }
0x82: {  	[sflag:s21] =	ssyncset.done $0x0  }
0x83: {  	[sflag:s21] =	ssyncadd.s32 $0xFFFFEC00  }
0x84: {  	_ =	swait.ge [sflag:s21], $0x1400  }
0x85: {  	[sflag:s21] =	ssyncset.done $0x0  }
0x86: {  	s25 =	sadd.s32 $0x140, s0;
	[sflag:s21] =	ssyncadd.s32 $0xFFFFEC00  }
0x87: {  	[tilespmem:s15], [sflag:$0x1] =	stream.indirect.gather [hbm4b:s4+s14], $0x40, s25, s14, $0xb8;
	[tilespmem:$0x13E20] =	vst v63  }
0x88: {  	s11 =	sadd.s32 $0x190, s0  }
0x89: {  	[tilespmem:s16], [sflag:$0x1] =	stream.indirect.gather [hbm4b:s4+s14], $0x40, s11, s14, $0xb8;
	[tilespmem:$0x13E20] =	vst v63  }
0x8a: {  	_ =	swait.ge [sflag:s22], $0x1400  }
0x8b: {  	[sflag:s22] =	ssyncset.done $0x0  }
0x8c: {  	[sflag:s22] =	ssyncadd.s32 $0xFFFFEC00  }
0x8d: {  	_ =	swait.ge [sflag:s22], $0x1400  }
0x8e: {  	[sflag:s22] =	ssyncset.done $0x0  }
0x8f: {  	s23 =	simm.s32 $0x2620;
	[sflag:s22] =	ssyncadd.s32 $0xFFFFEC00  }
0x90: {  	[tilespmem:s17], [sflag:$0x2] =	stream.indirect.gather [hbm4b:s4+s14], $0x40, s23, s14, $0xb8;
	[tilespmem:$0x13E20] =	vst v63  }
0x91: {  	s24 =	simm.s32 $0x2670  }
0x92: {  	[tilespmem:s18], [sflag:$0x2] =	stream.indirect.gather [hbm4b:s4+s14], $0x40, s24, s14, $0xb8;
	[tilespmem:$0x13E20] =	vst v63  }
0x93: {  	_ =	swait.ge [sflag:s19], $0x1400  }
0x94: {  	[sflag:s19] =	ssyncset.done $0x0  }
0x95: {  	[sflag:s19] =	ssyncadd.s32 $0xFFFFEC00  }
0x96: {  	_ =	swait.ge [sflag:s19], $0x1400  }
0x97: {  	[sflag:s19] =	ssyncset.done $0x0  }
0x98: {  	s25 =	simm.s32 $0x4C90;
	[sflag:s19] =	ssyncadd.s32 $0xFFFFEC00  }
0x99: {  	[spmem:s2] =	stream.indirect.scatter.add.f32 [tilespmem:s15], [sflag:$0x3], $0x40, s25, s14, $0xb8;
	[tilespmem:$0x13E20] =	vst v63  }
0x9a: {  	_ = 	snop  }
0x9b: {  	[spmem:s2] =	stream.indirect.scatter.add.f32 [tilespmem:s16], [sflag:$0x3], $0x40, s26, s14, $0xb8;
	[tilespmem:$0x13E20] =	vst v63  }
0x9c: {  	_ =	swait.ge [sflag:s20], $0x1400  }
0x9d: {  	[sflag:s20] =	ssyncset.done $0x0  }
0x9e: {  	[sflag:s20] =	ssyncadd.s32 $0xFFFFEC00  }
0x9f: {  	_ =	swait.ge [sflag:s20], $0x1400  }
0xa0: {  	[sflag:s20] =	ssyncset.done $0x0  }
0xa1: {  	[sflag:s20] =	ssyncadd.s32 $0xFFFFEC00  }
0xa2: {  	[spmem:s2] =	stream.indirect.scatter.add.f32 [tilespmem:s17], [sflag:$0x4], $0x40, s28, s14, $0xb8;
	[tilespmem:$0x13E20] =	vst v63  }
0xa3: {  	_ = 	snop  }
0xa4: {  	[spmem:s2] =	stream.indirect.scatter.add.f32 [tilespmem:s18], [sflag:$0x4], $0x40, s29, s14, $0xb8;
	[tilespmem:$0x13E20] =	vst v63  }
0xa5: {  	_ =	swait.ge [sflag:s21], $0x1400  }
0xa6: {  	[sflag:s21] =	ssyncset.done $0x0  }
0xa7: {  	[sflag:s21] =	ssyncadd.s32 $0xFFFFEC00  }
0xa8: {  	_ =	swait.ge [sflag:s21], $0x1400  }
0xa9: {  	[sflag:s21] =	ssyncset.done $0x0  }
0xaa: {  	[sflag:s21] =	ssyncadd.s32 $0xFFFFEC00  }
0xab: {  	_ =	swait.ge [sflag:s22], $0x1400  }
0xac: {  	[sflag:s22] =	ssyncset.done $0x0  }
0xad: {  	[sflag:s22] =	ssyncadd.s32 $0xFFFFEC00  }
0xae: {  	_ =	swait.ge [sflag:s22], $0x1400  }
0xaf: {  	[sflag:s22] =	ssyncset.done $0x0  }
0xb0: {  	[sflag:s22] =	ssyncadd.s32 $0xFFFFEC00  }
0xb1: {  	[tilespmem:s15], [sflag:$0x1] =	stream.indirect.gather [hbm4b:s4+s14], $0x40, s30, s14, $0xb8;
	[tilespmem:$0x13E20] =	vst v63  }
0xb2: {  	_ =	swait.ge [sflag:s19], $0x1400  }
0xb3: {  	[sflag:s19] =	ssyncset.done $0x0  }
0xb4: {  	[sflag:s19] =	ssyncadd.s32 $0xFFFFEC00  }
0xb5: {  	[spmem:s2] =	stream.indirect.scatter.add.f32 [tilespmem:s15], [sflag:$0x3], $0x40, s31, s14, $0xb8;
	[tilespmem:$0x13E20] =	vst v63  }
0xb6: {  	_ =	swait.ge [sflag:s21], $0x1400  }
0xb7: {  	s1 =	sadd.s32 $0x1, s1;
	[sflag:s21] =	ssyncset.done $0x0  }
0xb8: {  	p0 =	sne.s32 s1, s9;
	[sflag:s21] =	ssyncadd.s32 $0xFFFFEC00  }
.Ltmp1:
0xb9: {  	[bflag:$0x0] =	sbarrier.arrive $0xFFFF;
	(pc) =	sbr.rel @p0 .LBB2_1-.Ltmp1, $4  }
0xba: {  	[hbm:s8], [sflag:s12] =	dma.local [spmem:s13], $0x1400  }
0xbb: {  	_ =	swait.ge [sflag:s10], $0x1400  }
0xbc: {  	[sflag:s10] =	ssyncset.done $0x0  }
0xbd: {  	[sflag:s10] =	ssyncadd.s32 $0xFFFFEC00  }
0xbe: {  	_ =	sfence.sel $0x180000  }
0xbf: {  	[bflag:$0x0] =	sbarrier.arrive $0xFFFF  }
0xc0: {  	_ =	strace $0x9000004A  }
0xc1: {  	s0 =	stileid.u32;
	[bflag:$0x2] =	sbarrier.arrive $0xFFFF  }
0xc2: {  	p0 =	sne.s32 s0, $0x0;
	s0 =	rddreg [dreg:$0x3]  }
0xc3: {  	s0 =	sadd.s32 @!p0 $0x100000, s0  }
0xc4: {  	[sflag:s0] =	ssyncadd.tile.s32 @!p0 $0x1;
	_ =	shalt  }
.Lfunc_end2:
_tile_overlayer_lowered:
.L_overlay_start_2:
0xc5: {  	(tag) =	ssettag $0x2  }
0xc6: {  	s0 =	rddreg [dreg:$0x0];
	s2 =	stileid.u32  }
0xc7: {  	s1 =	rddreg [dreg:$0x1];
	p0 =	sne.s32 s2, $0x0  }
0xc8: {  	s3 =	rddreg [dreg:$0x2];
	[bflag:$0x3] =	sbarrier.arrive $0xFFFF;
	s2 =	simm.s32 @!p0 $0x1C05  }
0xc9: {  	[timem:s3], [sflag:s2] =	dma.local @!p0 [hbm:s0], s1  }
0xca: {  	s0 =	simm.s32 @!p0 $0x5  }
0xcb: {  	_ =	swait.ge @!p0 [sflag:s0], s1  }
0xcc: {  	s1 =	ssub.s32 @!p0 $0x0, s1;
	[sflag:s0] =	ssyncset.done @!p0 $0x0  }
0xcd: {  	[sflag:s0] =	ssyncadd.s32 @!p0 s1  }
0xce: {  	[bflag:$0x3] =	sbarrier.arrive $0xFFFF  }
0xcf: {  	_ =	shalt  }

// kernel: kernel.14.cloned.1.call-start
scs
__scs_entry_jumppad:
0x0: {  	(pc) =	sbr.rel $0x88, $3  }
0x1: {  	(tag) =	ssettag $0x0;
	lr =	simm.s32 $0x1  }
0x2: {  	[smem:$0x3F96] =	sst lr;
	_ =	strace $0xD0000000  }
0x3: {  	_ = 	snop  }
0x4: {  	_ = 	snop  }
0x5: {  	_ = 	snop  }
0x6: {  	_ = 	snop  }
0x7: {  	_ = 	snop  }
__scs_overlays_trampoline_lowered:
0x8: {  	[smem:$0x3FA5] =	sst s0  }
0x9: {  	[smem:$0x3FA6] =	sst s1  }
0xa: {  	[smem:$0x3FA7] =	sst s2  }
0xb: {  	[smem:$0x3FA8] =	sst s3  }
0xc: {  	[smem:$0x3FA9] =	sst s4  }
0xd: {  	[smem:$0x3FAA] =	sst s5  }
0xe: {  	[smem:$0x3FAB] =	sst s6  }
0xf: {  	[smem:$0x3FAC] =	sst s7  }
0x10: {  	[smem:$0x3FAD] =	sst s8  }
0x11: {  	[smem:$0x3FAE] =	sst s9;
	s0 =	simm.s32 @!p0 $0x0  }
0x12: {  	s1 =	sld [smem:$0x3F94];
	s0 =	simm.s32 @p0 $0x1  }
0x13: {  	[smem:$0x3FAF] =	sst s0;
	s0 =	simm.s32 @!p1 $0x0  }
0x14: {  	s2 =	sld [smem:$0x3F93];
	s0 =	simm.s32 @p1 $0x1  }
0x15: {  	[smem:$0x3FB0] =	sst s0;
	s0 =	simm.s32 @!p2 $0x0  }
0x16: {  	s3 =	sld [smem:$0x3FDB];
	s0 =	simm.s32 @p2 $0x1  }
0x17: {  	s4 =	simm.s32 $0x1BF5;
	[smem:$0x3FB2] =	sst s0  }
0x18: {  	s0 =	sld [smem:$0x3F95];
	_ =	swait.ge [sflag:s4], $0x0  }
0x19: {  	s7 =	sld [smem:$0x3F96]  }
0x1a: {  	s8 =	sadd.s32 $0xFFFFE003, lr  }
0x1b: {  	s9 =	sadd.s32 $0xFFFFFEF7, lr;
	s5 =	simm.s32 $0xFFFFFFFF;
	p2 =	slt.u32 s8, $0xFFFFF086  }
0x1c: {  	p1 =	slt.u32 s9, $0xF7A;
	s5 =	simm.s32 @!p2 $0x0  }
0x1d: {  	s5 =	simm.s32 @p1 $0x1;
	p0 =	seq.s32 s7, s2  }
0x1e: {  	s7 =	smul.u32 @!p0 $0xF7A, s2;
	p2 =	seq.s32 @!p0 s5, $0x0  }
0x1f: {  	s9 =	smul.u32 $0xF7A, s1;
	s8 =	simm.s32 @!p0 $0x1BF5;
	p2 =	por !p2, p0  }
0x20: {  	[sflag:s8] =	ssyncset.s32 @!p0 $0xFFFFF086;
	s6 =	sadd.s32 @!p0 s3, s7;
	s7 =	simm.s32 @!p0 $0x108  }
0x21: {  	s3 =	sadd.s32 s3, s9;
	s6 =	sadd.s32 @!p0 $0x88, s6;
	s7 =	simm.s32 @p2 $0x1082  }
0x22: {  	[simem:s7], [sflag:s8] =	dma.local @!p0 [hbm:s6], $0xF7A  }
0x23: {  	s9 =	sor.u32 $0xD0000000, s2;
	s6 =	simm.s32 $0x108;
	_ =	swait.ge @!p0 [sflag:s8], $0x0  }
0x24: {  	s3 =	sadd.s32 $0x88, s3;
	s6 =	simm.s32 @!p1 $0x1082;
	[sflag:s4] =	ssyncset.s32 $0xFFFFF086  }
0x25: {  	[simem:s6], [sflag:s4] =	dma.local [hbm:s3], $0xF7A  }
0x26: {  	[smem:$0x3F96] =	sst s1;
	(tag) =	ssettag s2;
	_ =	strace s9  }
0x27: {  	s1 =	sld [smem:$0x3FA6]  }
0x28: {  	s2 =	sld [smem:$0x3FA7]  }
0x29: {  	s4 =	sld [smem:$0x3FA9]  }
0x2a: {  	p0 =	seq.s32 s5, $0x0;
	s5 =	sld [smem:$0x3FAA]  }
0x2b: {  	s6 =	sld [smem:$0x3FAB]  }
0x2c: {  	s7 =	sld [smem:$0x3FAC]  }
0x2d: {  	s3 =	simm.s32 $0x108;
	s8 =	sld [smem:$0x3FAD]  }
0x2e: {  	s3 =	simm.s32 @!p0 $0x1082;
	s9 =	sld [smem:$0x3FAE]  }
0x2f: {  	lr =	sadd.s32 s0, s3;
	s0 =	sld [smem:$0x3FA5]  }
0x30: {  	s3 =	sld [smem:$0x3FA8]  }
0x31: {  	[smem:$0x3FB1] =	sst s10  }
0x32: {  	s10 =	sld [smem:$0x3FAF];
	_ =	sdelay $0x3  }
0x33: {  	p0 =	seq.s32 s10, $0x1;
	s10 =	sld [smem:$0x3FB1];
	_ =	sdelay $0x3  }
0x34: {  	[smem:$0x3FB1] =	sst s10  }
0x35: {  	s10 =	sld [smem:$0x3FB0];
	_ =	sdelay $0x3  }
0x36: {  	p1 =	seq.s32 s10, $0x1;
	s10 =	sld [smem:$0x3FB1];
	_ =	sdelay $0x3  }
0x37: {  	[smem:$0x3FB1] =	sst s10  }
0x38: {  	s10 =	sld [smem:$0x3FB2]  }
0x39: {  	_ = 	snop;
	(pc) =	sbr.ind lr, $3  }
0x3a: {  	_ = 	snop  }
0x3b: {  	_ = 	snop  }
0x3c: {  	p2 =	seq.s32 s10, $0x1;
	s10 =	sld [smem:$0x3FB1]  }
0x3d: {  	_ =	shalt  }
0x3e: {  	_ =	shalt  }
0x3f: {  	_ =	shalt  }
0x40: {  	_ =	shalt  }
0x41: {  	_ =	shalt  }
0x42: {  	_ =	shalt  }
0x43: {  	_ =	shalt  }
0x44: {  	_ =	shalt  }
0x45: {  	_ =	shalt  }
0x46: {  	_ =	shalt  }
0x47: {  	_ =	shalt  }
0x48: {  	_ =	shalt  }
0x49: {  	_ =	shalt  }
0x4a: {  	_ =	shalt  }
0x4b: {  	_ =	shalt  }
0x4c: {  	_ =	shalt  }
0x4d: {  	_ =	shalt  }
0x4e: {  	_ =	shalt  }
0x4f: {  	_ =	shalt  }
0x50: {  	_ =	shalt  }
0x51: {  	_ =	shalt  }
0x52: {  	_ =	shalt  }
0x53: {  	_ =	shalt  }
0x54: {  	_ =	shalt  }
0x55: {  	_ =	shalt  }
0x56: {  	_ =	shalt  }
0x57: {  	_ =	shalt  }
0x58: {  	_ =	shalt  }
0x59: {  	_ =	shalt  }
0x5a: {  	_ =	shalt  }
0x5b: {  	_ =	shalt  }
0x5c: {  	_ =	shalt  }
0x5d: {  	_ =	shalt  }
0x5e: {  	_ =	shalt  }
0x5f: {  	_ =	shalt  }
0x60: {  	_ =	shalt  }
0x61: {  	_ =	shalt  }
0x62: {  	_ =	shalt  }
0x63: {  	_ =	shalt  }
0x64: {  	_ =	shalt  }
0x65: {  	_ =	shalt  }
0x66: {  	_ =	shalt  }
0x67: {  	_ =	shalt  }
0x68: {  	_ =	shalt  }
0x69: {  	_ =	shalt  }
0x6a: {  	_ =	shalt  }
0x6b: {  	_ =	shalt  }
0x6c: {  	_ =	shalt  }
0x6d: {  	_ =	shalt  }
0x6e: {  	_ =	shalt  }
0x6f: {  	_ =	shalt  }
0x70: {  	_ =	shalt  }
0x71: {  	_ =	shalt  }
0x72: {  	_ =	shalt  }
0x73: {  	_ =	shalt  }
0x74: {  	_ =	shalt  }
0x75: {  	_ =	shalt  }
0x76: {  	_ =	shalt  }
0x77: {  	_ =	shalt  }
0x78: {  	_ =	shalt  }
0x79: {  	_ =	shalt  }
0x7a: {  	_ =	shalt  }
0x7b: {  	_ =	shalt  }
0x7c: {  	_ =	shalt  }
0x7d: {  	_ =	shalt  }
0x7e: {  	_ =	shalt  }
0x7f: {  	_ =	shalt  }
0x80: {  	_ =	shalt  }
0x81: {  	_ =	shalt  }
0x82: {  	_ =	shalt  }
0x83: {  	_ =	shalt  }
0x84: {  	_ =	shalt  }
0x85: {  	_ =	shalt  }
0x86: {  	_ =	shalt  }
0x87: {  	_ =	shalt  }
.Lfunc_end0:
.L_simem_size_0:
called_computation.2_lowered:
.L_overlay_start_0:
0x88: {  	s2 =	sld [smem:$0x3FD9]  }
0x89: {  	s3 =	sld [smem:$0x3FFE];
	_ =	sdelay $0x1  }
0x8a: {  	s1 =	srdreg.scid  }
0x8b: {  	s0 =	sand.u32 $0x1, s1  }
0x8c: {  	s17 =	sshll.u32 s0, $0xA;
	s2 =	sadd.s32 s3, s2  }
0x8d: {  	s2 =	sadd.s32 s2, s17  }
0x8e: {  	[smem:$0x3FBD] =	sst s2  }
0x8f: {  	_ = 	snop  }
0x90: {  	s2 =	sld [smem:$0x3FD0];
	(tm) =	ssettm $0x1  }
0x91: {  	s18 =	sld [smem:$0x3FFB];
	_ =	sdelay $0x3  }
0x92: {  	_ =	strace s18  }
0x93: {  	s3 =	sld [smem:$0x3FFC];
	_ =	sdelay $0x3  }
0x94: {  	_ =	strace s3  }
0x95: {  	s3 =	sld [smem:$0x3FFD];
	_ =	sdelay $0x3  }
0x96: {  	_ =	strace s3  }
0x97: {  	_ =	strace $0x8FFFFFFF  }
0x98: {  	s19 =	sld [smem:$0x3FDB];
	_ =	sdelay $0x1  }
0x99: {  	s4 =	simm.s32 $_scs_section_size  }
0x9a: {  	s5 =	simm.s32 $_size__tile_overlayer_lowered;
	s6 =	simm.s32 $_tile_overlayer_lowered  }
0x9b: {  	s22 =	simm.s32 $0x1BFF;
	s21 =	sshll.u32 s6, $0x1;
	s3 =	sadd.s32 s4, s19  }
0x9c: {  	s7 =	simm.s32 $0x0;
	s20 =	sshll.u32 s5, $0x1;
	s5 =	sadd.s32 s21, s3  }
0x9d: {  	[timem:s7], [sflag:s22] =	dma.local [hbm:s5], s20  }
0x9e: {  	_ =	swait.ge [sflag:s22], s20  }
0x9f: {  	s4 =	ssub.s32 $0x0, s20;
	[sflag:s22] =	ssyncset.done $0x0  }
0xa0: {  	[sflag:s22] =	ssyncadd.s32 s4;
	_ =	sdelay $0x1  }
0xa1: {  	s23 =	simm.s32 $0x1B8B  }
0xa2: {  	_ =	swait.ge [sflag:s23], $0x1  }
0xa3: {  	[sflag:s23] =	ssyncset.done $0x0  }
0xa4: {  	s25 =	simm.s32 $0x1B8E;
	s24 =	sld [smem:$0x3FFE];
	[sflag:s23] =	ssyncadd.s32 $0xFFFFFFFF  }
0xa5: {  	s26 =	simm.s32 $execute0_lowered;
	[smem:$0x3FD2] =	sst s25  }
0xa6: {  	s5 =	sshll.u32 s26, $0x1;
	_ =	strace $0x8000004C;
	[dreg:$0x1] =	wrdreg $0xFFFFFFFF  }
0xa7: {  	s28 =	simm.s32 $_size_execute0_lowered;
	s3 =	sadd.s32 s3, s5;
	[dreg:$0x0] =	wrdreg $0x0  }
0xa8: {  	s5 =	sshll.u32 s28, $0x1;
	[dreg:$0x2] =	wrdreg s3  }
0xa9: {  	[dreg:$0x3] =	wrdreg s5  }
0xaa: {  	[dreg:$0x4] =	wrdreg $0xC0  }
0xab: {  	_ =	task [dreg:s7], $0x5FFFF  }
0xac: {  	[dreg:$0x1] =	wrdreg $0xFFFFFFFF  }
0xad: {  	[dreg:$0x0] =	wrdreg $0x60  }
0xae: {  	[dreg:$0x2] =	wrdreg s24  }
0xaf: {  	[dreg:$0x3] =	wrdreg s2  }
0xb0: {  	[dreg:$0x4] =	wrdreg $0x76200  }
0xb1: {  	[dreg:$0x5] =	wrdreg $0x9  }
0xb2: {  	_ =	task.clear_ibuf [dreg:s7], $0x6FFFF;
	_ =	strace $0x9000004C  }
0xb3: {  	s29 =	simm.s32 $0x9;
	_ =	strace $0x8000004E  }
0xb4: {  	_ =	swait.ge [sflag:s29], $0x1  }
0xb5: {  	[sflag:s29] =	ssyncadd.s32 $0xFFFFFFFF  }
0xb6: {  	_ =	strace $0x9000004E  }
0xb7: {  	_ =	sfence  }
0xb8: {  	s30 =	sld [smem:$0x0];
	_ =	sdelay $0x2  }
0xb9: {  	s31 =	sshll.u32 s1, $0xD;
	s1 =	sshrl.u32 s1, $0x2  }
0xba: {  	s3 =	sand.u32 $0x4000, s31;
	s1 =	sadd.s32 s1, s30  }
0xbb: {  	s0 =	sor.u32 s3, s0;
	s1 =	sshll.u32 s1, $0x11  }
0xbc: {  	s0 =	sor.u32 s1, s0  }
0xbd: {  	s0 =	sadd.s32 $0x8F2B, s0  }
0xbe: {  	[sflag:s0] =	ssyncadd.remote.s32 $0x1  }
0xbf: {  	_ =	sfence.sel $0xFFFF  }
0xc0: {  	[dreg:$0x0] =	wrdreg $0xFFFFFFFF;
	(pc) =	sbr.abs _section_cstart, $3  }
0xc1: {  	[dreg:$0x1] =	wrdreg $0xFFFFFFFF  }
0xc2: {  	_ =	task.clear_ibuf [dreg:s7], $0x2FFFF;
	_ =	strace $0x9FFFFFFF  }
0xc3: {  	(tm) =	ssettm $0x7FFFFFFF  }
tec
execute0_lowered:
.L_overlay_start_1:
0x0: {  	(tag) =	ssettag $0x1  }
0x1: {  	s0 =	srdreg.scid;
	s1 =	rddreg [dreg:$0x0]  }
0x2: {  	s12 =	stileid.u32;
	s5 =	rddreg [dreg:$0x1]  }
0x3: {  	s14 =	simm.s32 $0x50;
	s15 =	simm.s32 $0x4E20;
	s16 =	simm.s32 $0x5820  }
0x4: {  	s17 =	simm.s32 $0x6220;
	s18 =	simm.s32 $0x6C20;
	s19 =	simm.s32 $0x1  }
0x5: {  	s20 =	simm.s32 $0x2;
	s21 =	simm.s32 $0x3;
	s22 =	simm.s32 $0x4  }
0x6: {  	s28 =	simm.s32 $0x4D30;
	s29 =	simm.s32 $0x4D80;
	s30 =	simm.s32 $0x26C0  }
0x7: {  	s31 =	simm.s32 $0x4DD0;
	s0 =	sand.u32 $0x1, s0;
	s7 =	smul.u32 $0x5000, s12  }
0x8: {  	s4 =	sadd.s32 $0xB800, s1;
	s26 =	sshll.u32 s12, $0x6;
	s2 =	sshll.u32 s0, $0x4  }
0x9: {  	s8 =	smul.u32 $0x50000, s0;
	s0 =	ssub.s32 $0x2, s0;
	s3 =	sor.u32 s12, s2  }
0xa: {  	s2 =	rddreg [dreg:$0x2];
	s10 =	sshrl.u32 s7, $0x3;
	s25 =	sshrl.u32 s0, $0x1  }
0xb: {  	s12 =	sor.u32 $0x1C05, s26;
	s26 =	simm.s32 $0x4CE0;
	s6 =	smul.u32 $0x4E2, s3  }
0xc: {  	s3 =	simm.s32 $0x0;
	s8 =	sadd.s32 s7, s8;
	s10 =	sadd.s32 s10, s1  }
0xd: {  	s0 =	ssub.s32 s0, s25;
	s11 =	sadd.s32 s7, s2;
	[smem:$0x7FF] =	sst s3  }
0xe: {  	s8 =	sshrl.u32 s8, $0x3;
	s7 =	sadd.s32 $0x15800, s10;
	s10 =	simm.s32 $0x5  }
0xf: {  	s13 =	sshrl.u32 s11, $0x3;
	_ =	strace $0x8000004D;
	s9 =	sadd.s32 s6, s1  }
0x10: {  	s1 =	sadd.s32 s8, s1;
	s5 =	sadd.s32 s5, s6;
	s6 =	sadd.s32 $0x1A00, s9  }
0x11: {  	s8 =	sadd.s32 $0x1F800, s1;
	s9 =	smax.u32 s0, $0x1;
	s1 =	simm.s32 $0x0  }
.LBB2_1:
0x12: {  	[tilespmem:s3], [sflag:$0x5] =	stream.linear.gather [hbm4b:s5+s3], $0x2710, $0x38;
	[tilespmem:$0xC620] =	vst v63  }
0x13: {  	_ =	swait.ge [sflag:s10], $0x2710  }
0x14: {  	[sflag:s10] =	ssyncset.done $0x0  }
0x15: {  	s0 =	simm.s32 $0x2710;
	[sflag:s10] =	ssyncadd.s32 $0xFFFFD8F0  }
0x16: {  	[tilespmem:s0], [sflag:$0x5] =	stream.linear.gather [hbm4b:s6+s3], $0x2710, $0x38;
	[tilespmem:$0xC620] =	vst v63  }
0x17: {  	_ =	swait.ge [sflag:s10], $0x2710  }
0x18: {  	[sflag:s10] =	ssyncset.done $0x0  }
0x19: {  	[sflag:s10] =	ssyncadd.s32 $0xFFFFD8F0  }
0x1a: {  	[spmem:s13], [sflag:s12] =	dma.local [hbm:s7], $0xA00  }
0x1b: {  	_ =	swait.ge [sflag:s10], $0xA00  }
0x1c: {  	[sflag:s10] =	ssyncset.done $0x0  }
0x1d: {  	[sflag:s10] =	ssyncadd.s32 $0xFFFFF600  }
0x1e: {  	[bflag:$0x0] =	sbarrier.arrive $0xFFFF  }
0x1f: {  	[tilespmem:s15], [sflag:$0x1] =	stream.indirect.gather [hbm4b:s4+s14], $0x20, s3, s14, $0xb8;
	[tilespmem:$0xC620] =	vst v63  }
0x20: {  	_ = 	snop  }
0x21: {  	[tilespmem:s16], [sflag:$0x1] =	stream.indirect.gather [hbm4b:s4+s14], $0x20, s14, s14, $0xb8;
	[tilespmem:$0xC620] =	vst v63  }
0x22: {  	s11 =	simm.s32 $0xA0  }
0x23: {  	[tilespmem:s17], [sflag:$0x2] =	stream.indirect.gather [hbm4b:s4+s14], $0x20, s11, s14, $0xb8;
	[tilespmem:$0xC620] =	vst v63  }
0x24: {  	s23 =	simm.s32 $0xF0  }
0x25: {  	[tilespmem:s18], [sflag:$0x2] =	stream.indirect.gather [hbm4b:s4+s14], $0x20, s23, s14, $0xb8;
	[tilespmem:$0xC620] =	vst v63  }
0x26: {  	_ =	swait.ge [sflag:s19], $0xA00  }
0x27: {  	[sflag:s19] =	ssyncset.done $0x0  }
0x28: {  	[sflag:s19] =	ssyncadd.s32 $0xFFFFF600  }
0x29: {  	_ =	swait.ge [sflag:s19], $0xA00  }
0x2a: {  	[sflag:s19] =	ssyncset.done $0x0  }
0x2b: {  	s24 =	simm.s32 $0x2710;
	[sflag:s19] =	ssyncadd.s32 $0xFFFFF600  }
0x2c: {  	[spmem:s2] =	stream.indirect.scatter.add.f32 [tilespmem:s15], [sflag:$0x3], $0x20, s24, s14, $0xb8;
	[tilespmem:$0xC620] =	vst v63  }
0x2d: {  	s25 =	simm.s32 $0x2760  }
0x2e: {  	[spmem:s2] =	stream.indirect.scatter.add.f32 [tilespmem:s16], [sflag:$0x3], $0x20, s25, s14, $0xb8;
	[tilespmem:$0xC620] =	vst v63  }
0x2f: {  	_ =	swait.ge [sflag:s20], $0xA00  }
0x30: {  	[sflag:s20] =	ssyncset.done $0x0  }
0x31: {  	[sflag:s20] =	ssyncadd.s32 $0xFFFFF600  }
0x32: {  	_ =	swait.ge [sflag:s20], $0xA00  }
0x33: {  	[sflag:s20] =	ssyncset.done $0x0  }
0x34: {  	s11 =	simm.s32 $0x27B0;
	[sflag:s20] =	ssyncadd.s32 $0xFFFFF600  }
0x35: {  	[spmem:s2] =	stream.indirect.scatter.add.f32 [tilespmem:s17], [sflag:$0x4], $0x20, s11, s14, $0xb8;
	[tilespmem:$0xC620] =	vst v63  }
0x36: {  	s23 =	simm.s32 $0x2800  }
0x37: {  	[spmem:s2] =	stream.indirect.scatter.add.f32 [tilespmem:s18], [sflag:$0x4], $0x20, s23, s14, $0xb8;
	[tilespmem:$0xC620] =	vst v63  }
0x38: {  	_ =	swait.ge [sflag:s21], $0xA00  }
0x39: {  	[sflag:s21] =	ssyncset.done $0x0  }
0x3a: {  	[sflag:s21] =	ssyncadd.s32 $0xFFFFF600  }
0x3b: {  	_ =	swait.ge [sflag:s21], $0xA00  }
0x3c: {  	[sflag:s21] =	ssyncset.done $0x0  }
0x3d: {  	s24 =	simm.s32 $0x140;
	[sflag:s21] =	ssyncadd.s32 $0xFFFFF600  }
0x3e: {  	[tilespmem:s15], [sflag:$0x1] =	stream.indirect.gather [hbm4b:s4+s14], $0x20, s24, s14, $0xb8;
	[tilespmem:$0xC620] =	vst v63  }
0x3f: {  	s25 =	simm.s32 $0x190  }
0x40: {  	[tilespmem:s16], [sflag:$0x1] =	stream.indirect.gather [hbm4b:s4+s14], $0x20, s25, s14, $0xb8;
	[tilespmem:$0xC620] =	vst v63  }
0x41: {  	_ =	swait.ge [sflag:s22], $0xA00  }
0x42: {  	[sflag:s22] =	ssyncset.done $0x0  }
0x43: {  	[sflag:s22] =	ssyncadd.s32 $0xFFFFF600  }
0x44: {  	_ =	swait.ge [sflag:s22], $0xA00  }
0x45: {  	s0 =	simm.s32 $0x140;
	s11 =	simm.s32 $0xA00;
	[sflag:s22] =	ssyncset.done $0x0  }
.LBB2_2:
0x46: {  	s25 =	sadd.s32 $0xA0, s0  }
0x47: {  	[sflag:s22] =	ssyncadd.s32 $0xFFFFF600;
	s23 =	smov.u32 s11;
	s24 =	sadd.s32 $0x500, s11  }
0x48: {  	[tilespmem:s17], [sflag:$0x2] =	stream.indirect.gather [hbm4b:s4+s14], $0x20, s25, s14, $0xb8;
	[tilespmem:$0xC620] =	vst v63  }
0x49: {  	p0 =	sne.s32 s11, $0x9100;
	s11 =	sadd.s32 $0xF0, s0  }
0x4a: {  	[tilespmem:s18], [sflag:$0x2] =	stream.indirect.gather [hbm4b:s4+s14], $0x20, s11, s14, $0xb8;
	[tilespmem:$0xC620] =	vst v63  }
0x4b: {  	_ =	swait.ge [sflag:s19], $0xA00  }
0x4c: {  	[sflag:s19] =	ssyncset.done $0x0  }
0x4d: {  	[sflag:s19] =	ssyncadd.s32 $0xFFFFF600  }
0x4e: {  	_ =	swait.ge [sflag:s19], $0xA00  }
0x4f: {  	[sflag:s19] =	ssyncset.done $0x0  }
0x50: {  	s11 =	sadd.s32 $0x2710, s0;
	[sflag:s19] =	ssyncadd.s32 $0xFFFFF600  }
0x51: {  	[spmem:s2] =	stream.indirect.scatter.add.f32 [tilespmem:s15], [sflag:$0x3], $0x20, s11, s14, $0xb8;
	[tilespmem:$0xC620] =	vst v63  }
0x52: {  	s11 =	sadd.s32 $0x2760, s0  }
0x53: {  	[spmem:s2] =	stream.indirect.scatter.add.f32 [tilespmem:s16], [sflag:$0x3], $0x20, s11, s14, $0xb8;
	[tilespmem:$0xC620] =	vst v63  }
0x54: {  	_ =	swait.ge [sflag:s20], $0xA00  }
0x55: {  	[sflag:s20] =	ssyncset.done $0x0  }
0x56: {  	[sflag:s20] =	ssyncadd.s32 $0xFFFFF600  }
0x57: {  	_ =	swait.ge [sflag:s20], $0xA00  }
0x58: {  	[sflag:s20] =	ssyncset.done $0x0  }
0x59: {  	s11 =	sadd.s32 $0x27B0, s0;
	[sflag:s20] =	ssyncadd.s32 $0xFFFFF600  }
0x5a: {  	[spmem:s2] =	stream.indirect.scatter.add.f32 [tilespmem:s17], [sflag:$0x4], $0x20, s11, s14, $0xb8;
	[tilespmem:$0xC620] =	vst v63  }
0x5b: {  	s11 =	sadd.s32 $0x2800, s0  }
0x5c: {  	[spmem:s2] =	stream.indirect.scatter.add.f32 [tilespmem:s18], [sflag:$0x4], $0x20, s11, s14, $0xb8;
	[tilespmem:$0xC620] =	vst v63  }
0x5d: {  	_ =	swait.ge [sflag:s21], $0xA00  }
0x5e: {  	[sflag:s21] =	ssyncset.done $0x0  }
0x5f: {  	[sflag:s21] =	ssyncadd.s32 $0xFFFFF600  }
0x60: {  	_ =	swait.ge [sflag:s21], $0xA00  }
0x61: {  	[sflag:s21] =	ssyncset.done $0x0  }
0x62: {  	s11 =	sadd.s32 $0x140, s0;
	[sflag:s21] =	ssyncadd.s32 $0xFFFFF600  }
0x63: {  	[tilespmem:s15], [sflag:$0x1] =	stream.indirect.gather [hbm4b:s4+s14], $0x20, s11, s14, $0xb8;
	[tilespmem:$0xC620] =	vst v63  }
0x64: {  	s0 =	sadd.s32 $0x190, s0  }
0x65: {  	[tilespmem:s16], [sflag:$0x1] =	stream.indirect.gather [hbm4b:s4+s14], $0x20, s0, s14, $0xb8;
	[tilespmem:$0xC620] =	vst v63  }
.Ltmp0:
0x66: {  	_ =	swait.ge [sflag:s22], $0xA00;
	(pc) =	sbr.rel @p0 .LBB2_2-.Ltmp0, $4  }
0x67: {  	[sflag:s22] =	ssyncset.done $0x0  }
0x68: {  	[sflag:s22] =	ssyncadd.s32 $0xFFFFF600  }
0x69: {  	_ =	swait.ge [sflag:s22], $0xA00  }
0x6a: {  	s11 =	smov.u32 s24;
	s0 =	sshra.s32 s23, $0x2;
	[sflag:s22] =	ssyncset.done $0x0  }
0x6b: {  	s11 =	sadd.s32 $0xA0, s0;
	[sflag:s22] =	ssyncadd.s32 $0xFFFFF600  }
0x6c: {  	[tilespmem:s17], [sflag:$0x2] =	stream.indirect.gather [hbm4b:s4+s14], $0x20, s11, s14, $0xb8;
	[tilespmem:$0xC620] =	vst v63  }
0x6d: {  	s23 =	sadd.s32 $0xF0, s0  }
0x6e: {  	[tilespmem:s18], [sflag:$0x2] =	stream.indirect.gather [hbm4b:s4+s14], $0x20, s23, s14, $0xb8;
	[tilespmem:$0xC620] =	vst v63  }
0x6f: {  	_ =	swait.ge [sflag:s19], $0xA00  }
0x70: {  	[sflag:s19] =	ssyncset.done $0x0  }
0x71: {  	[sflag:s19] =	ssyncadd.s32 $0xFFFFF600  }
0x72: {  	_ =	swait.ge [sflag:s19], $0xA00  }
0x73: {  	[sflag:s19] =	ssyncset.done $0x0  }
0x74: {  	s24 =	sadd.s32 $0x2710, s0;
	[sflag:s19] =	ssyncadd.s32 $0xFFFFF600  }
0x75: {  	[spmem:s2] =	stream.indirect.scatter.add.f32 [tilespmem:s15], [sflag:$0x3], $0x20, s24, s14, $0xb8;
	[tilespmem:$0xC620] =	vst v63  }
0x76: {  	s25 =	sadd.s32 $0x2760, s0  }
0x77: {  	[spmem:s2] =	stream.indirect.scatter.add.f32 [tilespmem:s16], [sflag:$0x3], $0x20, s25, s14, $0xb8;
	[tilespmem:$0xC620] =	vst v63  }
0x78: {  	_ =	swait.ge [sflag:s20], $0xA00  }
0x79: {  	[sflag:s20] =	ssyncset.done $0x0  }
0x7a: {  	[sflag:s20] =	ssyncadd.s32 $0xFFFFF600  }
0x7b: {  	_ =	swait.ge [sflag:s20], $0xA00  }
0x7c: {  	[sflag:s20] =	ssyncset.done $0x0  }
0x7d: {  	s23 =	sadd.s32 $0x27B0, s0;
	[sflag:s20] =	ssyncadd.s32 $0xFFFFF600  }
0x7e: {  	[spmem:s2] =	stream.indirect.scatter.add.f32 [tilespmem:s17], [sflag:$0x4], $0x20, s23, s14, $0xb8;
	[tilespmem:$0xC620] =	vst v63  }
0x7f: {  	s24 =	sadd.s32 $0x2800, s0  }
0x80: {  	[spmem:s2] =	stream.indirect.scatter.add.f32 [tilespmem:s18], [sflag:$0x4], $0x20, s24, s14, $0xb8;
	[tilespmem:$0xC620] =	vst v63  }
0x81: {  	_ =	swait.ge [sflag:s21], $0xA00  }
0x82: {  	[sflag:s21] =	ssyncset.done $0x0  }
0x83: {  	[sflag:s21] =	ssyncadd.s32 $0xFFFFF600  }
0x84: {  	_ =	swait.ge [sflag:s21], $0xA00  }
0x85: {  	[sflag:s21] =	ssyncset.done $0x0  }
0x86: {  	s25 =	sadd.s32 $0x140, s0;
	[sflag:s21] =	ssyncadd.s32 $0xFFFFF600  }
0x87: {  	[tilespmem:s15], [sflag:$0x1] =	stream.indirect.gather [hbm4b:s4+s14], $0x20, s25, s14, $0xb8;
	[tilespmem:$0xC620] =	vst v63  }
0x88: {  	s11 =	sadd.s32 $0x190, s0  }
0x89: {  	[tilespmem:s16], [sflag:$0x1] =	stream.indirect.gather [hbm4b:s4+s14], $0x20, s11, s14, $0xb8;
	[tilespmem:$0xC620] =	vst v63  }
0x8a: {  	_ =	swait.ge [sflag:s22], $0xA00  }
0x8b: {  	[sflag:s22] =	ssyncset.done $0x0  }
0x8c: {  	[sflag:s22] =	ssyncadd.s32 $0xFFFFF600  }
0x8d: {  	_ =	swait.ge [sflag:s22], $0xA00  }
0x8e: {  	[sflag:s22] =	ssyncset.done $0x0  }
0x8f: {  	s23 =	simm.s32 $0x2620;
	[sflag:s22] =	ssyncadd.s32 $0xFFFFF600  }
0x90: {  	[tilespmem:s17], [sflag:$0x2] =	stream.indirect.gather [hbm4b:s4+s14], $0x20, s23, s14, $0xb8;
	[tilespmem:$0xC620] =	vst v63  }
0x91: {  	s24 =	simm.s32 $0x2670  }
0x92: {  	[tilespmem:s18], [sflag:$0x2] =	stream.indirect.gather [hbm4b:s4+s14], $0x20, s24, s14, $0xb8;
	[tilespmem:$0xC620] =	vst v63  }
0x93: {  	_ =	swait.ge [sflag:s19], $0xA00  }
0x94: {  	[sflag:s19] =	ssyncset.done $0x0  }
0x95: {  	[sflag:s19] =	ssyncadd.s32 $0xFFFFF600  }
0x96: {  	_ =	swait.ge [sflag:s19], $0xA00  }
0x97: {  	[sflag:s19] =	ssyncset.done $0x0  }
0x98: {  	s25 =	simm.s32 $0x4C90;
	[sflag:s19] =	ssyncadd.s32 $0xFFFFF600  }
0x99: {  	[spmem:s2] =	stream.indirect.scatter.add.f32 [tilespmem:s15], [sflag:$0x3], $0x20, s25, s14, $0xb8;
	[tilespmem:$0xC620] =	vst v63  }
0x9a: {  	_ = 	snop  }
0x9b: {  	[spmem:s2] =	stream.indirect.scatter.add.f32 [tilespmem:s16], [sflag:$0x3], $0x20, s26, s14, $0xb8;
	[tilespmem:$0xC620] =	vst v63  }
0x9c: {  	_ =	swait.ge [sflag:s20], $0xA00  }
0x9d: {  	[sflag:s20] =	ssyncset.done $0x0  }
0x9e: {  	[sflag:s20] =	ssyncadd.s32 $0xFFFFF600  }
0x9f: {  	_ =	swait.ge [sflag:s20], $0xA00  }
0xa0: {  	[sflag:s20] =	ssyncset.done $0x0  }
0xa1: {  	[sflag:s20] =	ssyncadd.s32 $0xFFFFF600  }
0xa2: {  	[spmem:s2] =	stream.indirect.scatter.add.f32 [tilespmem:s17], [sflag:$0x4], $0x20, s28, s14, $0xb8;
	[tilespmem:$0xC620] =	vst v63  }
0xa3: {  	_ = 	snop  }
0xa4: {  	[spmem:s2] =	stream.indirect.scatter.add.f32 [tilespmem:s18], [sflag:$0x4], $0x20, s29, s14, $0xb8;
	[tilespmem:$0xC620] =	vst v63  }
0xa5: {  	_ =	swait.ge [sflag:s21], $0xA00  }
0xa6: {  	[sflag:s21] =	ssyncset.done $0x0  }
0xa7: {  	[sflag:s21] =	ssyncadd.s32 $0xFFFFF600  }
0xa8: {  	_ =	swait.ge [sflag:s21], $0xA00  }
0xa9: {  	[sflag:s21] =	ssyncset.done $0x0  }
0xaa: {  	[sflag:s21] =	ssyncadd.s32 $0xFFFFF600  }
0xab: {  	_ =	swait.ge [sflag:s22], $0xA00  }
0xac: {  	[sflag:s22] =	ssyncset.done $0x0  }
0xad: {  	[sflag:s22] =	ssyncadd.s32 $0xFFFFF600  }
0xae: {  	_ =	swait.ge [sflag:s22], $0xA00  }
0xaf: {  	[sflag:s22] =	ssyncset.done $0x0  }
0xb0: {  	[sflag:s22] =	ssyncadd.s32 $0xFFFFF600  }
0xb1: {  	[tilespmem:s15], [sflag:$0x1] =	stream.indirect.gather [hbm4b:s4+s14], $0x20, s30, s14, $0xb8;
	[tilespmem:$0xC620] =	vst v63  }
0xb2: {  	_ =	swait.ge [sflag:s19], $0xA00  }
0xb3: {  	[sflag:s19] =	ssyncset.done $0x0  }
0xb4: {  	[sflag:s19] =	ssyncadd.s32 $0xFFFFF600  }
0xb5: {  	[spmem:s2] =	stream.indirect.scatter.add.f32 [tilespmem:s15], [sflag:$0x3], $0x20, s31, s14, $0xb8;
	[tilespmem:$0xC620] =	vst v63  }
0xb6: {  	_ =	swait.ge [sflag:s21], $0xA00  }
0xb7: {  	s1 =	sadd.s32 $0x1, s1;
	[sflag:s21] =	ssyncset.done $0x0  }
0xb8: {  	p0 =	sne.s32 s1, s9;
	[sflag:s21] =	ssyncadd.s32 $0xFFFFF600  }
.Ltmp1:
0xb9: {  	[bflag:$0x0] =	sbarrier.arrive $0xFFFF;
	(pc) =	sbr.rel @p0 .LBB2_1-.Ltmp1, $4  }
0xba: {  	[hbm:s8], [sflag:s12] =	dma.local [spmem:s13], $0xA00  }
0xbb: {  	_ =	swait.ge [sflag:s10], $0xA00  }
0xbc: {  	[sflag:s10] =	ssyncset.done $0x0  }
0xbd: {  	[sflag:s10] =	ssyncadd.s32 $0xFFFFF600  }
0xbe: {  	_ =	sfence.sel $0x180000  }
0xbf: {  	[bflag:$0x0] =	sbarrier.arrive $0xFFFF  }
0xc0: {  	_ =	strace $0x9000004D  }
0xc1: {  	s0 =	stileid.u32;
	[bflag:$0x2] =	sbarrier.arrive $0xFFFF  }
0xc2: {  	p0 =	sne.s32 s0, $0x0;
	s0 =	rddreg [dreg:$0x3]  }
0xc3: {  	s0 =	sadd.s32 @!p0 $0x100000, s0  }
0xc4: {  	[sflag:s0] =	ssyncadd.tile.s32 @!p0 $0x1;
	_ =	shalt  }
.Lfunc_end2:
_tile_overlayer_lowered:
.L_overlay_start_2:
0xc5: {  	(tag) =	ssettag $0x2  }
0xc6: {  	s0 =	rddreg [dreg:$0x0];
	s2 =	stileid.u32  }
0xc7: {  	s1 =	rddreg [dreg:$0x1];
	p0 =	sne.s32 s2, $0x0  }
0xc8: {  	s3 =	rddreg [dreg:$0x2];
	[bflag:$0x3] =	sbarrier.arrive $0xFFFF;
	s2 =	simm.s32 @!p0 $0x1C05  }
0xc9: {  	[timem:s3], [sflag:s2] =	dma.local @!p0 [hbm:s0], s1  }
0xca: {  	s0 =	simm.s32 @!p0 $0x5  }
0xcb: {  	_ =	swait.ge @!p0 [sflag:s0], s1  }
0xcc: {  	s1 =	ssub.s32 @!p0 $0x0, s1;
	[sflag:s0] =	ssyncset.done @!p0 $0x0  }
0xcd: {  	[sflag:s0] =	ssyncadd.s32 @!p0 s1  }
0xce: {  	[bflag:$0x3] =	sbarrier.arrive $0xFFFF  }
0xcf: {  	_ =	shalt  }

// kernel: kernel.8.cloned.1.call-start
scs
__scs_entry_jumppad:
0x0: {  	(pc) =	sbr.rel $0x88, $3  }
0x1: {  	(tag) =	ssettag $0x0;
	lr =	simm.s32 $0x1  }
0x2: {  	[smem:$0x3F96] =	sst lr;
	_ =	strace $0xD0000000  }
0x3: {  	_ = 	snop  }
0x4: {  	_ = 	snop  }
0x5: {  	_ = 	snop  }
0x6: {  	_ = 	snop  }
0x7: {  	_ = 	snop  }
__scs_overlays_trampoline_lowered:
0x8: {  	[smem:$0x3FA5] =	sst s0  }
0x9: {  	[smem:$0x3FA6] =	sst s1  }
0xa: {  	[smem:$0x3FA7] =	sst s2  }
0xb: {  	[smem:$0x3FA8] =	sst s3  }
0xc: {  	[smem:$0x3FA9] =	sst s4  }
0xd: {  	[smem:$0x3FAA] =	sst s5  }
0xe: {  	[smem:$0x3FAB] =	sst s6  }
0xf: {  	[smem:$0x3FAC] =	sst s7  }
0x10: {  	[smem:$0x3FAD] =	sst s8  }
0x11: {  	[smem:$0x3FAE] =	sst s9;
	s0 =	simm.s32 @!p0 $0x0  }
0x12: {  	s1 =	sld [smem:$0x3F94];
	s0 =	simm.s32 @p0 $0x1  }
0x13: {  	[smem:$0x3FAF] =	sst s0;
	s0 =	simm.s32 @!p1 $0x0  }
0x14: {  	s2 =	sld [smem:$0x3F93];
	s0 =	simm.s32 @p1 $0x1  }
0x15: {  	[smem:$0x3FB0] =	sst s0;
	s0 =	simm.s32 @!p2 $0x0  }
0x16: {  	s3 =	sld [smem:$0x3FDB];
	s0 =	simm.s32 @p2 $0x1  }
0x17: {  	s4 =	simm.s32 $0x1BF5;
	[smem:$0x3FB2] =	sst s0  }
0x18: {  	s0 =	sld [smem:$0x3F95];
	_ =	swait.ge [sflag:s4], $0x0  }
0x19: {  	s7 =	sld [smem:$0x3F96]  }
0x1a: {  	s8 =	sadd.s32 $0xFFFFE003, lr  }
0x1b: {  	s9 =	sadd.s32 $0xFFFFFEF7, lr;
	s5 =	simm.s32 $0xFFFFFFFF;
	p2 =	slt.u32 s8, $0xFFFFF086  }
0x1c: {  	p1 =	slt.u32 s9, $0xF7A;
	s5 =	simm.s32 @!p2 $0x0  }
0x1d: {  	s5 =	simm.s32 @p1 $0x1;
	p0 =	seq.s32 s7, s2  }
0x1e: {  	s7 =	smul.u32 @!p0 $0xF7A, s2;
	p2 =	seq.s32 @!p0 s5, $0x0  }
0x1f: {  	s9 =	smul.u32 $0xF7A, s1;
	s8 =	simm.s32 @!p0 $0x1BF5;
	p2 =	por !p2, p0  }
0x20: {  	[sflag:s8] =	ssyncset.s32 @!p0 $0xFFFFF086;
	s6 =	sadd.s32 @!p0 s3, s7;
	s7 =	simm.s32 @!p0 $0x108  }
0x21: {  	s3 =	sadd.s32 s3, s9;
	s6 =	sadd.s32 @!p0 $0x88, s6;
	s7 =	simm.s32 @p2 $0x1082  }
0x22: {  	[simem:s7], [sflag:s8] =	dma.local @!p0 [hbm:s6], $0xF7A  }
0x23: {  	s9 =	sor.u32 $0xD0000000, s2;
	s6 =	simm.s32 $0x108;
	_ =	swait.ge @!p0 [sflag:s8], $0x0  }
0x24: {  	s3 =	sadd.s32 $0x88, s3;
	s6 =	simm.s32 @!p1 $0x1082;
	[sflag:s4] =	ssyncset.s32 $0xFFFFF086  }
0x25: {  	[simem:s6], [sflag:s4] =	dma.local [hbm:s3], $0xF7A  }
0x26: {  	[smem:$0x3F96] =	sst s1;
	(tag) =	ssettag s2;
	_ =	strace s9  }
0x27: {  	s1 =	sld [smem:$0x3FA6]  }
0x28: {  	s2 =	sld [smem:$0x3FA7]  }
0x29: {  	s4 =	sld [smem:$0x3FA9]  }
0x2a: {  	p0 =	seq.s32 s5, $0x0;
	s5 =	sld [smem:$0x3FAA]  }
0x2b: {  	s6 =	sld [smem:$0x3FAB]  }
0x2c: {  	s7 =	sld [smem:$0x3FAC]  }
0x2d: {  	s3 =	simm.s32 $0x108;
	s8 =	sld [smem:$0x3FAD]  }
0x2e: {  	s3 =	simm.s32 @!p0 $0x1082;
	s9 =	sld [smem:$0x3FAE]  }
0x2f: {  	lr =	sadd.s32 s0, s3;
	s0 =	sld [smem:$0x3FA5]  }
0x30: {  	s3 =	sld [smem:$0x3FA8]  }
0x31: {  	[smem:$0x3FB1] =	sst s10  }
0x32: {  	s10 =	sld [smem:$0x3FAF];
	_ =	sdelay $0x3  }
0x33: {  	p0 =	seq.s32 s10, $0x1;
	s10 =	sld [smem:$0x3FB1];
	_ =	sdelay $0x3  }
0x34: {  	[smem:$0x3FB1] =	sst s10  }
0x35: {  	s10 =	sld [smem:$0x3FB0];
	_ =	sdelay $0x3  }
0x36: {  	p1 =	seq.s32 s10, $0x1;
	s10 =	sld [smem:$0x3FB1];
	_ =	sdelay $0x3  }
0x37: {  	[smem:$0x3FB1] =	sst s10  }
0x38: {  	s10 =	sld [smem:$0x3FB2]  }
0x39: {  	_ = 	snop;
	(pc) =	sbr.ind lr, $3  }
0x3a: {  	_ = 	snop  }
0x3b: {  	_ = 	snop  }
0x3c: {  	p2 =	seq.s32 s10, $0x1;
	s10 =	sld [smem:$0x3FB1]  }
0x3d: {  	_ =	shalt  }
0x3e: {  	_ =	shalt  }
0x3f: {  	_ =	shalt  }
0x40: {  	_ =	shalt  }
0x41: {  	_ =	shalt  }
0x42: {  	_ =	shalt  }
0x43: {  	_ =	shalt  }
0x44: {  	_ =	shalt  }
0x45: {  	_ =	shalt  }
0x46: {  	_ =	shalt  }
0x47: {  	_ =	shalt  }
0x48: {  	_ =	shalt  }
0x49: {  	_ =	shalt  }
0x4a: {  	_ =	shalt  }
0x4b: {  	_ =	shalt  }
0x4c: {  	_ =	shalt  }
0x4d: {  	_ =	shalt  }
0x4e: {  	_ =	shalt  }
0x4f: {  	_ =	shalt  }
0x50: {  	_ =	shalt  }
0x51: {  	_ =	shalt  }
0x52: {  	_ =	shalt  }
0x53: {  	_ =	shalt  }
0x54: {  	_ =	shalt  }
0x55: {  	_ =	shalt  }
0x56: {  	_ =	shalt  }
0x57: {  	_ =	shalt  }
0x58: {  	_ =	shalt  }
0x59: {  	_ =	shalt  }
0x5a: {  	_ =	shalt  }
0x5b: {  	_ =	shalt  }
0x5c: {  	_ =	shalt  }
0x5d: {  	_ =	shalt  }
0x5e: {  	_ =	shalt  }
0x5f: {  	_ =	shalt  }
0x60: {  	_ =	shalt  }
0x61: {  	_ =	shalt  }
0x62: {  	_ =	shalt  }
0x63: {  	_ =	shalt  }
0x64: {  	_ =	shalt  }
0x65: {  	_ =	shalt  }
0x66: {  	_ =	shalt  }
0x67: {  	_ =	shalt  }
0x68: {  	_ =	shalt  }
0x69: {  	_ =	shalt  }
0x6a: {  	_ =	shalt  }
0x6b: {  	_ =	shalt  }
0x6c: {  	_ =	shalt  }
0x6d: {  	_ =	shalt  }
0x6e: {  	_ =	shalt  }
0x6f: {  	_ =	shalt  }
0x70: {  	_ =	shalt  }
0x71: {  	_ =	shalt  }
0x72: {  	_ =	shalt  }
0x73: {  	_ =	shalt  }
0x74: {  	_ =	shalt  }
0x75: {  	_ =	shalt  }
0x76: {  	_ =	shalt  }
0x77: {  	_ =	shalt  }
0x78: {  	_ =	shalt  }
0x79: {  	_ =	shalt  }
0x7a: {  	_ =	shalt  }
0x7b: {  	_ =	shalt  }
0x7c: {  	_ =	shalt  }
0x7d: {  	_ =	shalt  }
0x7e: {  	_ =	shalt  }
0x7f: {  	_ =	shalt  }
0x80: {  	_ =	shalt  }
0x81: {  	_ =	shalt  }
0x82: {  	_ =	shalt  }
0x83: {  	_ =	shalt  }
0x84: {  	_ =	shalt  }
0x85: {  	_ =	shalt  }
0x86: {  	_ =	shalt  }
0x87: {  	_ =	shalt  }
.Lfunc_end0:
.L_simem_size_0:
called_computation_lowered:
.L_overlay_start_0:
0x88: {  	s2 =	sld [smem:$0x3FD9]  }
0x89: {  	s3 =	sld [smem:$0x3FFE];
	_ =	sdelay $0x1  }
0x8a: {  	s1 =	srdreg.scid  }
0x8b: {  	s0 =	sand.u32 $0x1, s1  }
0x8c: {  	s16 =	sshll.u32 s0, $0xA;
	s2 =	sadd.s32 s3, s2  }
0x8d: {  	s2 =	sadd.s32 s2, s16  }
0x8e: {  	[smem:$0x3FBD] =	sst s2  }
0x8f: {  	_ = 	snop  }
0x90: {  	(tm) =	ssettm $0x1  }
0x91: {  	s17 =	sld [smem:$0x3FFB];
	_ =	sdelay $0x3  }
0x92: {  	_ =	strace s17  }
0x93: {  	s2 =	sld [smem:$0x3FFC];
	_ =	sdelay $0x3  }
0x94: {  	_ =	strace s2  }
0x95: {  	s2 =	sld [smem:$0x3FFD];
	_ =	sdelay $0x3  }
0x96: {  	_ =	strace s2  }
0x97: {  	_ =	strace $0x8FFFFFFF  }
0x98: {  	s18 =	sld [smem:$0x3FDB];
	_ =	sdelay $0x1  }
0x99: {  	s19 =	simm.s32 $_scs_section_size  }
0x9a: {  	s4 =	simm.s32 $_size__tile_overlayer_lowered;
	s5 =	simm.s32 $_tile_overlayer_lowered  }
0x9b: {  	s22 =	simm.s32 $0x1BFF;
	s21 =	sshll.u32 s5, $0x1;
	s2 =	sadd.s32 s19, s18  }
0x9c: {  	s6 =	simm.s32 $0x0;
	s20 =	sshll.u32 s4, $0x1;
	s4 =	sadd.s32 s21, s2  }
0x9d: {  	[timem:s6], [sflag:s22] =	dma.local [hbm:s4], s20  }
0x9e: {  	_ =	swait.ge [sflag:s22], s20  }
0x9f: {  	s3 =	ssub.s32 $0x0, s20;
	[sflag:s22] =	ssyncset.done $0x0  }
0xa0: {  	[sflag:s22] =	ssyncadd.s32 s3;
	_ =	sdelay $0x1  }
0xa1: {  	s23 =	simm.s32 $0x1B8B  }
0xa2: {  	_ =	swait.ge [sflag:s23], $0x1  }
0xa3: {  	[sflag:s23] =	ssyncset.done $0x0  }
0xa4: {  	s25 =	simm.s32 $0x1B8E;
	s24 =	sld [smem:$0x3FFE];
	[sflag:s23] =	ssyncadd.s32 $0xFFFFFFFF  }
0xa5: {  	s26 =	simm.s32 $execute0_lowered;
	[smem:$0x3FD2] =	sst s25  }
0xa6: {  	s4 =	sshll.u32 s26, $0x1;
	_ =	strace $0x80000046;
	[dreg:$0x1] =	wrdreg $0xFFFFFFFF  }
0xa7: {  	s28 =	simm.s32 $_size_execute0_lowered;
	s2 =	sadd.s32 s2, s4;
	[dreg:$0x0] =	wrdreg $0x0  }
0xa8: {  	s4 =	sshll.u32 s28, $0x1;
	[dreg:$0x2] =	wrdreg s2  }
0xa9: {  	[dreg:$0x3] =	wrdreg s4  }
0xaa: {  	[dreg:$0x4] =	wrdreg $0xC0  }
0xab: {  	_ =	task [dreg:s6], $0x5FFFF  }
0xac: {  	[dreg:$0x1] =	wrdreg $0xFFFFFFFF  }
0xad: {  	[dreg:$0x0] =	wrdreg $0x60  }
0xae: {  	[dreg:$0x2] =	wrdreg s24  }
0xaf: {  	[dreg:$0x3] =	wrdreg $0x29900  }
0xb0: {  	[dreg:$0x4] =	wrdreg $0x9  }
0xb1: {  	_ =	task.clear_ibuf [dreg:s6], $0x5FFFF;
	_ =	strace $0x90000046  }
0xb2: {  	s29 =	simm.s32 $0x9;
	_ =	strace $0x80000048  }
0xb3: {  	_ =	swait.ge [sflag:s29], $0x1  }
0xb4: {  	[sflag:s29] =	ssyncadd.s32 $0xFFFFFFFF  }
0xb5: {  	_ =	strace $0x90000048  }
0xb6: {  	_ =	sfence  }
0xb7: {  	s30 =	sld [smem:$0x0];
	_ =	sdelay $0x2  }
0xb8: {  	s31 =	sshll.u32 s1, $0xD;
	s1 =	sshrl.u32 s1, $0x2  }
0xb9: {  	s3 =	sand.u32 $0x4000, s31;
	s1 =	sadd.s32 s1, s30  }
0xba: {  	s0 =	sor.u32 s3, s0;
	s1 =	sshll.u32 s1, $0x11  }
0xbb: {  	s0 =	sor.u32 s1, s0  }
0xbc: {  	s0 =	sadd.s32 $0x8F2B, s0  }
0xbd: {  	[sflag:s0] =	ssyncadd.remote.s32 $0x1  }
0xbe: {  	_ =	sfence.sel $0xFFFF  }
0xbf: {  	[dreg:$0x0] =	wrdreg $0xFFFFFFFF;
	(pc) =	sbr.abs _section_cstart, $3  }
0xc0: {  	[dreg:$0x1] =	wrdreg $0xFFFFFFFF  }
0xc1: {  	_ =	task.clear_ibuf [dreg:s6], $0x2FFFF;
	_ =	strace $0x9FFFFFFF  }
0xc2: {  	(tm) =	ssettm $0x7FFFFFFF  }
0xc3: {  	_ =	shalt  }
tec
execute0_lowered:
.L_overlay_start_1:
0x0: {  	(tag) =	ssettag $0x1  }
0x1: {  	s6 =	rddreg [dreg:$0x0]  }
0x2: {  	s0 =	srdreg.scid;
	s2 =	rddreg [dreg:$0x1];
	s3 =	simm.s32 $0x0  }
0x3: {  	s13 =	simm.s32 $0x50;
	s5 =	sand.u32 $0x1, s0;
	s0 =	stileid.u32  }
0x4: {  	s14 =	simm.s32 $0x1;
	s15 =	simm.s32 $0x0;
	s7 =	smul.u32 $0x1400, s0  }
0x5: {  	[smem:$0x7FF] =	sst s3;
	s1 =	sshll.u32 s5, $0x4;
	s8 =	smul.u32 $0x14000, s5  }
0x6: {  	s5 =	ssub.s32 $0x2, s5;
	s31 =	sshll.u32 s0, $0x6;
	s1 =	sor.u32 s0, s1  }
0x7: {  	s11 =	sshrl.u32 s5, $0x1;
	s4 =	smul.u32 $0x4E2, s1;
	s1 =	rddreg [dreg:$0x2]  }
0x8: {  	_ =	strace $0x80000047;
	s10 =	sshrl.u32 s7, $0x3;
	s8 =	sadd.s32 s7, s8  }
0x9: {  	s11 =	ssub.s32 s5, s11;
	s12 =	sadd.s32 s7, s2;
	s10 =	sadd.s32 s10, s6  }
0xa: {  	s8 =	sshrl.u32 s8, $0x3;
	s12 =	sshrl.u32 s12, $0x3;
	s9 =	sadd.s32 s4, s6  }
0xb: {  	s4 =	sadd.s32 $0xE000, s6;
	s8 =	sadd.s32 s8, s6;
	s6 =	sadd.s32 $0xB800, s10  }
0xc: {  	s10 =	simm.s32 $0x2710;
	s5 =	sadd.s32 $0x1A00, s9;
	s7 =	sadd.s32 $0xE200, s8  }
0xd: {  	s8 =	smax.u32 s11, $0x1;
	s9 =	simm.s32 $0x2;
	s11 =	sor.u32 $0x1C02, s31  }
.LBB2_1:
0xe: {  	[tilespmem:s3], [sflag:$0x2] =	stream.linear.gather [hbm4b:s5+s3], $0x2710, $0x38;
	[tilespmem:$0x3D90] =	vst v63  }
0xf: {  	_ =	swait.ge [sflag:s9], $0x2710  }
0x10: {  	[sflag:s9] =	ssyncset.done $0x0  }
0x11: {  	[sflag:s9] =	ssyncadd.s32 $0xFFFFD8F0  }
0x12: {  	[tilespmem:s10], [sflag:$0x2] =	stream.linear.gather [hbm4b:s4+s3], $0x280, $0x38;
	[tilespmem:$0x3D90] =	vst v63  }
0x13: {  	_ =	swait.ge [sflag:s9], $0x280  }
0x14: {  	[sflag:s9] =	ssyncset.done $0x0  }
0x15: {  	[sflag:s9] =	ssyncadd.s32 $0xFFFFFD80  }
0x16: {  	[spmem:s12], [sflag:s11] =	dma.local [hbm:s6], $0x280  }
0x17: {  	_ =	swait.ge [sflag:s9], $0x280  }
0x18: {  	[sflag:s9] =	ssyncset.done $0x0  }
0x19: {  	[sflag:s9] =	ssyncadd.s32 $0xFFFFFD80  }
0x1a: {  	s16 =	simm.s32 $0x0;
	[bflag:$0x0] =	sbarrier.arrive $0xFFFF  }
0x1b: {  	[spmem:s2] =	stream.indirect.scatter.add.f32 [tilespmem:s10], [sflag:$0x1], $0x8, s16, s13, $0xb8;
	[tilespmem:$0x3D90] =	vst v63  }
0x1c: {  	s28 =	simm.s32 $0x50  }
0x1d: {  	[spmem:s2] =	stream.indirect.scatter.add.f32 [tilespmem:s10], [sflag:$0x1], $0x8, s28, s13, $0xb8;
	[tilespmem:$0x3D90] =	vst v63  }
0x1e: {  	s29 =	simm.s32 $0xA0  }
0x1f: {  	[spmem:s2] =	stream.indirect.scatter.add.f32 [tilespmem:s10], [sflag:$0x1], $0x8, s29, s13, $0xb8;
	[tilespmem:$0x3D90] =	vst v63  }
0x20: {  	s30 =	simm.s32 $0xF0  }
0x21: {  	[spmem:s2] =	stream.indirect.scatter.add.f32 [tilespmem:s10], [sflag:$0x1], $0x8, s30, s13, $0xb8;
	[tilespmem:$0x3D90] =	vst v63  }
0x22: {  	s31 =	simm.s32 $0x140  }
0x23: {  	[spmem:s2] =	stream.indirect.scatter.add.f32 [tilespmem:s10], [sflag:$0x1], $0x8, s31, s13, $0xb8;
	[tilespmem:$0x3D90] =	vst v63  }
0x24: {  	_ =	swait.ge [sflag:s14], $0x280  }
0x25: {  	[sflag:s14] =	ssyncset.done $0x0  }
0x26: {  	[sflag:s14] =	ssyncadd.s32 $0xFFFFFD80  }
0x27: {  	_ =	swait.ge [sflag:s14], $0x280  }
0x28: {  	[sflag:s14] =	ssyncset.done $0x0  }
0x29: {  	[sflag:s14] =	ssyncadd.s32 $0xFFFFFD80  }
0x2a: {  	_ =	swait.ge [sflag:s14], $0x280  }
0x2b: {  	[sflag:s14] =	ssyncset.done $0x0  }
0x2c: {  	[sflag:s14] =	ssyncadd.s32 $0xFFFFFD80  }
0x2d: {  	_ =	swait.ge [sflag:s14], $0x280  }
0x2e: {  	[sflag:s14] =	ssyncset.done $0x0  }
0x2f: {  	[sflag:s14] =	ssyncadd.s32 $0xFFFFFD80  }
0x30: {  	_ =	swait.ge [sflag:s14], $0x280  }
0x31: {  	s17 =	simm.s32 $0xC80;
	s16 =	simm.s32 $0x640;
	[sflag:s14] =	ssyncset.done $0x0  }
.LBB2_2:
0x32: {  	s18 =	sshra.s32 s16, $0x2  }
0x33: {  	[sflag:s14] =	ssyncadd.s32 $0xFFFFFD80;
	s16 =	smov.u32 s17;
	s19 =	sadd.s32 $0x640, s17  }
0x34: {  	[spmem:s2] =	stream.indirect.scatter.add.f32 [tilespmem:s10], [sflag:$0x1], $0x8, s18, s13, $0xb8;
	[tilespmem:$0x3D90] =	vst v63  }
0x35: {  	p0 =	sne.s32 s17, $0x9600;
	s17 =	sadd.s32 $0x50, s18  }
0x36: {  	[spmem:s2] =	stream.indirect.scatter.add.f32 [tilespmem:s10], [sflag:$0x1], $0x8, s17, s13, $0xb8;
	[tilespmem:$0x3D90] =	vst v63  }
0x37: {  	s17 =	sadd.s32 $0xA0, s18  }
0x38: {  	[spmem:s2] =	stream.indirect.scatter.add.f32 [tilespmem:s10], [sflag:$0x1], $0x8, s17, s13, $0xb8;
	[tilespmem:$0x3D90] =	vst v63  }
0x39: {  	s17 =	sadd.s32 $0xF0, s18  }
0x3a: {  	[spmem:s2] =	stream.indirect.scatter.add.f32 [tilespmem:s10], [sflag:$0x1], $0x8, s17, s13, $0xb8;
	[tilespmem:$0x3D90] =	vst v63  }
0x3b: {  	s17 =	sadd.s32 $0x140, s18  }
0x3c: {  	[spmem:s2] =	stream.indirect.scatter.add.f32 [tilespmem:s10], [sflag:$0x1], $0x8, s17, s13, $0xb8;
	[tilespmem:$0x3D90] =	vst v63  }
0x3d: {  	_ =	swait.ge [sflag:s14], $0x280  }
0x3e: {  	[sflag:s14] =	ssyncset.done $0x0  }
0x3f: {  	[sflag:s14] =	ssyncadd.s32 $0xFFFFFD80  }
0x40: {  	_ =	swait.ge [sflag:s14], $0x280  }
0x41: {  	[sflag:s14] =	ssyncset.done $0x0  }
0x42: {  	[sflag:s14] =	ssyncadd.s32 $0xFFFFFD80  }
0x43: {  	_ =	swait.ge [sflag:s14], $0x280  }
0x44: {  	[sflag:s14] =	ssyncset.done $0x0  }
0x45: {  	[sflag:s14] =	ssyncadd.s32 $0xFFFFFD80  }
.Ltmp0:
0x46: {  	_ =	swait.ge [sflag:s14], $0x280;
	(pc) =	sbr.rel @p0 .LBB2_2-.Ltmp0, $4  }
0x47: {  	[sflag:s14] =	ssyncset.done $0x0  }
0x48: {  	[sflag:s14] =	ssyncadd.s32 $0xFFFFFD80  }
0x49: {  	_ =	swait.ge [sflag:s14], $0x280  }
0x4a: {  	s17 =	smov.u32 s19;
	[sflag:s14] =	ssyncset.done $0x0  }
0x4b: {  	s16 =	sshra.s32 s16, $0x2;
	[sflag:s14] =	ssyncadd.s32 $0xFFFFFD80  }
0x4c: {  	[spmem:s2] =	stream.indirect.scatter.add.f32 [tilespmem:s10], [sflag:$0x1], $0x8, s16, s13, $0xb8;
	[tilespmem:$0x3D90] =	vst v63  }
0x4d: {  	s17 =	sadd.s32 $0x50, s16  }
0x4e: {  	[spmem:s2] =	stream.indirect.scatter.add.f32 [tilespmem:s10], [sflag:$0x1], $0x8, s17, s13, $0xb8;
	[tilespmem:$0x3D90] =	vst v63  }
0x4f: {  	s30 =	sadd.s32 $0xA0, s16  }
0x50: {  	[spmem:s2] =	stream.indirect.scatter.add.f32 [tilespmem:s10], [sflag:$0x1], $0x8, s30, s13, $0xb8;
	[tilespmem:$0x3D90] =	vst v63  }
0x51: {  	s31 =	sadd.s32 $0xF0, s16  }
0x52: {  	[spmem:s2] =	stream.indirect.scatter.add.f32 [tilespmem:s10], [sflag:$0x1], $0x8, s31, s13, $0xb8;
	[tilespmem:$0x3D90] =	vst v63  }
0x53: {  	s16 =	sadd.s32 $0x140, s16  }
0x54: {  	[spmem:s2] =	stream.indirect.scatter.add.f32 [tilespmem:s10], [sflag:$0x1], $0x8, s16, s13, $0xb8;
	[tilespmem:$0x3D90] =	vst v63  }
0x55: {  	_ =	swait.ge [sflag:s14], $0x280  }
0x56: {  	[sflag:s14] =	ssyncset.done $0x0  }
0x57: {  	[sflag:s14] =	ssyncadd.s32 $0xFFFFFD80  }
0x58: {  	_ =	swait.ge [sflag:s14], $0x280  }
0x59: {  	[sflag:s14] =	ssyncset.done $0x0  }
0x5a: {  	[sflag:s14] =	ssyncadd.s32 $0xFFFFFD80  }
0x5b: {  	_ =	swait.ge [sflag:s14], $0x280  }
0x5c: {  	[sflag:s14] =	ssyncset.done $0x0  }
0x5d: {  	[sflag:s14] =	ssyncadd.s32 $0xFFFFFD80  }
0x5e: {  	_ =	swait.ge [sflag:s14], $0x280  }
0x5f: {  	[sflag:s14] =	ssyncset.done $0x0  }
0x60: {  	[sflag:s14] =	ssyncadd.s32 $0xFFFFFD80  }
0x61: {  	_ =	swait.ge [sflag:s14], $0x280  }
0x62: {  	s15 =	sadd.s32 $0x1, s15;
	[sflag:s14] =	ssyncset.done $0x0  }
0x63: {  	p0 =	sne.s32 s15, s8;
	[sflag:s14] =	ssyncadd.s32 $0xFFFFFD80  }
.Ltmp1:
0x64: {  	[bflag:$0x0] =	sbarrier.arrive $0xFFFF;
	(pc) =	sbr.rel @p0 .LBB2_1-.Ltmp1, $4  }
0x65: {  	[hbm:s7], [sflag:s11] =	dma.local [spmem:s12], $0x280  }
0x66: {  	_ =	swait.ge [sflag:s9], $0x280  }
0x67: {  	[sflag:s9] =	ssyncset.done $0x0  }
0x68: {  	[sflag:s9] =	ssyncadd.s32 $0xFFFFFD80  }
0x69: {  	_ =	sfence.sel $0x180000  }
0x6a: {  	[bflag:$0x0] =	sbarrier.arrive $0xFFFF  }
0x6b: {  	p0 =	sne.s32 s0, $0x0;
	_ =	strace $0x90000047  }
0x6c: {  	s0 =	sadd.s32 @!p0 $0x100000, s1;
	[bflag:$0x2] =	sbarrier.arrive $0xFFFF  }
0x6d: {  	[sflag:s0] =	ssyncadd.tile.s32 @!p0 $0x1;
	_ =	shalt  }
.Lfunc_end2:
_tile_overlayer_lowered:
.L_overlay_start_2:
0x6e: {  	(tag) =	ssettag $0x2  }
0x6f: {  	s0 =	rddreg [dreg:$0x0];
	s2 =	stileid.u32  }
0x70: {  	s1 =	rddreg [dreg:$0x1];
	p0 =	sne.s32 s2, $0x0  }
0x71: {  	s3 =	rddreg [dreg:$0x2];
	[bflag:$0x3] =	sbarrier.arrive $0xFFFF;
	s2 =	simm.s32 @!p0 $0x1C02  }
0x72: {  	[timem:s3], [sflag:s2] =	dma.local @!p0 [hbm:s0], s1  }
0x73: {  	s0 =	simm.s32 @!p0 $0x2  }
0x74: {  	_ =	swait.ge @!p0 [sflag:s0], s1  }
0x75: {  	s1 =	ssub.s32 @!p0 $0x0, s1;
	[sflag:s0] =	ssyncset.done @!p0 $0x0  }
0x76: {  	[sflag:s0] =	ssyncadd.s32 @!p0 s1  }
0x77: {  	[bflag:$0x3] =	sbarrier.arrive $0xFFFF  }
0x78: {  	_ =	shalt  }

</sc_bundles>
